<compile_context>
chip_gen: v7x
topology: tpu7x:2x2x1
jax: 0.10.2.dev20260603
libtpu: 0.0.44.dev20260713+nightly
codegen_flags: <defaults>
</compile_context>

<pallas_src>
import jax
import jax.numpy as jnp
from jax import lax
from jax.experimental import pallas as pl
from jax.experimental.pallas import tpu as pltpu
from jax.experimental.pallas import tpu_sc as plsc

N_NODES = 10000
D_FEAT = 128
N_EDGES = 320000

NC = 2
NS = 16
NW = NC * NS
E_PER_W = N_EDGES // NW
CHUNK = 128
E_PER_W_PAD = 10240
N_CHUNKS = E_PER_W_PAD // CHUNK
BLK = 16
N_BLKS = N_CHUNKS // BLK
N_PAD = 10240
ROWS_PER_TILE = N_PAD // NS
DUMMY_ROW = N_NODES


def _sc_partials_kernel(x_hbm, src_hbm, dst_hbm, zeros_hbm, out_hbm,
                        src_idx, dblk0, dblk1, rows0, rows1, acc,
                        gsem0, gsem1, ssem0, ssem1, dsem0, dsem1):
  cid = lax.axis_index("c")
  sid = lax.axis_index("s")
  wid = sid * NC + cid
  bufs = ((rows0, gsem0, ssem0), (rows1, gsem1, ssem1))
  dblks = ((dblk0, dsem0), (dblk1, dsem1))

  def gather_start(j, buf, gsem):
    pltpu.async_copy(x_hbm.at[src_idx.at[j]], buf, gsem)

  def gather_wait(buf, gsem):
    pltpu.make_async_copy(x_hbm.at[src_idx.at[0]], buf, gsem).wait()

  def scatter_start(dref, buf, ssem):
    pltpu.async_copy(buf, acc.at[dref], ssem, add=True)

  def scatter_wait(buf, ssem):
    pltpu.make_async_copy(buf, acc.at[dblk0.at[0]], ssem).wait()

  pltpu.sync_copy(zeros_hbm, acc.at[pl.ds(sid * ROWS_PER_TILE, ROWS_PER_TILE)])
  pltpu.sync_copy(src_hbm.at[wid], src_idx)
  pltpu.sync_copy(dst_hbm.at[wid, pl.ds(0, BLK)], dblk0)
  plsc.subcore_barrier()

  gather_start(0, rows0, gsem0)
  for k in range(N_BLKS):
    dbuf, dsem = dblks[k % 2]
    if k + 1 < N_BLKS:
      nbuf, nsem = dblks[(k + 1) % 2]
      pltpu.async_copy(dst_hbm.at[wid, pl.ds((k + 1) * BLK, BLK)], nbuf, nsem)
    if k > 0:
      pltpu.make_async_copy(dst_hbm.at[wid, pl.ds(0, BLK)], dbuf, dsem).wait()

    def pair_step(j2, carry, k=k, dbuf=dbuf):
      base = k * BLK + 2 * j2
      for b, (buf, gsem, ssem) in enumerate(bufs):
        nbuf_, ngsem, _ = bufs[1 - b]
        gather_wait(buf, gsem)
        scatter_start(dbuf.at[2 * j2 + b], buf, ssem)

        @pl.when(base + b + 1 < N_CHUNKS)
        def _next(nbuf_=nbuf_, ngsem=ngsem):
          gather_start(base + b + 1, nbuf_, ngsem)

        scatter_wait(buf, ssem)
      return carry

    lax.fori_loop(0, BLK // 2, pair_step, 0)

  plsc.subcore_barrier()
  pltpu.sync_copy(acc.at[pl.ds(sid * ROWS_PER_TILE, ROWS_PER_TILE)],
                  out_hbm.at[cid, pl.ds(sid * ROWS_PER_TILE, ROWS_PER_TILE)])


def _combine_kernel(eps_ref, x_ref, p_ref, o_ref):
  scale = 1.0 + eps_ref[0]
  o_ref[...] = x_ref[...] * scale + p_ref[0] + p_ref[1]


@jax.jit
def kernel(x, edge_index, eps):
  n_pad_edges = E_PER_W_PAD - E_PER_W
  src = edge_index[0].astype(jnp.int32).reshape(NW, E_PER_W)
  dst = edge_index[1].astype(jnp.int32).reshape(NW, E_PER_W)
  pad_src = jnp.arange(n_pad_edges, dtype=jnp.int32) * 37 % N_NODES
  src = jnp.concatenate(
      [src, jnp.broadcast_to(pad_src, (NW, n_pad_edges))], axis=1)
  pad_dst = DUMMY_ROW + jnp.arange(n_pad_edges, dtype=jnp.int32) % (N_PAD - N_NODES)
  dst = jnp.concatenate(
      [dst, jnp.broadcast_to(pad_dst, (NW, n_pad_edges))], axis=1)
  src = src.reshape(NW, N_CHUNKS, CHUNK)
  dst = dst.reshape(NW, N_CHUNKS, CHUNK)
  zeros = jnp.zeros((ROWS_PER_TILE, D_FEAT), dtype=jnp.float32)

  mesh = plsc.VectorSubcoreMesh(core_axis_name="c", subcore_axis_name="s")
  partials = pl.kernel(
      _sc_partials_kernel,
      out_type=jax.ShapeDtypeStruct((NC, N_PAD, D_FEAT), jnp.float32),
      mesh=mesh,
      scratch_types=[
          pltpu.VMEM((N_CHUNKS, CHUNK), jnp.int32),
          pltpu.VMEM((BLK, CHUNK), jnp.int32),
          pltpu.VMEM((BLK, CHUNK), jnp.int32),
          pltpu.VMEM((CHUNK, D_FEAT), jnp.float32),
          pltpu.VMEM((CHUNK, D_FEAT), jnp.float32),
          pltpu.VMEM_SHARED((N_PAD, D_FEAT), jnp.float32),
          pltpu.SemaphoreType.DMA,
          pltpu.SemaphoreType.DMA,
          pltpu.SemaphoreType.DMA,
          pltpu.SemaphoreType.DMA,
          pltpu.SemaphoreType.DMA,
          pltpu.SemaphoreType.DMA,
      ],
  )(x, src, dst, zeros)

  rows_blk = 1000
  grid = N_NODES // rows_blk
  out = pl.pallas_call(
      _combine_kernel,
      out_shape=jax.ShapeDtypeStruct((N_NODES, D_FEAT), jnp.float32),
      grid=(grid,),
      in_specs=[
          pl.BlockSpec(memory_space=pltpu.SMEM),
          pl.BlockSpec((rows_blk, D_FEAT), lambda i: (i, 0)),
          pl.BlockSpec((NC, rows_blk, D_FEAT), lambda i: (0, i, 0)),
      ],
      out_specs=pl.BlockSpec((rows_blk, D_FEAT), lambda i: (i, 0)),
  )(eps, x, partials)
  return out

# --- scband reference (transcript-rebuilt; emitter-appended) ---
"""Pipeline reference for scband-egl-ginconv-70978629534133 (READ-ONLY COPY).

The authoritative reference and input builder live on the scoring server;
editing this copy changes nothing except your own understanding.
"""

import jax, jax.numpy as jnp
import numpy as np

N_NODES = 10000
N_EDGES = 320000
D_FEAT = 128

def setup_inputs(seed: int = 0) -> dict:
    key = jax.random.key(seed)
    k1, k2 = jax.random.split(key)
    x = jax.random.normal(k1, (N_NODES, D_FEAT), dtype=jnp.float32)
    edge_index = jax.random.randint(k2, (2, N_EDGES), 0, N_NODES, dtype=jnp.int64)
    eps = jnp.zeros((1,), dtype=jnp.float32)
    return {"x": x, "edge_index": edge_index, "eps": eps}

def reference(x, edge_index, eps):
    # GIN conv with aggregator_type='sum', apply_func=None.
    # message: gather source-node features along edges
    src = edge_index[0]
    dst = edge_index[1]
    msgs = jnp.take(x, src, axis=0)                       # gather [E, D]
    agg = jax.ops.segment_sum(msgs, dst, num_segments=x.shape[0])  # scatter-add
    # rst = fdst + eps * fdst + sum-aggregated neighbor feats
    rst = x + eps * x + agg
    return rst

if __name__ == "__main__":
    import jax
    _d = setup_inputs()
    print(jax.jit(kernel)(*tuple(_d.values())))

</pallas_src>

<mosaic_0001>
#map = affine_map<(d0, d1) -> (0, 0)>
#map1 = affine_map<(d0, d1) -> (0, 0, 0)>
module attributes {stable_mosaic.version = 14 : i64} {
  func.func @_sc_partials_kernel(%arg0: i32, %arg1: i32, %arg2: memref<10000x128xf32, #tpu.memory_space<hbm>>, %arg3: memref<32x80x128xi32, #tpu.memory_space<hbm>>, %arg4: memref<32x80x128xi32, #tpu.memory_space<hbm>>, %arg5: memref<640x128xf32, #tpu.memory_space<hbm>>, %arg6: memref<2x10240x128xf32, #tpu.memory_space<hbm>>, %arg7: memref<80x128xi32, #tpu.memory_space<vmem>>, %arg8: memref<16x128xi32, #tpu.memory_space<vmem>>, %arg9: memref<16x128xi32, #tpu.memory_space<vmem>>, %arg10: memref<128x128xf32, #tpu.memory_space<vmem>>, %arg11: memref<128x128xf32, #tpu.memory_space<vmem>>, %arg12: memref<10240x128xf32, #tpu.memory_space<vmem_shared>>, %arg13: memref<!tpu.dma_semaphore, #tpu.memory_space<semaphore_mem>>, %arg14: memref<!tpu.dma_semaphore, #tpu.memory_space<semaphore_mem>>, %arg15: memref<!tpu.dma_semaphore, #tpu.memory_space<semaphore_mem>>, %arg16: memref<!tpu.dma_semaphore, #tpu.memory_space<semaphore_mem>>, %arg17: memref<!tpu.dma_semaphore, #tpu.memory_space<semaphore_mem>>, %arg18: memref<!tpu.dma_semaphore, #tpu.memory_space<semaphore_mem>>) attributes {dimension_semantics = [#tpu.dimension_semantics<core_parallel>, #tpu.dimension_semantics<subcore_parallel>], iteration_bounds = array<i64: 2, 16>, scalar_prefetch = 0 : i64, scratch_operands = 12 : i64, tpu.core_type = #tpu.core_type<sc_vector_subcore>, window_params = [{transform_indices = #map}, {transform_indices = #map1}, {transform_indices = #map1}, {transform_indices = #map}, {transform_indices = #map1}]} {
    %mul3A = arith.constant 2 : i32
    %mul3A_0 = arith.muli %arg1, %mul3A : i32
    %add3A = arith.addi %mul3A_0, %arg0 : i32
    %mul3A_1 = arith.constant 640 : i32
    %mul3A_2 = arith.muli %arg1, %mul3A_1 : i32
    "tpu.region"() ({
      %run_scoped3A = tpu.sem_alloc : memref<!tpu.dma_semaphore, #tpu.memory_space<semaphore_mem>>
      %dma_start3A_106 = arith.constant 0 : i32
      %dma_start3A_107 = tpu.memref_slice %arg12[%mul3A_2, %dma_start3A_106] : memref<10240x128xf32, #tpu.memory_space<vmem_shared>> -> memref<640x128xf32, #tpu.memory_space<vmem_shared>>
      tpu.enqueue_dma source(%arg5 : memref<640x128xf32, #tpu.memory_space<hbm>>) target(%dma_start3A_107 : memref<640x128xf32, #tpu.memory_space<vmem_shared>>) target_semaphore(%run_scoped3A : memref<!tpu.dma_semaphore, #tpu.memory_space<semaphore_mem>>)
      %dma_wait3A_108 = arith.constant 0 : i32
      %dma_wait3A_109 = tpu.memref_slice %arg12[%mul3A_2, %dma_wait3A_108] : memref<10240x128xf32, #tpu.memory_space<vmem_shared>> -> memref<640x128xf32, #tpu.memory_space<vmem_shared>>
      tpu.wait_dma2 semaphore(%run_scoped3A : memref<!tpu.dma_semaphore, #tpu.memory_space<semaphore_mem>>) src(%arg5 : memref<640x128xf32, #tpu.memory_space<hbm>>) dst(%dma_wait3A_109 : memref<640x128xf32, #tpu.memory_space<vmem_shared>>)
      tpu.yield
    }) : () -> ()
    "tpu.region"() ({
      %run_scoped3A = tpu.sem_alloc : memref<!tpu.dma_semaphore, #tpu.memory_space<semaphore_mem>>
      %dma_start3A_106 = arith.constant 0 : i32
      %dma_start3A_107 = arith.constant 0 : i32
      %dma_start3A_108 = tpu.memref_slice %arg3[%add3A, %dma_start3A_106, %dma_start3A_107] : memref<32x80x128xi32, #tpu.memory_space<hbm>> -> memref<1x80x128xi32, #tpu.memory_space<hbm>>
      %dma_start3A_109 = tpu.memref_squeeze %dma_start3A_108 : memref<1x80x128xi32, #tpu.memory_space<hbm>> -> memref<80x128xi32, #tpu.memory_space<hbm>>
      %dma_start3A_110 = arith.constant 0 : i32
      %dma_start3A_111 = arith.constant 0 : i32
      %dma_start3A_112 = tpu.memref_slice %arg3[%add3A, %dma_start3A_110, %dma_start3A_111] : memref<32x80x128xi32, #tpu.memory_space<hbm>> -> memref<1x80x128xi32, #tpu.memory_space<hbm>>
      %dma_start3A_113 = tpu.memref_squeeze %dma_start3A_112 : memref<1x80x128xi32, #tpu.memory_space<hbm>> -> memref<80x128xi32, #tpu.memory_space<hbm>>
      tpu.enqueue_dma source(%dma_start3A_113 : memref<80x128xi32, #tpu.memory_space<hbm>>) target(%arg7 : memref<80x128xi32, #tpu.memory_space<vmem>>) target_semaphore(%run_scoped3A : memref<!tpu.dma_semaphore, #tpu.memory_space<semaphore_mem>>)
      %dma_wait3A_114 = arith.constant 0 : i32
      %dma_wait3A_115 = arith.constant 0 : i32
      %dma_wait3A_116 = tpu.memref_slice %arg3[%add3A, %dma_wait3A_114, %dma_wait3A_115] : memref<32x80x128xi32, #tpu.memory_space<hbm>> -> memref<1x80x128xi32, #tpu.memory_space<hbm>>
      %dma_wait3A_117 = tpu.memref_squeeze %dma_wait3A_116 : memref<1x80x128xi32, #tpu.memory_space<hbm>> -> memref<80x128xi32, #tpu.memory_space<hbm>>
      %dma_wait3A_118 = arith.constant 0 : i32
      %dma_wait3A_119 = arith.constant 0 : i32
      %dma_wait3A_120 = tpu.memref_slice %arg3[%add3A, %dma_wait3A_118, %dma_wait3A_119] : memref<32x80x128xi32, #tpu.memory_space<hbm>> -> memref<1x80x128xi32, #tpu.memory_space<hbm>>
      %dma_wait3A_121 = tpu.memref_squeeze %dma_wait3A_120 : memref<1x80x128xi32, #tpu.memory_space<hbm>> -> memref<80x128xi32, #tpu.memory_space<hbm>>
      tpu.wait_dma2 semaphore(%run_scoped3A : memref<!tpu.dma_semaphore, #tpu.memory_space<semaphore_mem>>) src(%dma_wait3A_121 : memref<80x128xi32, #tpu.memory_space<hbm>>) dst(%arg7 : memref<80x128xi32, #tpu.memory_space<vmem>>)
      tpu.yield
    }) : () -> ()
    "tpu.region"() ({
      %run_scoped3A = tpu.sem_alloc : memref<!tpu.dma_semaphore, #tpu.memory_space<semaphore_mem>>
      %dma_start3A_106 = arith.constant 0 : i32
      %dma_start3A_107 = arith.constant 0 : i32
      %dma_start3A_108 = tpu.memref_slice %arg4[%add3A, %dma_start3A_106, %dma_start3A_107] : memref<32x80x128xi32, #tpu.memory_space<hbm>> -> memref<1x16x128xi32, #tpu.memory_space<hbm>>
      %dma_start3A_109 = tpu.memref_squeeze %dma_start3A_108 : memref<1x16x128xi32, #tpu.memory_space<hbm>> -> memref<16x128xi32, #tpu.memory_space<hbm>>
      %dma_start3A_110 = arith.constant 0 : i32
      %dma_start3A_111 = arith.constant 0 : i32
      %dma_start3A_112 = tpu.memref_slice %arg4[%add3A, %dma_start3A_110, %dma_start3A_111] : memref<32x80x128xi32, #tpu.memory_space<hbm>> -> memref<1x16x128xi32, #tpu.memory_space<hbm>>
      %dma_start3A_113 = tpu.memref_squeeze %dma_start3A_112 : memref<1x16x128xi32, #tpu.memory_space<hbm>> -> memref<16x128xi32, #tpu.memory_space<hbm>>
      tpu.enqueue_dma source(%dma_start3A_113 : memref<16x128xi32, #tpu.memory_space<hbm>>) target(%arg8 : memref<16x128xi32, #tpu.memory_space<vmem>>) target_semaphore(%run_scoped3A : memref<!tpu.dma_semaphore, #tpu.memory_space<semaphore_mem>>)
      %dma_wait3A_114 = arith.constant 0 : i32
      %dma_wait3A_115 = arith.constant 0 : i32
      %dma_wait3A_116 = tpu.memref_slice %arg4[%add3A, %dma_wait3A_114, %dma_wait3A_115] : memref<32x80x128xi32, #tpu.memory_space<hbm>> -> memref<1x16x128xi32, #tpu.memory_space<hbm>>
      %dma_wait3A_117 = tpu.memref_squeeze %dma_wait3A_116 : memref<1x16x128xi32, #tpu.memory_space<hbm>> -> memref<16x128xi32, #tpu.memory_space<hbm>>
      %dma_wait3A_118 = arith.constant 0 : i32
      %dma_wait3A_119 = arith.constant 0 : i32
      %dma_wait3A_120 = tpu.memref_slice %arg4[%add3A, %dma_wait3A_118, %dma_wait3A_119] : memref<32x80x128xi32, #tpu.memory_space<hbm>> -> memref<1x16x128xi32, #tpu.memory_space<hbm>>
      %dma_wait3A_121 = tpu.memref_squeeze %dma_wait3A_120 : memref<1x16x128xi32, #tpu.memory_space<hbm>> -> memref<16x128xi32, #tpu.memory_space<hbm>>
      tpu.wait_dma2 semaphore(%run_scoped3A : memref<!tpu.dma_semaphore, #tpu.memory_space<semaphore_mem>>) src(%dma_wait3A_121 : memref<16x128xi32, #tpu.memory_space<hbm>>) dst(%arg8 : memref<16x128xi32, #tpu.memory_space<vmem>>)
      tpu.yield
    }) : () -> ()
    %barrier3A = arith.constant 0 : index
    tpu.barrier barrier_id(%barrier3A)
    %dma_start3A = arith.constant 0 : i32
    %dma_start3A_3 = arith.constant 0 : i32
    %dma_start3A_4 = tpu.memref_slice %arg7[%dma_start3A, %dma_start3A_3] : memref<80x128xi32, #tpu.memory_space<vmem>> -> memref<1x128xi32, #tpu.memory_space<vmem>>
    %dma_start3A_5 = tpu.memref_squeeze %dma_start3A_4 : memref<1x128xi32, #tpu.memory_space<vmem>> -> memref<128xi32, #tpu.memory_space<vmem>>
    %dma_start3A_6 = arith.constant 0 : i32
    %dma_start3A_7 = arith.constant 0 : i32
    %dma_start3A_8 = tpu.memref_slice %arg2[%dma_start3A_6, %dma_start3A_7] : memref<10000x128xf32, #tpu.memory_space<hbm>> -> memref<10000x128xf32, #tpu.memory_space<hbm>>
    tpu.enqueue_indirect_dma source(%dma_start3A_8 : memref<10000x128xf32, #tpu.memory_space<hbm>>) target(%arg10 : memref<128x128xf32, #tpu.memory_space<vmem>>) offsets(%dma_start3A_5 : memref<128xi32, #tpu.memory_space<vmem>>) semaphore(%arg13 : memref<!tpu.dma_semaphore, #tpu.memory_space<semaphore_mem>>)
    %dma_start3A_9 = arith.constant 16 : i32
    %dma_start3A_10 = arith.constant 0 : i32
    %dma_start3A_11 = tpu.memref_slice %arg4[%add3A, %dma_start3A_9, %dma_start3A_10] : memref<32x80x128xi32, #tpu.memory_space<hbm>> -> memref<1x16x128xi32, #tpu.memory_space<hbm>>
    %dma_start3A_12 = tpu.memref_squeeze %dma_start3A_11 : memref<1x16x128xi32, #tpu.memory_space<hbm>> -> memref<16x128xi32, #tpu.memory_space<hbm>>
    %dma_start3A_13 = arith.constant 16 : i32
    %dma_start3A_14 = arith.constant 0 : i32
    %dma_start3A_15 = tpu.memref_slice %arg4[%add3A, %dma_start3A_13, %dma_start3A_14] : memref<32x80x128xi32, #tpu.memory_space<hbm>> -> memref<1x16x128xi32, #tpu.memory_space<hbm>>
    %dma_start3A_16 = tpu.memref_squeeze %dma_start3A_15 : memref<1x16x128xi32, #tpu.memory_space<hbm>> -> memref<16x128xi32, #tpu.memory_space<hbm>>
    tpu.enqueue_dma source(%dma_start3A_16 : memref<16x128xi32, #tpu.memory_space<hbm>>) target(%arg9 : memref<16x128xi32, #tpu.memory_space<vmem>>) target_semaphore(%arg18 : memref<!tpu.dma_semaphore, #tpu.memory_space<semaphore_mem>>)
    %scan3A = arith.constant 0 : i32
    %scan3A_17 = arith.constant 0 : i32
    %scan3A_18 = arith.constant 8 : i32
    %scan3A_19 = arith.addi %scan3A_17, %scan3A_18 : i32
    %scan3A_20 = arith.constant 1 : i32
    scf.for %scan3A_106 = %scan3A_17 to %scan3A_19 step %scan3A_20  : i32 {
      %mul3A_107 = arith.constant 2 : i32
      %mul3A_108 = arith.muli %mul3A_107, %scan3A_106 : i32
      %add3A_109 = arith.constant 0 : i32
      %add3A_110 = arith.addi %add3A_109, %mul3A_108 : i32
      %dma_wait3A_111 = arith.constant 0 : i32
      %dma_wait3A_112 = arith.constant 0 : i32
      %dma_wait3A_113 = tpu.memref_slice %arg7[%dma_wait3A_111, %dma_wait3A_112] : memref<80x128xi32, #tpu.memory_space<vmem>> -> memref<1x128xi32, #tpu.memory_space<vmem>>
      %dma_wait3A_114 = tpu.memref_squeeze %dma_wait3A_113 : memref<1x128xi32, #tpu.memory_space<vmem>> -> memref<128xi32, #tpu.memory_space<vmem>>
      %dma_wait3A_115 = arith.constant 0 : i32
      %dma_wait3A_116 = arith.constant 0 : i32
      %dma_wait3A_117 = tpu.memref_slice %arg2[%dma_wait3A_115, %dma_wait3A_116] : memref<10000x128xf32, #tpu.memory_space<hbm>> -> memref<10000x128xf32, #tpu.memory_space<hbm>>
      tpu.wait_indirect_dma semaphore(%arg13 : memref<!tpu.dma_semaphore, #tpu.memory_space<semaphore_mem>>) src(%dma_wait3A_117 : memref<10000x128xf32, #tpu.memory_space<hbm>>) dst(%arg10 : memref<128x128xf32, #tpu.memory_space<vmem>>)
      %mul3A_118 = arith.constant 2 : i32
      %mul3A_119 = arith.muli %mul3A_118, %scan3A_106 : i32
      %add3A_120 = arith.constant 0 : i32
      %add3A_121 = arith.addi %mul3A_119, %add3A_120 : i32
      %dma_start3A_122 = arith.constant 0 : i32
      %dma_start3A_123 = tpu.memref_slice %arg8[%add3A_121, %dma_start3A_122] : memref<16x128xi32, #tpu.memory_space<vmem>> -> memref<1x128xi32, #tpu.memory_space<vmem>>
      %dma_start3A_124 = tpu.memref_squeeze %dma_start3A_123 : memref<1x128xi32, #tpu.memory_space<vmem>> -> memref<128xi32, #tpu.memory_space<vmem>>
      %dma_start3A_125 = arith.constant 0 : i32
      %dma_start3A_126 = arith.constant 0 : i32
      %dma_start3A_127 = tpu.memref_slice %arg12[%dma_start3A_125, %dma_start3A_126] : memref<10240x128xf32, #tpu.memory_space<vmem_shared>> -> memref<10240x128xf32, #tpu.memory_space<vmem_shared>>
      tpu.enqueue_indirect_dma source(%arg10 : memref<128x128xf32, #tpu.memory_space<vmem>>) target(%dma_start3A_127 : memref<10240x128xf32, #tpu.memory_space<vmem_shared>>) offsets(%dma_start3A_124 : memref<128xi32, #tpu.memory_space<vmem>>) semaphore(%arg15 : memref<!tpu.dma_semaphore, #tpu.memory_space<semaphore_mem>>) {add = true}
      %add3A_128 = arith.constant 0 : i32
      %add3A_129 = arith.addi %add3A_110, %add3A_128 : i32
      %add3A_130 = arith.constant 1 : i32
      %add3A_131 = arith.addi %add3A_129, %add3A_130 : i32
      %lt3A = arith.constant 80 : i32
      %lt3A_132 = arith.cmpi slt, %add3A_131, %lt3A : i32
      %convert_element_type3A = arith.extui %lt3A_132 : i1 to i32
      %cond3A = arith.constant 0 : i32
      %cond3A_133 = arith.cmpi ne, %convert_element_type3A, %cond3A : i32
      scf.if %cond3A_133 {
        %add3A_174 = arith.constant 0 : i32
        %add3A_175 = arith.addi %add3A_110, %add3A_174 : i32
        %add3A_176 = arith.constant 1 : i32
        %add3A_177 = arith.addi %add3A_175, %add3A_176 : i32
        %dma_start3A_178 = arith.constant 0 : i32
        %dma_start3A_179 = tpu.memref_slice %arg7[%add3A_177, %dma_start3A_178] : memref<80x128xi32, #tpu.memory_space<vmem>> -> memref<1x128xi32, #tpu.memory_space<vmem>>
        %dma_start3A_180 = tpu.memref_squeeze %dma_start3A_179 : memref<1x128xi32, #tpu.memory_space<vmem>> -> memref<128xi32, #tpu.memory_space<vmem>>
        %dma_start3A_181 = arith.constant 0 : i32
        %dma_start3A_182 = arith.constant 0 : i32
        %dma_start3A_183 = tpu.memref_slice %arg2[%dma_start3A_181, %dma_start3A_182] : memref<10000x128xf32, #tpu.memory_space<hbm>> -> memref<10000x128xf32, #tpu.memory_space<hbm>>
        tpu.enqueue_indirect_dma source(%dma_start3A_183 : memref<10000x128xf32, #tpu.memory_space<hbm>>) target(%arg11 : memref<128x128xf32, #tpu.memory_space<vmem>>) offsets(%dma_start3A_180 : memref<128xi32, #tpu.memory_space<vmem>>) semaphore(%arg14 : memref<!tpu.dma_semaphore, #tpu.memory_space<semaphore_mem>>)
      } else {
      }
      %dma_wait3A_134 = arith.constant 0 : i32
      %dma_wait3A_135 = arith.constant 0 : i32
      %dma_wait3A_136 = tpu.memref_slice %arg8[%dma_wait3A_134, %dma_wait3A_135] : memref<16x128xi32, #tpu.memory_space<vmem>> -> memref<1x128xi32, #tpu.memory_space<vmem>>
      %dma_wait3A_137 = tpu.memref_squeeze %dma_wait3A_136 : memref<1x128xi32, #tpu.memory_space<vmem>> -> memref<128xi32, #tpu.memory_space<vmem>>
      %dma_wait3A_138 = arith.constant 0 : i32
      %dma_wait3A_139 = arith.constant 0 : i32
      %dma_wait3A_140 = tpu.memref_slice %arg12[%dma_wait3A_138, %dma_wait3A_139] : memref<10240x128xf32, #tpu.memory_space<vmem_shared>> -> memref<10240x128xf32, #tpu.memory_space<vmem_shared>>
      tpu.wait_indirect_dma semaphore(%arg15 : memref<!tpu.dma_semaphore, #tpu.memory_space<semaphore_mem>>) src(%arg10 : memref<128x128xf32, #tpu.memory_space<vmem>>) dst(%dma_wait3A_140 : memref<10240x128xf32, #tpu.memory_space<vmem_shared>>)
      %dma_wait3A_141 = arith.constant 0 : i32
      %dma_wait3A_142 = arith.constant 0 : i32
      %dma_wait3A_143 = tpu.memref_slice %arg7[%dma_wait3A_141, %dma_wait3A_142] : memref<80x128xi32, #tpu.memory_space<vmem>> -> memref<1x128xi32, #tpu.memory_space<vmem>>
      %dma_wait3A_144 = tpu.memref_squeeze %dma_wait3A_143 : memref<1x128xi32, #tpu.memory_space<vmem>> -> memref<128xi32, #tpu.memory_space<vmem>>
      %dma_wait3A_145 = arith.constant 0 : i32
      %dma_wait3A_146 = arith.constant 0 : i32
      %dma_wait3A_147 = tpu.memref_slice %arg2[%dma_wait3A_145, %dma_wait3A_146] : memref<10000x128xf32, #tpu.memory_space<hbm>> -> memref<10000x128xf32, #tpu.memory_space<hbm>>
      tpu.wait_indirect_dma semaphore(%arg14 : memref<!tpu.dma_semaphore, #tpu.memory_space<semaphore_mem>>) src(%dma_wait3A_147 : memref<10000x128xf32, #tpu.memory_space<hbm>>) dst(%arg11 : memref<128x128xf32, #tpu.memory_space<vmem>>)
      %mul3A_148 = arith.constant 2 : i32
      %mul3A_149 = arith.muli %mul3A_148, %scan3A_106 : i32
      %add3A_150 = arith.constant 1 : i32
      %add3A_151 = arith.addi %mul3A_149, %add3A_150 : i32
      %dma_start3A_152 = arith.constant 0 : i32
      %dma_start3A_153 = tpu.memref_slice %arg8[%add3A_151, %dma_start3A_152] : memref<16x128xi32, #tpu.memory_space<vmem>> -> memref<1x128xi32, #tpu.memory_space<vmem>>
      %dma_start3A_154 = tpu.memref_squeeze %dma_start3A_153 : memref<1x128xi32, #tpu.memory_space<vmem>> -> memref<128xi32, #tpu.memory_space<vmem>>
      %dma_start3A_155 = arith.constant 0 : i32
      %dma_start3A_156 = arith.constant 0 : i32
      %dma_start3A_157 = tpu.memref_slice %arg12[%dma_start3A_155, %dma_start3A_156] : memref<10240x128xf32, #tpu.memory_space<vmem_shared>> -> memref<10240x128xf32, #tpu.memory_space<vmem_shared>>
      tpu.enqueue_indirect_dma source(%arg11 : memref<128x128xf32, #tpu.memory_space<vmem>>) target(%dma_start3A_157 : memref<10240x128xf32, #tpu.memory_space<vmem_shared>>) offsets(%dma_start3A_154 : memref<128xi32, #tpu.memory_space<vmem>>) semaphore(%arg16 : memref<!tpu.dma_semaphore, #tpu.memory_space<semaphore_mem>>) {add = true}
      %add3A_158 = arith.constant 1 : i32
      %add3A_159 = arith.addi %add3A_110, %add3A_158 : i32
      %add3A_160 = arith.constant 1 : i32
      %add3A_161 = arith.addi %add3A_159, %add3A_160 : i32
      %lt3A_162 = arith.constant 80 : i32
      %lt3A_163 = arith.cmpi slt, %add3A_161, %lt3A_162 : i32
      %convert_element_type3A_164 = arith.extui %lt3A_163 : i1 to i32
      %cond3A_165 = arith.constant 0 : i32
      %cond3A_166 = arith.cmpi ne, %convert_element_type3A_164, %cond3A_165 : i32
      scf.if %cond3A_166 {
        %add3A_174 = arith.constant 1 : i32
        %add3A_175 = arith.addi %add3A_110, %add3A_174 : i32
        %add3A_176 = arith.constant 1 : i32
        %add3A_177 = arith.addi %add3A_175, %add3A_176 : i32
        %dma_start3A_178 = arith.constant 0 : i32
        %dma_start3A_179 = tpu.memref_slice %arg7[%add3A_177, %dma_start3A_178] : memref<80x128xi32, #tpu.memory_space<vmem>> -> memref<1x128xi32, #tpu.memory_space<vmem>>
        %dma_start3A_180 = tpu.memref_squeeze %dma_start3A_179 : memref<1x128xi32, #tpu.memory_space<vmem>> -> memref<128xi32, #tpu.memory_space<vmem>>
        %dma_start3A_181 = arith.constant 0 : i32
        %dma_start3A_182 = arith.constant 0 : i32
        %dma_start3A_183 = tpu.memref_slice %arg2[%dma_start3A_181, %dma_start3A_182] : memref<10000x128xf32, #tpu.memory_space<hbm>> -> memref<10000x128xf32, #tpu.memory_space<hbm>>
        tpu.enqueue_indirect_dma source(%dma_start3A_183 : memref<10000x128xf32, #tpu.memory_space<hbm>>) target(%arg10 : memref<128x128xf32, #tpu.memory_space<vmem>>) offsets(%dma_start3A_180 : memref<128xi32, #tpu.memory_space<vmem>>) semaphore(%arg13 : memref<!tpu.dma_semaphore, #tpu.memory_space<semaphore_mem>>)
      } else {
      }
      %dma_wait3A_167 = arith.constant 0 : i32
      %dma_wait3A_168 = arith.constant 0 : i32
      %dma_wait3A_169 = tpu.memref_slice %arg8[%dma_wait3A_167, %dma_wait3A_168] : memref<16x128xi32, #tpu.memory_space<vmem>> -> memref<1x128xi32, #tpu.memory_space<vmem>>
      %dma_wait3A_170 = tpu.memref_squeeze %dma_wait3A_169 : memref<1x128xi32, #tpu.memory_space<vmem>> -> memref<128xi32, #tpu.memory_space<vmem>>
      %dma_wait3A_171 = arith.constant 0 : i32
      %dma_wait3A_172 = arith.constant 0 : i32
      %dma_wait3A_173 = tpu.memref_slice %arg12[%dma_wait3A_171, %dma_wait3A_172] : memref<10240x128xf32, #tpu.memory_space<vmem_shared>> -> memref<10240x128xf32, #tpu.memory_space<vmem_shared>>
      tpu.wait_indirect_dma semaphore(%arg16 : memref<!tpu.dma_semaphore, #tpu.memory_space<semaphore_mem>>) src(%arg11 : memref<128x128xf32, #tpu.memory_space<vmem>>) dst(%dma_wait3A_173 : memref<10240x128xf32, #tpu.memory_space<vmem_shared>>)
    }
    %scan3A_21 = arith.constant 8 : i32
    %dma_start3A_22 = arith.constant 32 : i32
    %dma_start3A_23 = arith.constant 0 : i32
    %dma_start3A_24 = tpu.memref_slice %arg4[%add3A, %dma_start3A_22, %dma_start3A_23] : memref<32x80x128xi32, #tpu.memory_space<hbm>> -> memref<1x16x128xi32, #tpu.memory_space<hbm>>
    %dma_start3A_25 = tpu.memref_squeeze %dma_start3A_24 : memref<1x16x128xi32, #tpu.memory_space<hbm>> -> memref<16x128xi32, #tpu.memory_space<hbm>>
    %dma_start3A_26 = arith.constant 32 : i32
    %dma_start3A_27 = arith.constant 0 : i32
    %dma_start3A_28 = tpu.memref_slice %arg4[%add3A, %dma_start3A_26, %dma_start3A_27] : memref<32x80x128xi32, #tpu.memory_space<hbm>> -> memref<1x16x128xi32, #tpu.memory_space<hbm>>
    %dma_start3A_29 = tpu.memref_squeeze %dma_start3A_28 : memref<1x16x128xi32, #tpu.memory_space<hbm>> -> memref<16x128xi32, #tpu.memory_space<hbm>>
    tpu.enqueue_dma source(%dma_start3A_29 : memref<16x128xi32, #tpu.memory_space<hbm>>) target(%arg8 : memref<16x128xi32, #tpu.memory_space<vmem>>) target_semaphore(%arg17 : memref<!tpu.dma_semaphore, #tpu.memory_space<semaphore_mem>>)
    %dma_wait3A = arith.constant 0 : i32
    %dma_wait3A_30 = arith.constant 0 : i32
    %dma_wait3A_31 = tpu.memref_slice %arg4[%add3A, %dma_wait3A, %dma_wait3A_30] : memref<32x80x128xi32, #tpu.memory_space<hbm>> -> memref<1x16x128xi32, #tpu.memory_space<hbm>>
    %dma_wait3A_32 = tpu.memref_squeeze %dma_wait3A_31 : memref<1x16x128xi32, #tpu.memory_space<hbm>> -> memref<16x128xi32, #tpu.memory_space<hbm>>
    %dma_wait3A_33 = arith.constant 0 : i32
    %dma_wait3A_34 = arith.constant 0 : i32
    %dma_wait3A_35 = tpu.memref_slice %arg4[%add3A, %dma_wait3A_33, %dma_wait3A_34] : memref<32x80x128xi32, #tpu.memory_space<hbm>> -> memref<1x16x128xi32, #tpu.memory_space<hbm>>
    %dma_wait3A_36 = tpu.memref_squeeze %dma_wait3A_35 : memref<1x16x128xi32, #tpu.memory_space<hbm>> -> memref<16x128xi32, #tpu.memory_space<hbm>>
    tpu.wait_dma2 semaphore(%arg18 : memref<!tpu.dma_semaphore, #tpu.memory_space<semaphore_mem>>) src(%dma_wait3A_36 : memref<16x128xi32, #tpu.memory_space<hbm>>) dst(%arg9 : memref<16x128xi32, #tpu.memory_space<vmem>>)
    %scan3A_37 = arith.constant 0 : i32
    %scan3A_38 = arith.constant 0 : i32
    %scan3A_39 = arith.constant 8 : i32
    %scan3A_40 = arith.addi %scan3A_38, %scan3A_39 : i32
    %scan3A_41 = arith.constant 1 : i32
    scf.for %scan3A_106 = %scan3A_38 to %scan3A_40 step %scan3A_41  : i32 {
      %mul3A_107 = arith.constant 2 : i32
      %mul3A_108 = arith.muli %mul3A_107, %scan3A_106 : i32
      %add3A_109 = arith.constant 16 : i32
      %add3A_110 = arith.addi %add3A_109, %mul3A_108 : i32
      %dma_wait3A_111 = arith.constant 0 : i32
      %dma_wait3A_112 = arith.constant 0 : i32
      %dma_wait3A_113 = tpu.memref_slice %arg7[%dma_wait3A_111, %dma_wait3A_112] : memref<80x128xi32, #tpu.memory_space<vmem>> -> memref<1x128xi32, #tpu.memory_space<vmem>>
      %dma_wait3A_114 = tpu.memref_squeeze %dma_wait3A_113 : memref<1x128xi32, #tpu.memory_space<vmem>> -> memref<128xi32, #tpu.memory_space<vmem>>
      %dma_wait3A_115 = arith.constant 0 : i32
      %dma_wait3A_116 = arith.constant 0 : i32
      %dma_wait3A_117 = tpu.memref_slice %arg2[%dma_wait3A_115, %dma_wait3A_116] : memref<10000x128xf32, #tpu.memory_space<hbm>> -> memref<10000x128xf32, #tpu.memory_space<hbm>>
      tpu.wait_indirect_dma semaphore(%arg13 : memref<!tpu.dma_semaphore, #tpu.memory_space<semaphore_mem>>) src(%dma_wait3A_117 : memref<10000x128xf32, #tpu.memory_space<hbm>>) dst(%arg10 : memref<128x128xf32, #tpu.memory_space<vmem>>)
      %mul3A_118 = arith.constant 2 : i32
      %mul3A_119 = arith.muli %mul3A_118, %scan3A_106 : i32
      %add3A_120 = arith.constant 0 : i32
      %add3A_121 = arith.addi %mul3A_119, %add3A_120 : i32
      %dma_start3A_122 = arith.constant 0 : i32
      %dma_start3A_123 = tpu.memref_slice %arg9[%add3A_121, %dma_start3A_122] : memref<16x128xi32, #tpu.memory_space<vmem>> -> memref<1x128xi32, #tpu.memory_space<vmem>>
      %dma_start3A_124 = tpu.memref_squeeze %dma_start3A_123 : memref<1x128xi32, #tpu.memory_space<vmem>> -> memref<128xi32, #tpu.memory_space<vmem>>
      %dma_start3A_125 = arith.constant 0 : i32
      %dma_start3A_126 = arith.constant 0 : i32
      %dma_start3A_127 = tpu.memref_slice %arg12[%dma_start3A_125, %dma_start3A_126] : memref<10240x128xf32, #tpu.memory_space<vmem_shared>> -> memref<10240x128xf32, #tpu.memory_space<vmem_shared>>
      tpu.enqueue_indirect_dma source(%arg10 : memref<128x128xf32, #tpu.memory_space<vmem>>) target(%dma_start3A_127 : memref<10240x128xf32, #tpu.memory_space<vmem_shared>>) offsets(%dma_start3A_124 : memref<128xi32, #tpu.memory_space<vmem>>) semaphore(%arg15 : memref<!tpu.dma_semaphore, #tpu.memory_space<semaphore_mem>>) {add = true}
      %add3A_128 = arith.constant 0 : i32
      %add3A_129 = arith.addi %add3A_110, %add3A_128 : i32
      %add3A_130 = arith.constant 1 : i32
      %add3A_131 = arith.addi %add3A_129, %add3A_130 : i32
      %lt3A = arith.constant 80 : i32
      %lt3A_132 = arith.cmpi slt, %add3A_131, %lt3A : i32
      %convert_element_type3A = arith.extui %lt3A_132 : i1 to i32
      %cond3A = arith.constant 0 : i32
      %cond3A_133 = arith.cmpi ne, %convert_element_type3A, %cond3A : i32
      scf.if %cond3A_133 {
        %add3A_174 = arith.constant 0 : i32
        %add3A_175 = arith.addi %add3A_110, %add3A_174 : i32
        %add3A_176 = arith.constant 1 : i32
        %add3A_177 = arith.addi %add3A_175, %add3A_176 : i32
        %dma_start3A_178 = arith.constant 0 : i32
        %dma_start3A_179 = tpu.memref_slice %arg7[%add3A_177, %dma_start3A_178] : memref<80x128xi32, #tpu.memory_space<vmem>> -> memref<1x128xi32, #tpu.memory_space<vmem>>
        %dma_start3A_180 = tpu.memref_squeeze %dma_start3A_179 : memref<1x128xi32, #tpu.memory_space<vmem>> -> memref<128xi32, #tpu.memory_space<vmem>>
        %dma_start3A_181 = arith.constant 0 : i32
        %dma_start3A_182 = arith.constant 0 : i32
        %dma_start3A_183 = tpu.memref_slice %arg2[%dma_start3A_181, %dma_start3A_182] : memref<10000x128xf32, #tpu.memory_space<hbm>> -> memref<10000x128xf32, #tpu.memory_space<hbm>>
        tpu.enqueue_indirect_dma source(%dma_start3A_183 : memref<10000x128xf32, #tpu.memory_space<hbm>>) target(%arg11 : memref<128x128xf32, #tpu.memory_space<vmem>>) offsets(%dma_start3A_180 : memref<128xi32, #tpu.memory_space<vmem>>) semaphore(%arg14 : memref<!tpu.dma_semaphore, #tpu.memory_space<semaphore_mem>>)
      } else {
      }
      %dma_wait3A_134 = arith.constant 0 : i32
      %dma_wait3A_135 = arith.constant 0 : i32
      %dma_wait3A_136 = tpu.memref_slice %arg8[%dma_wait3A_134, %dma_wait3A_135] : memref<16x128xi32, #tpu.memory_space<vmem>> -> memref<1x128xi32, #tpu.memory_space<vmem>>
      %dma_wait3A_137 = tpu.memref_squeeze %dma_wait3A_136 : memref<1x128xi32, #tpu.memory_space<vmem>> -> memref<128xi32, #tpu.memory_space<vmem>>
      %dma_wait3A_138 = arith.constant 0 : i32
      %dma_wait3A_139 = arith.constant 0 : i32
      %dma_wait3A_140 = tpu.memref_slice %arg12[%dma_wait3A_138, %dma_wait3A_139] : memref<10240x128xf32, #tpu.memory_space<vmem_shared>> -> memref<10240x128xf32, #tpu.memory_space<vmem_shared>>
      tpu.wait_indirect_dma semaphore(%arg15 : memref<!tpu.dma_semaphore, #tpu.memory_space<semaphore_mem>>) src(%arg10 : memref<128x128xf32, #tpu.memory_space<vmem>>) dst(%dma_wait3A_140 : memref<10240x128xf32, #tpu.memory_space<vmem_shared>>)
      %dma_wait3A_141 = arith.constant 0 : i32
      %dma_wait3A_142 = arith.constant 0 : i32
      %dma_wait3A_143 = tpu.memref_slice %arg7[%dma_wait3A_141, %dma_wait3A_142] : memref<80x128xi32, #tpu.memory_space<vmem>> -> memref<1x128xi32, #tpu.memory_space<vmem>>
      %dma_wait3A_144 = tpu.memref_squeeze %dma_wait3A_143 : memref<1x128xi32, #tpu.memory_space<vmem>> -> memref<128xi32, #tpu.memory_space<vmem>>
      %dma_wait3A_145 = arith.constant 0 : i32
      %dma_wait3A_146 = arith.constant 0 : i32
      %dma_wait3A_147 = tpu.memref_slice %arg2[%dma_wait3A_145, %dma_wait3A_146] : memref<10000x128xf32, #tpu.memory_space<hbm>> -> memref<10000x128xf32, #tpu.memory_space<hbm>>
      tpu.wait_indirect_dma semaphore(%arg14 : memref<!tpu.dma_semaphore, #tpu.memory_space<semaphore_mem>>) src(%dma_wait3A_147 : memref<10000x128xf32, #tpu.memory_space<hbm>>) dst(%arg11 : memref<128x128xf32, #tpu.memory_space<vmem>>)
      %mul3A_148 = arith.constant 2 : i32
      %mul3A_149 = arith.muli %mul3A_148, %scan3A_106 : i32
      %add3A_150 = arith.constant 1 : i32
      %add3A_151 = arith.addi %mul3A_149, %add3A_150 : i32
      %dma_start3A_152 = arith.constant 0 : i32
      %dma_start3A_153 = tpu.memref_slice %arg9[%add3A_151, %dma_start3A_152] : memref<16x128xi32, #tpu.memory_space<vmem>> -> memref<1x128xi32, #tpu.memory_space<vmem>>
      %dma_start3A_154 = tpu.memref_squeeze %dma_start3A_153 : memref<1x128xi32, #tpu.memory_space<vmem>> -> memref<128xi32, #tpu.memory_space<vmem>>
      %dma_start3A_155 = arith.constant 0 : i32
      %dma_start3A_156 = arith.constant 0 : i32
      %dma_start3A_157 = tpu.memref_slice %arg12[%dma_start3A_155, %dma_start3A_156] : memref<10240x128xf32, #tpu.memory_space<vmem_shared>> -> memref<10240x128xf32, #tpu.memory_space<vmem_shared>>
      tpu.enqueue_indirect_dma source(%arg11 : memref<128x128xf32, #tpu.memory_space<vmem>>) target(%dma_start3A_157 : memref<10240x128xf32, #tpu.memory_space<vmem_shared>>) offsets(%dma_start3A_154 : memref<128xi32, #tpu.memory_space<vmem>>) semaphore(%arg16 : memref<!tpu.dma_semaphore, #tpu.memory_space<semaphore_mem>>) {add = true}
      %add3A_158 = arith.constant 1 : i32
      %add3A_159 = arith.addi %add3A_110, %add3A_158 : i32
      %add3A_160 = arith.constant 1 : i32
      %add3A_161 = arith.addi %add3A_159, %add3A_160 : i32
      %lt3A_162 = arith.constant 80 : i32
      %lt3A_163 = arith.cmpi slt, %add3A_161, %lt3A_162 : i32
      %convert_element_type3A_164 = arith.extui %lt3A_163 : i1 to i32
      %cond3A_165 = arith.constant 0 : i32
      %cond3A_166 = arith.cmpi ne, %convert_element_type3A_164, %cond3A_165 : i32
      scf.if %cond3A_166 {
        %add3A_174 = arith.constant 1 : i32
        %add3A_175 = arith.addi %add3A_110, %add3A_174 : i32
        %add3A_176 = arith.constant 1 : i32
        %add3A_177 = arith.addi %add3A_175, %add3A_176 : i32
        %dma_start3A_178 = arith.constant 0 : i32
        %dma_start3A_179 = tpu.memref_slice %arg7[%add3A_177, %dma_start3A_178] : memref<80x128xi32, #tpu.memory_space<vmem>> -> memref<1x128xi32, #tpu.memory_space<vmem>>
        %dma_start3A_180 = tpu.memref_squeeze %dma_start3A_179 : memref<1x128xi32, #tpu.memory_space<vmem>> -> memref<128xi32, #tpu.memory_space<vmem>>
        %dma_start3A_181 = arith.constant 0 : i32
        %dma_start3A_182 = arith.constant 0 : i32
        %dma_start3A_183 = tpu.memref_slice %arg2[%dma_start3A_181, %dma_start3A_182] : memref<10000x128xf32, #tpu.memory_space<hbm>> -> memref<10000x128xf32, #tpu.memory_space<hbm>>
        tpu.enqueue_indirect_dma source(%dma_start3A_183 : memref<10000x128xf32, #tpu.memory_space<hbm>>) target(%arg10 : memref<128x128xf32, #tpu.memory_space<vmem>>) offsets(%dma_start3A_180 : memref<128xi32, #tpu.memory_space<vmem>>) semaphore(%arg13 : memref<!tpu.dma_semaphore, #tpu.memory_space<semaphore_mem>>)
      } else {
      }
      %dma_wait3A_167 = arith.constant 0 : i32
      %dma_wait3A_168 = arith.constant 0 : i32
      %dma_wait3A_169 = tpu.memref_slice %arg8[%dma_wait3A_167, %dma_wait3A_168] : memref<16x128xi32, #tpu.memory_space<vmem>> -> memref<1x128xi32, #tpu.memory_space<vmem>>
      %dma_wait3A_170 = tpu.memref_squeeze %dma_wait3A_169 : memref<1x128xi32, #tpu.memory_space<vmem>> -> memref<128xi32, #tpu.memory_space<vmem>>
      %dma_wait3A_171 = arith.constant 0 : i32
      %dma_wait3A_172 = arith.constant 0 : i32
      %dma_wait3A_173 = tpu.memref_slice %arg12[%dma_wait3A_171, %dma_wait3A_172] : memref<10240x128xf32, #tpu.memory_space<vmem_shared>> -> memref<10240x128xf32, #tpu.memory_space<vmem_shared>>
      tpu.wait_indirect_dma semaphore(%arg16 : memref<!tpu.dma_semaphore, #tpu.memory_space<semaphore_mem>>) src(%arg11 : memref<128x128xf32, #tpu.memory_space<vmem>>) dst(%dma_wait3A_173 : memref<10240x128xf32, #tpu.memory_space<vmem_shared>>)
    }
    %scan3A_42 = arith.constant 8 : i32
    %dma_start3A_43 = arith.constant 48 : i32
    %dma_start3A_44 = arith.constant 0 : i32
    %dma_start3A_45 = tpu.memref_slice %arg4[%add3A, %dma_start3A_43, %dma_start3A_44] : memref<32x80x128xi32, #tpu.memory_space<hbm>> -> memref<1x16x128xi32, #tpu.memory_space<hbm>>
    %dma_start3A_46 = tpu.memref_squeeze %dma_start3A_45 : memref<1x16x128xi32, #tpu.memory_space<hbm>> -> memref<16x128xi32, #tpu.memory_space<hbm>>
    %dma_start3A_47 = arith.constant 48 : i32
    %dma_start3A_48 = arith.constant 0 : i32
    %dma_start3A_49 = tpu.memref_slice %arg4[%add3A, %dma_start3A_47, %dma_start3A_48] : memref<32x80x128xi32, #tpu.memory_space<hbm>> -> memref<1x16x128xi32, #tpu.memory_space<hbm>>
    %dma_start3A_50 = tpu.memref_squeeze %dma_start3A_49 : memref<1x16x128xi32, #tpu.memory_space<hbm>> -> memref<16x128xi32, #tpu.memory_space<hbm>>
    tpu.enqueue_dma source(%dma_start3A_50 : memref<16x128xi32, #tpu.memory_space<hbm>>) target(%arg9 : memref<16x128xi32, #tpu.memory_space<vmem>>) target_semaphore(%arg18 : memref<!tpu.dma_semaphore, #tpu.memory_space<semaphore_mem>>)
    %dma_wait3A_51 = arith.constant 0 : i32
    %dma_wait3A_52 = arith.constant 0 : i32
    %dma_wait3A_53 = tpu.memref_slice %arg4[%add3A, %dma_wait3A_51, %dma_wait3A_52] : memref<32x80x128xi32, #tpu.memory_space<hbm>> -> memref<1x16x128xi32, #tpu.memory_space<hbm>>
    %dma_wait3A_54 = tpu.memref_squeeze %dma_wait3A_53 : memref<1x16x128xi32, #tpu.memory_space<hbm>> -> memref<16x128xi32, #tpu.memory_space<hbm>>
    %dma_wait3A_55 = arith.constant 0 : i32
    %dma_wait3A_56 = arith.constant 0 : i32
    %dma_wait3A_57 = tpu.memref_slice %arg4[%add3A, %dma_wait3A_55, %dma_wait3A_56] : memref<32x80x128xi32, #tpu.memory_space<hbm>> -> memref<1x16x128xi32, #tpu.memory_space<hbm>>
    %dma_wait3A_58 = tpu.memref_squeeze %dma_wait3A_57 : memref<1x16x128xi32, #tpu.memory_space<hbm>> -> memref<16x128xi32, #tpu.memory_space<hbm>>
    tpu.wait_dma2 semaphore(%arg17 : memref<!tpu.dma_semaphore, #tpu.memory_space<semaphore_mem>>) src(%dma_wait3A_58 : memref<16x128xi32, #tpu.memory_space<hbm>>) dst(%arg8 : memref<16x128xi32, #tpu.memory_space<vmem>>)
    %scan3A_59 = arith.constant 0 : i32
    %scan3A_60 = arith.constant 0 : i32
    %scan3A_61 = arith.constant 8 : i32
    %scan3A_62 = arith.addi %scan3A_60, %scan3A_61 : i32
    %scan3A_63 = arith.constant 1 : i32
    scf.for %scan3A_106 = %scan3A_60 to %scan3A_62 step %scan3A_63  : i32 {
      %mul3A_107 = arith.constant 2 : i32
      %mul3A_108 = arith.muli %mul3A_107, %scan3A_106 : i32
      %add3A_109 = arith.constant 32 : i32
      %add3A_110 = arith.addi %add3A_109, %mul3A_108 : i32
      %dma_wait3A_111 = arith.constant 0 : i32
      %dma_wait3A_112 = arith.constant 0 : i32
      %dma_wait3A_113 = tpu.memref_slice %arg7[%dma_wait3A_111, %dma_wait3A_112] : memref<80x128xi32, #tpu.memory_space<vmem>> -> memref<1x128xi32, #tpu.memory_space<vmem>>
      %dma_wait3A_114 = tpu.memref_squeeze %dma_wait3A_113 : memref<1x128xi32, #tpu.memory_space<vmem>> -> memref<128xi32, #tpu.memory_space<vmem>>
      %dma_wait3A_115 = arith.constant 0 : i32
      %dma_wait3A_116 = arith.constant 0 : i32
      %dma_wait3A_117 = tpu.memref_slice %arg2[%dma_wait3A_115, %dma_wait3A_116] : memref<10000x128xf32, #tpu.memory_space<hbm>> -> memref<10000x128xf32, #tpu.memory_space<hbm>>
      tpu.wait_indirect_dma semaphore(%arg13 : memref<!tpu.dma_semaphore, #tpu.memory_space<semaphore_mem>>) src(%dma_wait3A_117 : memref<10000x128xf32, #tpu.memory_space<hbm>>) dst(%arg10 : memref<128x128xf32, #tpu.memory_space<vmem>>)
      %mul3A_118 = arith.constant 2 : i32
      %mul3A_119 = arith.muli %mul3A_118, %scan3A_106 : i32
      %add3A_120 = arith.constant 0 : i32
      %add3A_121 = arith.addi %mul3A_119, %add3A_120 : i32
      %dma_start3A_122 = arith.constant 0 : i32
      %dma_start3A_123 = tpu.memref_slice %arg8[%add3A_121, %dma_start3A_122] : memref<16x128xi32, #tpu.memory_space<vmem>> -> memref<1x128xi32, #tpu.memory_space<vmem>>
      %dma_start3A_124 = tpu.memref_squeeze %dma_start3A_123 : memref<1x128xi32, #tpu.memory_space<vmem>> -> memref<128xi32, #tpu.memory_space<vmem>>
      %dma_start3A_125 = arith.constant 0 : i32
      %dma_start3A_126 = arith.constant 0 : i32
      %dma_start3A_127 = tpu.memref_slice %arg12[%dma_start3A_125, %dma_start3A_126] : memref<10240x128xf32, #tpu.memory_space<vmem_shared>> -> memref<10240x128xf32, #tpu.memory_space<vmem_shared>>
      tpu.enqueue_indirect_dma source(%arg10 : memref<128x128xf32, #tpu.memory_space<vmem>>) target(%dma_start3A_127 : memref<10240x128xf32, #tpu.memory_space<vmem_shared>>) offsets(%dma_start3A_124 : memref<128xi32, #tpu.memory_space<vmem>>) semaphore(%arg15 : memref<!tpu.dma_semaphore, #tpu.memory_space<semaphore_mem>>) {add = true}
      %add3A_128 = arith.constant 0 : i32
      %add3A_129 = arith.addi %add3A_110, %add3A_128 : i32
      %add3A_130 = arith.constant 1 : i32
      %add3A_131 = arith.addi %add3A_129, %add3A_130 : i32
      %lt3A = arith.constant 80 : i32
      %lt3A_132 = arith.cmpi slt, %add3A_131, %lt3A : i32
      %convert_element_type3A = arith.extui %lt3A_132 : i1 to i32
      %cond3A = arith.constant 0 : i32
      %cond3A_133 = arith.cmpi ne, %convert_element_type3A, %cond3A : i32
      scf.if %cond3A_133 {
        %add3A_174 = arith.constant 0 : i32
        %add3A_175 = arith.addi %add3A_110, %add3A_174 : i32
        %add3A_176 = arith.constant 1 : i32
        %add3A_177 = arith.addi %add3A_175, %add3A_176 : i32
        %dma_start3A_178 = arith.constant 0 : i32
        %dma_start3A_179 = tpu.memref_slice %arg7[%add3A_177, %dma_start3A_178] : memref<80x128xi32, #tpu.memory_space<vmem>> -> memref<1x128xi32, #tpu.memory_space<vmem>>
        %dma_start3A_180 = tpu.memref_squeeze %dma_start3A_179 : memref<1x128xi32, #tpu.memory_space<vmem>> -> memref<128xi32, #tpu.memory_space<vmem>>
        %dma_start3A_181 = arith.constant 0 : i32
        %dma_start3A_182 = arith.constant 0 : i32
        %dma_start3A_183 = tpu.memref_slice %arg2[%dma_start3A_181, %dma_start3A_182] : memref<10000x128xf32, #tpu.memory_space<hbm>> -> memref<10000x128xf32, #tpu.memory_space<hbm>>
        tpu.enqueue_indirect_dma source(%dma_start3A_183 : memref<10000x128xf32, #tpu.memory_space<hbm>>) target(%arg11 : memref<128x128xf32, #tpu.memory_space<vmem>>) offsets(%dma_start3A_180 : memref<128xi32, #tpu.memory_space<vmem>>) semaphore(%arg14 : memref<!tpu.dma_semaphore, #tpu.memory_space<semaphore_mem>>)
      } else {
      }
      %dma_wait3A_134 = arith.constant 0 : i32
      %dma_wait3A_135 = arith.constant 0 : i32
      %dma_wait3A_136 = tpu.memref_slice %arg8[%dma_wait3A_134, %dma_wait3A_135] : memref<16x128xi32, #tpu.memory_space<vmem>> -> memref<1x128xi32, #tpu.memory_space<vmem>>
      %dma_wait3A_137 = tpu.memref_squeeze %dma_wait3A_136 : memref<1x128xi32, #tpu.memory_space<vmem>> -> memref<128xi32, #tpu.memory_space<vmem>>
      %dma_wait3A_138 = arith.constant 0 : i32
      %dma_wait3A_139 = arith.constant 0 : i32
      %dma_wait3A_140 = tpu.memref_slice %arg12[%dma_wait3A_138, %dma_wait3A_139] : memref<10240x128xf32, #tpu.memory_space<vmem_shared>> -> memref<10240x128xf32, #tpu.memory_space<vmem_shared>>
      tpu.wait_indirect_dma semaphore(%arg15 : memref<!tpu.dma_semaphore, #tpu.memory_space<semaphore_mem>>) src(%arg10 : memref<128x128xf32, #tpu.memory_space<vmem>>) dst(%dma_wait3A_140 : memref<10240x128xf32, #tpu.memory_space<vmem_shared>>)
      %dma_wait3A_141 = arith.constant 0 : i32
      %dma_wait3A_142 = arith.constant 0 : i32
      %dma_wait3A_143 = tpu.memref_slice %arg7[%dma_wait3A_141, %dma_wait3A_142] : memref<80x128xi32, #tpu.memory_space<vmem>> -> memref<1x128xi32, #tpu.memory_space<vmem>>
      %dma_wait3A_144 = tpu.memref_squeeze %dma_wait3A_143 : memref<1x128xi32, #tpu.memory_space<vmem>> -> memref<128xi32, #tpu.memory_space<vmem>>
      %dma_wait3A_145 = arith.constant 0 : i32
      %dma_wait3A_146 = arith.constant 0 : i32
      %dma_wait3A_147 = tpu.memref_slice %arg2[%dma_wait3A_145, %dma_wait3A_146] : memref<10000x128xf32, #tpu.memory_space<hbm>> -> memref<10000x128xf32, #tpu.memory_space<hbm>>
      tpu.wait_indirect_dma semaphore(%arg14 : memref<!tpu.dma_semaphore, #tpu.memory_space<semaphore_mem>>) src(%dma_wait3A_147 : memref<10000x128xf32, #tpu.memory_space<hbm>>) dst(%arg11 : memref<128x128xf32, #tpu.memory_space<vmem>>)
      %mul3A_148 = arith.constant 2 : i32
      %mul3A_149 = arith.muli %mul3A_148, %scan3A_106 : i32
      %add3A_150 = arith.constant 1 : i32
      %add3A_151 = arith.addi %mul3A_149, %add3A_150 : i32
      %dma_start3A_152 = arith.constant 0 : i32
      %dma_start3A_153 = tpu.memref_slice %arg8[%add3A_151, %dma_start3A_152] : memref<16x128xi32, #tpu.memory_space<vmem>> -> memref<1x128xi32, #tpu.memory_space<vmem>>
      %dma_start3A_154 = tpu.memref_squeeze %dma_start3A_153 : memref<1x128xi32, #tpu.memory_space<vmem>> -> memref<128xi32, #tpu.memory_space<vmem>>
      %dma_start3A_155 = arith.constant 0 : i32
      %dma_start3A_156 = arith.constant 0 : i32
      %dma_start3A_157 = tpu.memref_slice %arg12[%dma_start3A_155, %dma_start3A_156] : memref<10240x128xf32, #tpu.memory_space<vmem_shared>> -> memref<10240x128xf32, #tpu.memory_space<vmem_shared>>
      tpu.enqueue_indirect_dma source(%arg11 : memref<128x128xf32, #tpu.memory_space<vmem>>) target(%dma_start3A_157 : memref<10240x128xf32, #tpu.memory_space<vmem_shared>>) offsets(%dma_start3A_154 : memref<128xi32, #tpu.memory_space<vmem>>) semaphore(%arg16 : memref<!tpu.dma_semaphore, #tpu.memory_space<semaphore_mem>>) {add = true}
      %add3A_158 = arith.constant 1 : i32
      %add3A_159 = arith.addi %add3A_110, %add3A_158 : i32
      %add3A_160 = arith.constant 1 : i32
      %add3A_161 = arith.addi %add3A_159, %add3A_160 : i32
      %lt3A_162 = arith.constant 80 : i32
      %lt3A_163 = arith.cmpi slt, %add3A_161, %lt3A_162 : i32
      %convert_element_type3A_164 = arith.extui %lt3A_163 : i1 to i32
      %cond3A_165 = arith.constant 0 : i32
      %cond3A_166 = arith.cmpi ne, %convert_element_type3A_164, %cond3A_165 : i32
      scf.if %cond3A_166 {
        %add3A_174 = arith.constant 1 : i32
        %add3A_175 = arith.addi %add3A_110, %add3A_174 : i32
        %add3A_176 = arith.constant 1 : i32
        %add3A_177 = arith.addi %add3A_175, %add3A_176 : i32
        %dma_start3A_178 = arith.constant 0 : i32
        %dma_start3A_179 = tpu.memref_slice %arg7[%add3A_177, %dma_start3A_178] : memref<80x128xi32, #tpu.memory_space<vmem>> -> memref<1x128xi32, #tpu.memory_space<vmem>>
        %dma_start3A_180 = tpu.memref_squeeze %dma_start3A_179 : memref<1x128xi32, #tpu.memory_space<vmem>> -> memref<128xi32, #tpu.memory_space<vmem>>
        %dma_start3A_181 = arith.constant 0 : i32
        %dma_start3A_182 = arith.constant 0 : i32
        %dma_start3A_183 = tpu.memref_slice %arg2[%dma_start3A_181, %dma_start3A_182] : memref<10000x128xf32, #tpu.memory_space<hbm>> -> memref<10000x128xf32, #tpu.memory_space<hbm>>
        tpu.enqueue_indirect_dma source(%dma_start3A_183 : memref<10000x128xf32, #tpu.memory_space<hbm>>) target(%arg10 : memref<128x128xf32, #tpu.memory_space<vmem>>) offsets(%dma_start3A_180 : memref<128xi32, #tpu.memory_space<vmem>>) semaphore(%arg13 : memref<!tpu.dma_semaphore, #tpu.memory_space<semaphore_mem>>)
      } else {
      }
      %dma_wait3A_167 = arith.constant 0 : i32
      %dma_wait3A_168 = arith.constant 0 : i32
      %dma_wait3A_169 = tpu.memref_slice %arg8[%dma_wait3A_167, %dma_wait3A_168] : memref<16x128xi32, #tpu.memory_space<vmem>> -> memref<1x128xi32, #tpu.memory_space<vmem>>
      %dma_wait3A_170 = tpu.memref_squeeze %dma_wait3A_169 : memref<1x128xi32, #tpu.memory_space<vmem>> -> memref<128xi32, #tpu.memory_space<vmem>>
      %dma_wait3A_171 = arith.constant 0 : i32
      %dma_wait3A_172 = arith.constant 0 : i32
      %dma_wait3A_173 = tpu.memref_slice %arg12[%dma_wait3A_171, %dma_wait3A_172] : memref<10240x128xf32, #tpu.memory_space<vmem_shared>> -> memref<10240x128xf32, #tpu.memory_space<vmem_shared>>
      tpu.wait_indirect_dma semaphore(%arg16 : memref<!tpu.dma_semaphore, #tpu.memory_space<semaphore_mem>>) src(%arg11 : memref<128x128xf32, #tpu.memory_space<vmem>>) dst(%dma_wait3A_173 : memref<10240x128xf32, #tpu.memory_space<vmem_shared>>)
    }
    %scan3A_64 = arith.constant 8 : i32
    %dma_start3A_65 = arith.constant 64 : i32
    %dma_start3A_66 = arith.constant 0 : i32
    %dma_start3A_67 = tpu.memref_slice %arg4[%add3A, %dma_start3A_65, %dma_start3A_66] : memref<32x80x128xi32, #tpu.memory_space<hbm>> -> memref<1x16x128xi32, #tpu.memory_space<hbm>>
    %dma_start3A_68 = tpu.memref_squeeze %dma_start3A_67 : memref<1x16x128xi32, #tpu.memory_space<hbm>> -> memref<16x128xi32, #tpu.memory_space<hbm>>
    %dma_start3A_69 = arith.constant 64 : i32
    %dma_start3A_70 = arith.constant 0 : i32
    %dma_start3A_71 = tpu.memref_slice %arg4[%add3A, %dma_start3A_69, %dma_start3A_70] : memref<32x80x128xi32, #tpu.memory_space<hbm>> -> memref<1x16x128xi32, #tpu.memory_space<hbm>>
    %dma_start3A_72 = tpu.memref_squeeze %dma_start3A_71 : memref<1x16x128xi32, #tpu.memory_space<hbm>> -> memref<16x128xi32, #tpu.memory_space<hbm>>
    tpu.enqueue_dma source(%dma_start3A_72 : memref<16x128xi32, #tpu.memory_space<hbm>>) target(%arg8 : memref<16x128xi32, #tpu.memory_space<vmem>>) target_semaphore(%arg17 : memref<!tpu.dma_semaphore, #tpu.memory_space<semaphore_mem>>)
    %dma_wait3A_73 = arith.constant 0 : i32
    %dma_wait3A_74 = arith.constant 0 : i32
    %dma_wait3A_75 = tpu.memref_slice %arg4[%add3A, %dma_wait3A_73, %dma_wait3A_74] : memref<32x80x128xi32, #tpu.memory_space<hbm>> -> memref<1x16x128xi32, #tpu.memory_space<hbm>>
    %dma_wait3A_76 = tpu.memref_squeeze %dma_wait3A_75 : memref<1x16x128xi32, #tpu.memory_space<hbm>> -> memref<16x128xi32, #tpu.memory_space<hbm>>
    %dma_wait3A_77 = arith.constant 0 : i32
    %dma_wait3A_78 = arith.constant 0 : i32
    %dma_wait3A_79 = tpu.memref_slice %arg4[%add3A, %dma_wait3A_77, %dma_wait3A_78] : memref<32x80x128xi32, #tpu.memory_space<hbm>> -> memref<1x16x128xi32, #tpu.memory_space<hbm>>
    %dma_wait3A_80 = tpu.memref_squeeze %dma_wait3A_79 : memref<1x16x128xi32, #tpu.memory_space<hbm>> -> memref<16x128xi32, #tpu.memory_space<hbm>>
    tpu.wait_dma2 semaphore(%arg18 : memref<!tpu.dma_semaphore, #tpu.memory_space<semaphore_mem>>) src(%dma_wait3A_80 : memref<16x128xi32, #tpu.memory_space<hbm>>) dst(%arg9 : memref<16x128xi32, #tpu.memory_space<vmem>>)
    %scan3A_81 = arith.constant 0 : i32
    %scan3A_82 = arith.constant 0 : i32
    %scan3A_83 = arith.constant 8 : i32
    %scan3A_84 = arith.addi %scan3A_82, %scan3A_83 : i32
    %scan3A_85 = arith.constant 1 : i32
    scf.for %scan3A_106 = %scan3A_82 to %scan3A_84 step %scan3A_85  : i32 {
      %mul3A_107 = arith.constant 2 : i32
      %mul3A_108 = arith.muli %mul3A_107, %scan3A_106 : i32
      %add3A_109 = arith.constant 48 : i32
      %add3A_110 = arith.addi %add3A_109, %mul3A_108 : i32
      %dma_wait3A_111 = arith.constant 0 : i32
      %dma_wait3A_112 = arith.constant 0 : i32
      %dma_wait3A_113 = tpu.memref_slice %arg7[%dma_wait3A_111, %dma_wait3A_112] : memref<80x128xi32, #tpu.memory_space<vmem>> -> memref<1x128xi32, #tpu.memory_space<vmem>>
      %dma_wait3A_114 = tpu.memref_squeeze %dma_wait3A_113 : memref<1x128xi32, #tpu.memory_space<vmem>> -> memref<128xi32, #tpu.memory_space<vmem>>
      %dma_wait3A_115 = arith.constant 0 : i32
      %dma_wait3A_116 = arith.constant 0 : i32
      %dma_wait3A_117 = tpu.memref_slice %arg2[%dma_wait3A_115, %dma_wait3A_116] : memref<10000x128xf32, #tpu.memory_space<hbm>> -> memref<10000x128xf32, #tpu.memory_space<hbm>>
      tpu.wait_indirect_dma semaphore(%arg13 : memref<!tpu.dma_semaphore, #tpu.memory_space<semaphore_mem>>) src(%dma_wait3A_117 : memref<10000x128xf32, #tpu.memory_space<hbm>>) dst(%arg10 : memref<128x128xf32, #tpu.memory_space<vmem>>)
      %mul3A_118 = arith.constant 2 : i32
      %mul3A_119 = arith.muli %mul3A_118, %scan3A_106 : i32
      %add3A_120 = arith.constant 0 : i32
      %add3A_121 = arith.addi %mul3A_119, %add3A_120 : i32
      %dma_start3A_122 = arith.constant 0 : i32
      %dma_start3A_123 = tpu.memref_slice %arg9[%add3A_121, %dma_start3A_122] : memref<16x128xi32, #tpu.memory_space<vmem>> -> memref<1x128xi32, #tpu.memory_space<vmem>>
      %dma_start3A_124 = tpu.memref_squeeze %dma_start3A_123 : memref<1x128xi32, #tpu.memory_space<vmem>> -> memref<128xi32, #tpu.memory_space<vmem>>
      %dma_start3A_125 = arith.constant 0 : i32
      %dma_start3A_126 = arith.constant 0 : i32
      %dma_start3A_127 = tpu.memref_slice %arg12[%dma_start3A_125, %dma_start3A_126] : memref<10240x128xf32, #tpu.memory_space<vmem_shared>> -> memref<10240x128xf32, #tpu.memory_space<vmem_shared>>
      tpu.enqueue_indirect_dma source(%arg10 : memref<128x128xf32, #tpu.memory_space<vmem>>) target(%dma_start3A_127 : memref<10240x128xf32, #tpu.memory_space<vmem_shared>>) offsets(%dma_start3A_124 : memref<128xi32, #tpu.memory_space<vmem>>) semaphore(%arg15 : memref<!tpu.dma_semaphore, #tpu.memory_space<semaphore_mem>>) {add = true}
      %add3A_128 = arith.constant 0 : i32
      %add3A_129 = arith.addi %add3A_110, %add3A_128 : i32
      %add3A_130 = arith.constant 1 : i32
      %add3A_131 = arith.addi %add3A_129, %add3A_130 : i32
      %lt3A = arith.constant 80 : i32
      %lt3A_132 = arith.cmpi slt, %add3A_131, %lt3A : i32
      %convert_element_type3A = arith.extui %lt3A_132 : i1 to i32
      %cond3A = arith.constant 0 : i32
      %cond3A_133 = arith.cmpi ne, %convert_element_type3A, %cond3A : i32
      scf.if %cond3A_133 {
        %add3A_174 = arith.constant 0 : i32
        %add3A_175 = arith.addi %add3A_110, %add3A_174 : i32
        %add3A_176 = arith.constant 1 : i32
        %add3A_177 = arith.addi %add3A_175, %add3A_176 : i32
        %dma_start3A_178 = arith.constant 0 : i32
        %dma_start3A_179 = tpu.memref_slice %arg7[%add3A_177, %dma_start3A_178] : memref<80x128xi32, #tpu.memory_space<vmem>> -> memref<1x128xi32, #tpu.memory_space<vmem>>
        %dma_start3A_180 = tpu.memref_squeeze %dma_start3A_179 : memref<1x128xi32, #tpu.memory_space<vmem>> -> memref<128xi32, #tpu.memory_space<vmem>>
        %dma_start3A_181 = arith.constant 0 : i32
        %dma_start3A_182 = arith.constant 0 : i32
        %dma_start3A_183 = tpu.memref_slice %arg2[%dma_start3A_181, %dma_start3A_182] : memref<10000x128xf32, #tpu.memory_space<hbm>> -> memref<10000x128xf32, #tpu.memory_space<hbm>>
        tpu.enqueue_indirect_dma source(%dma_start3A_183 : memref<10000x128xf32, #tpu.memory_space<hbm>>) target(%arg11 : memref<128x128xf32, #tpu.memory_space<vmem>>) offsets(%dma_start3A_180 : memref<128xi32, #tpu.memory_space<vmem>>) semaphore(%arg14 : memref<!tpu.dma_semaphore, #tpu.memory_space<semaphore_mem>>)
      } else {
      }
      %dma_wait3A_134 = arith.constant 0 : i32
      %dma_wait3A_135 = arith.constant 0 : i32
      %dma_wait3A_136 = tpu.memref_slice %arg8[%dma_wait3A_134, %dma_wait3A_135] : memref<16x128xi32, #tpu.memory_space<vmem>> -> memref<1x128xi32, #tpu.memory_space<vmem>>
      %dma_wait3A_137 = tpu.memref_squeeze %dma_wait3A_136 : memref<1x128xi32, #tpu.memory_space<vmem>> -> memref<128xi32, #tpu.memory_space<vmem>>
      %dma_wait3A_138 = arith.constant 0 : i32
      %dma_wait3A_139 = arith.constant 0 : i32
      %dma_wait3A_140 = tpu.memref_slice %arg12[%dma_wait3A_138, %dma_wait3A_139] : memref<10240x128xf32, #tpu.memory_space<vmem_shared>> -> memref<10240x128xf32, #tpu.memory_space<vmem_shared>>
      tpu.wait_indirect_dma semaphore(%arg15 : memref<!tpu.dma_semaphore, #tpu.memory_space<semaphore_mem>>) src(%arg10 : memref<128x128xf32, #tpu.memory_space<vmem>>) dst(%dma_wait3A_140 : memref<10240x128xf32, #tpu.memory_space<vmem_shared>>)
      %dma_wait3A_141 = arith.constant 0 : i32
      %dma_wait3A_142 = arith.constant 0 : i32
      %dma_wait3A_143 = tpu.memref_slice %arg7[%dma_wait3A_141, %dma_wait3A_142] : memref<80x128xi32, #tpu.memory_space<vmem>> -> memref<1x128xi32, #tpu.memory_space<vmem>>
      %dma_wait3A_144 = tpu.memref_squeeze %dma_wait3A_143 : memref<1x128xi32, #tpu.memory_space<vmem>> -> memref<128xi32, #tpu.memory_space<vmem>>
      %dma_wait3A_145 = arith.constant 0 : i32
      %dma_wait3A_146 = arith.constant 0 : i32
      %dma_wait3A_147 = tpu.memref_slice %arg2[%dma_wait3A_145, %dma_wait3A_146] : memref<10000x128xf32, #tpu.memory_space<hbm>> -> memref<10000x128xf32, #tpu.memory_space<hbm>>
      tpu.wait_indirect_dma semaphore(%arg14 : memref<!tpu.dma_semaphore, #tpu.memory_space<semaphore_mem>>) src(%dma_wait3A_147 : memref<10000x128xf32, #tpu.memory_space<hbm>>) dst(%arg11 : memref<128x128xf32, #tpu.memory_space<vmem>>)
      %mul3A_148 = arith.constant 2 : i32
      %mul3A_149 = arith.muli %mul3A_148, %scan3A_106 : i32
      %add3A_150 = arith.constant 1 : i32
      %add3A_151 = arith.addi %mul3A_149, %add3A_150 : i32
      %dma_start3A_152 = arith.constant 0 : i32
      %dma_start3A_153 = tpu.memref_slice %arg9[%add3A_151, %dma_start3A_152] : memref<16x128xi32, #tpu.memory_space<vmem>> -> memref<1x128xi32, #tpu.memory_space<vmem>>
      %dma_start3A_154 = tpu.memref_squeeze %dma_start3A_153 : memref<1x128xi32, #tpu.memory_space<vmem>> -> memref<128xi32, #tpu.memory_space<vmem>>
      %dma_start3A_155 = arith.constant 0 : i32
      %dma_start3A_156 = arith.constant 0 : i32
      %dma_start3A_157 = tpu.memref_slice %arg12[%dma_start3A_155, %dma_start3A_156] : memref<10240x128xf32, #tpu.memory_space<vmem_shared>> -> memref<10240x128xf32, #tpu.memory_space<vmem_shared>>
      tpu.enqueue_indirect_dma source(%arg11 : memref<128x128xf32, #tpu.memory_space<vmem>>) target(%dma_start3A_157 : memref<10240x128xf32, #tpu.memory_space<vmem_shared>>) offsets(%dma_start3A_154 : memref<128xi32, #tpu.memory_space<vmem>>) semaphore(%arg16 : memref<!tpu.dma_semaphore, #tpu.memory_space<semaphore_mem>>) {add = true}
      %add3A_158 = arith.constant 1 : i32
      %add3A_159 = arith.addi %add3A_110, %add3A_158 : i32
      %add3A_160 = arith.constant 1 : i32
      %add3A_161 = arith.addi %add3A_159, %add3A_160 : i32
      %lt3A_162 = arith.constant 80 : i32
      %lt3A_163 = arith.cmpi slt, %add3A_161, %lt3A_162 : i32
      %convert_element_type3A_164 = arith.extui %lt3A_163 : i1 to i32
      %cond3A_165 = arith.constant 0 : i32
      %cond3A_166 = arith.cmpi ne, %convert_element_type3A_164, %cond3A_165 : i32
      scf.if %cond3A_166 {
        %add3A_174 = arith.constant 1 : i32
        %add3A_175 = arith.addi %add3A_110, %add3A_174 : i32
        %add3A_176 = arith.constant 1 : i32
        %add3A_177 = arith.addi %add3A_175, %add3A_176 : i32
        %dma_start3A_178 = arith.constant 0 : i32
        %dma_start3A_179 = tpu.memref_slice %arg7[%add3A_177, %dma_start3A_178] : memref<80x128xi32, #tpu.memory_space<vmem>> -> memref<1x128xi32, #tpu.memory_space<vmem>>
        %dma_start3A_180 = tpu.memref_squeeze %dma_start3A_179 : memref<1x128xi32, #tpu.memory_space<vmem>> -> memref<128xi32, #tpu.memory_space<vmem>>
        %dma_start3A_181 = arith.constant 0 : i32
        %dma_start3A_182 = arith.constant 0 : i32
        %dma_start3A_183 = tpu.memref_slice %arg2[%dma_start3A_181, %dma_start3A_182] : memref<10000x128xf32, #tpu.memory_space<hbm>> -> memref<10000x128xf32, #tpu.memory_space<hbm>>
        tpu.enqueue_indirect_dma source(%dma_start3A_183 : memref<10000x128xf32, #tpu.memory_space<hbm>>) target(%arg10 : memref<128x128xf32, #tpu.memory_space<vmem>>) offsets(%dma_start3A_180 : memref<128xi32, #tpu.memory_space<vmem>>) semaphore(%arg13 : memref<!tpu.dma_semaphore, #tpu.memory_space<semaphore_mem>>)
      } else {
      }
      %dma_wait3A_167 = arith.constant 0 : i32
      %dma_wait3A_168 = arith.constant 0 : i32
      %dma_wait3A_169 = tpu.memref_slice %arg8[%dma_wait3A_167, %dma_wait3A_168] : memref<16x128xi32, #tpu.memory_space<vmem>> -> memref<1x128xi32, #tpu.memory_space<vmem>>
      %dma_wait3A_170 = tpu.memref_squeeze %dma_wait3A_169 : memref<1x128xi32, #tpu.memory_space<vmem>> -> memref<128xi32, #tpu.memory_space<vmem>>
      %dma_wait3A_171 = arith.constant 0 : i32
      %dma_wait3A_172 = arith.constant 0 : i32
      %dma_wait3A_173 = tpu.memref_slice %arg12[%dma_wait3A_171, %dma_wait3A_172] : memref<10240x128xf32, #tpu.memory_space<vmem_shared>> -> memref<10240x128xf32, #tpu.memory_space<vmem_shared>>
      tpu.wait_indirect_dma semaphore(%arg16 : memref<!tpu.dma_semaphore, #tpu.memory_space<semaphore_mem>>) src(%arg11 : memref<128x128xf32, #tpu.memory_space<vmem>>) dst(%dma_wait3A_173 : memref<10240x128xf32, #tpu.memory_space<vmem_shared>>)
    }
    %scan3A_86 = arith.constant 8 : i32
    %dma_wait3A_87 = arith.constant 0 : i32
    %dma_wait3A_88 = arith.constant 0 : i32
    %dma_wait3A_89 = tpu.memref_slice %arg4[%add3A, %dma_wait3A_87, %dma_wait3A_88] : memref<32x80x128xi32, #tpu.memory_space<hbm>> -> memref<1x16x128xi32, #tpu.memory_space<hbm>>
    %dma_wait3A_90 = tpu.memref_squeeze %dma_wait3A_89 : memref<1x16x128xi32, #tpu.memory_space<hbm>> -> memref<16x128xi32, #tpu.memory_space<hbm>>
    %dma_wait3A_91 = arith.constant 0 : i32
    %dma_wait3A_92 = arith.constant 0 : i32
    %dma_wait3A_93 = tpu.memref_slice %arg4[%add3A, %dma_wait3A_91, %dma_wait3A_92] : memref<32x80x128xi32, #tpu.memory_space<hbm>> -> memref<1x16x128xi32, #tpu.memory_space<hbm>>
    %dma_wait3A_94 = tpu.memref_squeeze %dma_wait3A_93 : memref<1x16x128xi32, #tpu.memory_space<hbm>> -> memref<16x128xi32, #tpu.memory_space<hbm>>
    tpu.wait_dma2 semaphore(%arg17 : memref<!tpu.dma_semaphore, #tpu.memory_space<semaphore_mem>>) src(%dma_wait3A_94 : memref<16x128xi32, #tpu.memory_space<hbm>>) dst(%arg8 : memref<16x128xi32, #tpu.memory_space<vmem>>)
    %scan3A_95 = arith.constant 0 : i32
    %scan3A_96 = arith.constant 0 : i32
    %scan3A_97 = arith.constant 8 : i32
    %scan3A_98 = arith.addi %scan3A_96, %scan3A_97 : i32
    %scan3A_99 = arith.constant 1 : i32
    scf.for %scan3A_106 = %scan3A_96 to %scan3A_98 step %scan3A_99  : i32 {
      %mul3A_107 = arith.constant 2 : i32
      %mul3A_108 = arith.muli %mul3A_107, %scan3A_106 : i32
      %add3A_109 = arith.constant 64 : i32
      %add3A_110 = arith.addi %add3A_109, %mul3A_108 : i32
      %dma_wait3A_111 = arith.constant 0 : i32
      %dma_wait3A_112 = arith.constant 0 : i32
      %dma_wait3A_113 = tpu.memref_slice %arg7[%dma_wait3A_111, %dma_wait3A_112] : memref<80x128xi32, #tpu.memory_space<vmem>> -> memref<1x128xi32, #tpu.memory_space<vmem>>
      %dma_wait3A_114 = tpu.memref_squeeze %dma_wait3A_113 : memref<1x128xi32, #tpu.memory_space<vmem>> -> memref<128xi32, #tpu.memory_space<vmem>>
      %dma_wait3A_115 = arith.constant 0 : i32
      %dma_wait3A_116 = arith.constant 0 : i32
      %dma_wait3A_117 = tpu.memref_slice %arg2[%dma_wait3A_115, %dma_wait3A_116] : memref<10000x128xf32, #tpu.memory_space<hbm>> -> memref<10000x128xf32, #tpu.memory_space<hbm>>
      tpu.wait_indirect_dma semaphore(%arg13 : memref<!tpu.dma_semaphore, #tpu.memory_space<semaphore_mem>>) src(%dma_wait3A_117 : memref<10000x128xf32, #tpu.memory_space<hbm>>) dst(%arg10 : memref<128x128xf32, #tpu.memory_space<vmem>>)
      %mul3A_118 = arith.constant 2 : i32
      %mul3A_119 = arith.muli %mul3A_118, %scan3A_106 : i32
      %add3A_120 = arith.constant 0 : i32
      %add3A_121 = arith.addi %mul3A_119, %add3A_120 : i32
      %dma_start3A_122 = arith.constant 0 : i32
      %dma_start3A_123 = tpu.memref_slice %arg8[%add3A_121, %dma_start3A_122] : memref<16x128xi32, #tpu.memory_space<vmem>> -> memref<1x128xi32, #tpu.memory_space<vmem>>
      %dma_start3A_124 = tpu.memref_squeeze %dma_start3A_123 : memref<1x128xi32, #tpu.memory_space<vmem>> -> memref<128xi32, #tpu.memory_space<vmem>>
      %dma_start3A_125 = arith.constant 0 : i32
      %dma_start3A_126 = arith.constant 0 : i32
      %dma_start3A_127 = tpu.memref_slice %arg12[%dma_start3A_125, %dma_start3A_126] : memref<10240x128xf32, #tpu.memory_space<vmem_shared>> -> memref<10240x128xf32, #tpu.memory_space<vmem_shared>>
      tpu.enqueue_indirect_dma source(%arg10 : memref<128x128xf32, #tpu.memory_space<vmem>>) target(%dma_start3A_127 : memref<10240x128xf32, #tpu.memory_space<vmem_shared>>) offsets(%dma_start3A_124 : memref<128xi32, #tpu.memory_space<vmem>>) semaphore(%arg15 : memref<!tpu.dma_semaphore, #tpu.memory_space<semaphore_mem>>) {add = true}
      %add3A_128 = arith.constant 0 : i32
      %add3A_129 = arith.addi %add3A_110, %add3A_128 : i32
      %add3A_130 = arith.constant 1 : i32
      %add3A_131 = arith.addi %add3A_129, %add3A_130 : i32
      %lt3A = arith.constant 80 : i32
      %lt3A_132 = arith.cmpi slt, %add3A_131, %lt3A : i32
      %convert_element_type3A = arith.extui %lt3A_132 : i1 to i32
      %cond3A = arith.constant 0 : i32
      %cond3A_133 = arith.cmpi ne, %convert_element_type3A, %cond3A : i32
      scf.if %cond3A_133 {
        %add3A_174 = arith.constant 0 : i32
        %add3A_175 = arith.addi %add3A_110, %add3A_174 : i32
        %add3A_176 = arith.constant 1 : i32
        %add3A_177 = arith.addi %add3A_175, %add3A_176 : i32
        %dma_start3A_178 = arith.constant 0 : i32
        %dma_start3A_179 = tpu.memref_slice %arg7[%add3A_177, %dma_start3A_178] : memref<80x128xi32, #tpu.memory_space<vmem>> -> memref<1x128xi32, #tpu.memory_space<vmem>>
        %dma_start3A_180 = tpu.memref_squeeze %dma_start3A_179 : memref<1x128xi32, #tpu.memory_space<vmem>> -> memref<128xi32, #tpu.memory_space<vmem>>
        %dma_start3A_181 = arith.constant 0 : i32
        %dma_start3A_182 = arith.constant 0 : i32
        %dma_start3A_183 = tpu.memref_slice %arg2[%dma_start3A_181, %dma_start3A_182] : memref<10000x128xf32, #tpu.memory_space<hbm>> -> memref<10000x128xf32, #tpu.memory_space<hbm>>
        tpu.enqueue_indirect_dma source(%dma_start3A_183 : memref<10000x128xf32, #tpu.memory_space<hbm>>) target(%arg11 : memref<128x128xf32, #tpu.memory_space<vmem>>) offsets(%dma_start3A_180 : memref<128xi32, #tpu.memory_space<vmem>>) semaphore(%arg14 : memref<!tpu.dma_semaphore, #tpu.memory_space<semaphore_mem>>)
      } else {
      }
      %dma_wait3A_134 = arith.constant 0 : i32
      %dma_wait3A_135 = arith.constant 0 : i32
      %dma_wait3A_136 = tpu.memref_slice %arg8[%dma_wait3A_134, %dma_wait3A_135] : memref<16x128xi32, #tpu.memory_space<vmem>> -> memref<1x128xi32, #tpu.memory_space<vmem>>
      %dma_wait3A_137 = tpu.memref_squeeze %dma_wait3A_136 : memref<1x128xi32, #tpu.memory_space<vmem>> -> memref<128xi32, #tpu.memory_space<vmem>>
      %dma_wait3A_138 = arith.constant 0 : i32
      %dma_wait3A_139 = arith.constant 0 : i32
      %dma_wait3A_140 = tpu.memref_slice %arg12[%dma_wait3A_138, %dma_wait3A_139] : memref<10240x128xf32, #tpu.memory_space<vmem_shared>> -> memref<10240x128xf32, #tpu.memory_space<vmem_shared>>
      tpu.wait_indirect_dma semaphore(%arg15 : memref<!tpu.dma_semaphore, #tpu.memory_space<semaphore_mem>>) src(%arg10 : memref<128x128xf32, #tpu.memory_space<vmem>>) dst(%dma_wait3A_140 : memref<10240x128xf32, #tpu.memory_space<vmem_shared>>)
      %dma_wait3A_141 = arith.constant 0 : i32
      %dma_wait3A_142 = arith.constant 0 : i32
      %dma_wait3A_143 = tpu.memref_slice %arg7[%dma_wait3A_141, %dma_wait3A_142] : memref<80x128xi32, #tpu.memory_space<vmem>> -> memref<1x128xi32, #tpu.memory_space<vmem>>
      %dma_wait3A_144 = tpu.memref_squeeze %dma_wait3A_143 : memref<1x128xi32, #tpu.memory_space<vmem>> -> memref<128xi32, #tpu.memory_space<vmem>>
      %dma_wait3A_145 = arith.constant 0 : i32
      %dma_wait3A_146 = arith.constant 0 : i32
      %dma_wait3A_147 = tpu.memref_slice %arg2[%dma_wait3A_145, %dma_wait3A_146] : memref<10000x128xf32, #tpu.memory_space<hbm>> -> memref<10000x128xf32, #tpu.memory_space<hbm>>
      tpu.wait_indirect_dma semaphore(%arg14 : memref<!tpu.dma_semaphore, #tpu.memory_space<semaphore_mem>>) src(%dma_wait3A_147 : memref<10000x128xf32, #tpu.memory_space<hbm>>) dst(%arg11 : memref<128x128xf32, #tpu.memory_space<vmem>>)
      %mul3A_148 = arith.constant 2 : i32
      %mul3A_149 = arith.muli %mul3A_148, %scan3A_106 : i32
      %add3A_150 = arith.constant 1 : i32
      %add3A_151 = arith.addi %mul3A_149, %add3A_150 : i32
      %dma_start3A_152 = arith.constant 0 : i32
      %dma_start3A_153 = tpu.memref_slice %arg8[%add3A_151, %dma_start3A_152] : memref<16x128xi32, #tpu.memory_space<vmem>> -> memref<1x128xi32, #tpu.memory_space<vmem>>
      %dma_start3A_154 = tpu.memref_squeeze %dma_start3A_153 : memref<1x128xi32, #tpu.memory_space<vmem>> -> memref<128xi32, #tpu.memory_space<vmem>>
      %dma_start3A_155 = arith.constant 0 : i32
      %dma_start3A_156 = arith.constant 0 : i32
      %dma_start3A_157 = tpu.memref_slice %arg12[%dma_start3A_155, %dma_start3A_156] : memref<10240x128xf32, #tpu.memory_space<vmem_shared>> -> memref<10240x128xf32, #tpu.memory_space<vmem_shared>>
      tpu.enqueue_indirect_dma source(%arg11 : memref<128x128xf32, #tpu.memory_space<vmem>>) target(%dma_start3A_157 : memref<10240x128xf32, #tpu.memory_space<vmem_shared>>) offsets(%dma_start3A_154 : memref<128xi32, #tpu.memory_space<vmem>>) semaphore(%arg16 : memref<!tpu.dma_semaphore, #tpu.memory_space<semaphore_mem>>) {add = true}
      %add3A_158 = arith.constant 1 : i32
      %add3A_159 = arith.addi %add3A_110, %add3A_158 : i32
      %add3A_160 = arith.constant 1 : i32
      %add3A_161 = arith.addi %add3A_159, %add3A_160 : i32
      %lt3A_162 = arith.constant 80 : i32
      %lt3A_163 = arith.cmpi slt, %add3A_161, %lt3A_162 : i32
      %convert_element_type3A_164 = arith.extui %lt3A_163 : i1 to i32
      %cond3A_165 = arith.constant 0 : i32
      %cond3A_166 = arith.cmpi ne, %convert_element_type3A_164, %cond3A_165 : i32
      scf.if %cond3A_166 {
        %add3A_174 = arith.constant 1 : i32
        %add3A_175 = arith.addi %add3A_110, %add3A_174 : i32
        %add3A_176 = arith.constant 1 : i32
        %add3A_177 = arith.addi %add3A_175, %add3A_176 : i32
        %dma_start3A_178 = arith.constant 0 : i32
        %dma_start3A_179 = tpu.memref_slice %arg7[%add3A_177, %dma_start3A_178] : memref<80x128xi32, #tpu.memory_space<vmem>> -> memref<1x128xi32, #tpu.memory_space<vmem>>
        %dma_start3A_180 = tpu.memref_squeeze %dma_start3A_179 : memref<1x128xi32, #tpu.memory_space<vmem>> -> memref<128xi32, #tpu.memory_space<vmem>>
        %dma_start3A_181 = arith.constant 0 : i32
        %dma_start3A_182 = arith.constant 0 : i32
        %dma_start3A_183 = tpu.memref_slice %arg2[%dma_start3A_181, %dma_start3A_182] : memref<10000x128xf32, #tpu.memory_space<hbm>> -> memref<10000x128xf32, #tpu.memory_space<hbm>>
        tpu.enqueue_indirect_dma source(%dma_start3A_183 : memref<10000x128xf32, #tpu.memory_space<hbm>>) target(%arg10 : memref<128x128xf32, #tpu.memory_space<vmem>>) offsets(%dma_start3A_180 : memref<128xi32, #tpu.memory_space<vmem>>) semaphore(%arg13 : memref<!tpu.dma_semaphore, #tpu.memory_space<semaphore_mem>>)
      } else {
      }
      %dma_wait3A_167 = arith.constant 0 : i32
      %dma_wait3A_168 = arith.constant 0 : i32
      %dma_wait3A_169 = tpu.memref_slice %arg8[%dma_wait3A_167, %dma_wait3A_168] : memref<16x128xi32, #tpu.memory_space<vmem>> -> memref<1x128xi32, #tpu.memory_space<vmem>>
      %dma_wait3A_170 = tpu.memref_squeeze %dma_wait3A_169 : memref<1x128xi32, #tpu.memory_space<vmem>> -> memref<128xi32, #tpu.memory_space<vmem>>
      %dma_wait3A_171 = arith.constant 0 : i32
      %dma_wait3A_172 = arith.constant 0 : i32
      %dma_wait3A_173 = tpu.memref_slice %arg12[%dma_wait3A_171, %dma_wait3A_172] : memref<10240x128xf32, #tpu.memory_space<vmem_shared>> -> memref<10240x128xf32, #tpu.memory_space<vmem_shared>>
      tpu.wait_indirect_dma semaphore(%arg16 : memref<!tpu.dma_semaphore, #tpu.memory_space<semaphore_mem>>) src(%arg11 : memref<128x128xf32, #tpu.memory_space<vmem>>) dst(%dma_wait3A_173 : memref<10240x128xf32, #tpu.memory_space<vmem_shared>>)
    }
    %scan3A_100 = arith.constant 8 : i32
    %barrier3A_101 = arith.constant 0 : index
    tpu.barrier barrier_id(%barrier3A_101)
    %mul3A_102 = arith.constant 640 : i32
    %mul3A_103 = arith.muli %arg1, %mul3A_102 : i32
    %mul3A_104 = arith.constant 640 : i32
    %mul3A_105 = arith.muli %arg1, %mul3A_104 : i32
    "tpu.region"() ({
      %run_scoped3A = tpu.sem_alloc : memref<!tpu.dma_semaphore, #tpu.memory_space<semaphore_mem>>
      %dma_start3A_106 = arith.constant 0 : i32
      %dma_start3A_107 = tpu.memref_slice %arg6[%arg0, %mul3A_105, %dma_start3A_106] : memref<2x10240x128xf32, #tpu.memory_space<hbm>> -> memref<1x640x128xf32, #tpu.memory_space<hbm>>
      %dma_start3A_108 = tpu.memref_squeeze %dma_start3A_107 : memref<1x640x128xf32, #tpu.memory_space<hbm>> -> memref<640x128xf32, #tpu.memory_space<hbm>>
      %dma_start3A_109 = arith.constant 0 : i32
      %dma_start3A_110 = tpu.memref_slice %arg12[%mul3A_103, %dma_start3A_109] : memref<10240x128xf32, #tpu.memory_space<vmem_shared>> -> memref<640x128xf32, #tpu.memory_space<vmem_shared>>
      tpu.enqueue_dma source(%dma_start3A_110 : memref<640x128xf32, #tpu.memory_space<vmem_shared>>) target(%dma_start3A_108 : memref<640x128xf32, #tpu.memory_space<hbm>>) target_semaphore(%run_scoped3A : memref<!tpu.dma_semaphore, #tpu.memory_space<semaphore_mem>>)
      %dma_wait3A_111 = arith.constant 0 : i32
      %dma_wait3A_112 = tpu.memref_slice %arg6[%arg0, %mul3A_105, %dma_wait3A_111] : memref<2x10240x128xf32, #tpu.memory_space<hbm>> -> memref<1x640x128xf32, #tpu.memory_space<hbm>>
      %dma_wait3A_113 = tpu.memref_squeeze %dma_wait3A_112 : memref<1x640x128xf32, #tpu.memory_space<hbm>> -> memref<640x128xf32, #tpu.memory_space<hbm>>
      %dma_wait3A_114 = arith.constant 0 : i32
      %dma_wait3A_115 = tpu.memref_slice %arg12[%mul3A_103, %dma_wait3A_114] : memref<10240x128xf32, #tpu.memory_space<vmem_shared>> -> memref<640x128xf32, #tpu.memory_space<vmem_shared>>
      tpu.wait_dma2 semaphore(%run_scoped3A : memref<!tpu.dma_semaphore, #tpu.memory_space<semaphore_mem>>) src(%dma_wait3A_115 : memref<640x128xf32, #tpu.memory_space<vmem_shared>>) dst(%dma_wait3A_113 : memref<640x128xf32, #tpu.memory_space<hbm>>)
      tpu.yield
    }) : () -> ()
    return
  }
}

module attributes {stable_mosaic.version = 14 : i64} {
  func.func @_combine_kernel(%arg0: i32, %arg1: memref<1xf32, #tpu.memory_space<smem>>, %arg2: memref<1000x128xf32, #tpu.memory_space<vmem>>, %arg3: memref<2x1000x128xf32, #tpu.memory_space<vmem>>, %arg4: memref<1000x128xf32, #tpu.memory_space<vmem>>) attributes {dimension_semantics = [#tpu.dimension_semantics<arbitrary>], iteration_bounds = array<i64: 10>, scalar_prefetch = 0 : i64, scratch_operands = 0 : i64, tpu.core_type = #tpu.core_type<tc>, window_params = [{transform_indices = @transform_0, window_bounds = array<i64: 1>}, {transform_indices = @transform_1, window_bounds = array<i64: 1000, 128>}, {transform_indices = @transform_2, window_bounds = array<i64: 2, 1000, 128>}, {transform_indices = @transform_3, window_bounds = array<i64: 1000, 128>}]} {
    %get3A = arith.constant 0 : index
    %get3A_0 = memref.load %arg1[%get3A] : memref<1xf32, #tpu.memory_space<smem>>
    %add3A = arith.constant 1.000000e+00 : f32
    %add3A_1 = arith.addf %add3A, %get3A_0 : f32
    %get3A_2 = arith.constant 0 : index
    %get3A_3 = arith.constant 0 : index
    %get3A_4 = vector.load %arg2[%get3A_2, %get3A_3] : memref<1000x128xf32, #tpu.memory_space<vmem>>, vector<1000x128xf32>
    %mul3A = vector.broadcast %add3A_1 : f32 to vector<1000x128xf32>
    %mul3A_5 = arith.mulf %get3A_4, %mul3A : vector<1000x128xf32>
    %get3A_6 = arith.constant 0 : index
    %get3A_7 = arith.constant 0 : index
    %get3A_8 = arith.constant 0 : index
    %get3A_9 = vector.load %arg3[%get3A_6, %get3A_7, %get3A_8] : memref<2x1000x128xf32, #tpu.memory_space<vmem>>, vector<1x1000x128xf32>
    %get3A_10 = vector.shape_cast %get3A_9 : vector<1x1000x128xf32> to vector<1000x128xf32>
    %add3A_11 = arith.addf %mul3A_5, %get3A_10 : vector<1000x128xf32>
    %get3A_12 = arith.constant 1 : index
    %get3A_13 = arith.constant 0 : index
    %get3A_14 = arith.constant 0 : index
    %get3A_15 = vector.load %arg3[%get3A_12, %get3A_13, %get3A_14] : memref<2x1000x128xf32, #tpu.memory_space<vmem>>, vector<1x1000x128xf32>
    %get3A_16 = vector.shape_cast %get3A_15 : vector<1x1000x128xf32> to vector<1000x128xf32>
    %add3A_17 = arith.addf %add3A_11, %get3A_16 : vector<1000x128xf32>
    %swap3A = arith.constant 0 : index
    %swap3A_18 = arith.constant 0 : index
    %swap3A_19 = vector.load %arg4[%swap3A, %swap3A_18] : memref<1000x128xf32, #tpu.memory_space<vmem>>, vector<1000x128xf32>
    tpu.vector_store %arg4[%swap3A, %swap3A_18], %add3A_17 {strides = array<i32>} : memref<1000x128xf32, #tpu.memory_space<vmem>>, vector<1000x128xf32>,
    return
  }
  func.func @transform_0(%arg0: i32) -> i32 {
    %c0_i32 = arith.constant 0 : i32
    %c0_i32_0 = arith.constant 0 : i32
    return %c0_i32 : i32
  }
  func.func @transform_1(%arg0: i32) -> (i32, i32) {
    %c0_i32 = arith.constant 0 : i32
    %c0_i32_0 = arith.constant 0 : i32
    return %arg0, %c0_i32 : i32, i32
  }
  func.func @transform_2(%arg0: i32) -> (i32, i32, i32) {
    %c0_i32 = arith.constant 0 : i32
    %c0_i32_0 = arith.constant 0 : i32
    %c0_i32_1 = arith.constant 0 : i32
    return %c0_i32, %arg0, %c0_i32_0 : i32, i32, i32
  }
  func.func @transform_3(%arg0: i32) -> (i32, i32) {
    %c0_i32 = arith.constant 0 : i32
    %c0_i32_0 = arith.constant 0 : i32
    return %arg0, %c0_i32 : i32, i32
  }
}

</mosaic_0001>

<sc_bundles>
// kernel: kernel.4.cloned.1.call-start
scs
__scs_entry_jumppad:
0x0: {  	(pc) =	sbr.rel $0x88, $3  }
0x1: {  	(tag) =	ssettag $0x0;
	lr =	simm.s32 $0x1  }
0x2: {  	[smem:$0x3F9E] =	sst lr;
	_ =	strace $0xD0000000  }
0x3: {  	_ = 	snop  }
0x4: {  	_ = 	snop  }
0x5: {  	_ = 	snop  }
0x6: {  	_ = 	snop  }
0x7: {  	_ = 	snop  }
__scs_overlays_trampoline_lowered:
0x8: {  	[smem:$0x3FAD] =	sst s0  }
0x9: {  	[smem:$0x3FAE] =	sst s1  }
0xa: {  	[smem:$0x3FAF] =	sst s2  }
0xb: {  	[smem:$0x3FB0] =	sst s3  }
0xc: {  	[smem:$0x3FB1] =	sst s4  }
0xd: {  	[smem:$0x3FB2] =	sst s5  }
0xe: {  	[smem:$0x3FB3] =	sst s6  }
0xf: {  	[smem:$0x3FB4] =	sst s7  }
0x10: {  	[smem:$0x3FB5] =	sst s8  }
0x11: {  	[smem:$0x3FB6] =	sst s9;
	s0 =	simm.s32 @!p0 $0x0  }
0x12: {  	s1 =	sld [smem:$0x3F9C];
	s0 =	simm.s32 @p0 $0x1  }
0x13: {  	[smem:$0x3FB7] =	sst s0;
	s0 =	simm.s32 @!p1 $0x0  }
0x14: {  	s2 =	sld [smem:$0x3F9B];
	s0 =	simm.s32 @p1 $0x1  }
0x15: {  	[smem:$0x3FB8] =	sst s0;
	s0 =	simm.s32 @!p2 $0x0  }
0x16: {  	s3 =	sld [smem:$0x3FDB];
	s0 =	simm.s32 @p2 $0x1  }
0x17: {  	s4 =	simm.s32 $0x1BF5;
	[smem:$0x3FBA] =	sst s0  }
0x18: {  	s0 =	sld [smem:$0x3F9D];
	_ =	swait.ge [sflag:s4], $0x0  }
0x19: {  	s7 =	sld [smem:$0x3F9E]  }
0x1a: {  	s8 =	sadd.s32 $0xFFFFE003, lr  }
0x1b: {  	s9 =	sadd.s32 $0xFFFFFEF7, lr;
	s5 =	simm.s32 $0xFFFFFFFF;
	p2 =	slt.u32 s8, $0xFFFFF086  }
0x1c: {  	p1 =	slt.u32 s9, $0xF7A;
	s5 =	simm.s32 @!p2 $0x0  }
0x1d: {  	s5 =	simm.s32 @p1 $0x1;
	p0 =	seq.s32 s7, s2  }
0x1e: {  	s7 =	smul.u32 @!p0 $0xF7A, s2;
	p2 =	seq.s32 @!p0 s5, $0x0  }
0x1f: {  	s9 =	smul.u32 $0xF7A, s1;
	s8 =	simm.s32 @!p0 $0x1BF5;
	p2 =	por !p2, p0  }
0x20: {  	[sflag:s8] =	ssyncset.s32 @!p0 $0xFFFFF086;
	s6 =	sadd.s32 @!p0 s3, s7;
	s7 =	simm.s32 @!p0 $0x108  }
0x21: {  	s3 =	sadd.s32 s3, s9;
	s6 =	sadd.s32 @!p0 $0x88, s6;
	s7 =	simm.s32 @p2 $0x1082  }
0x22: {  	[simem:s7], [sflag:s8] =	dma.local @!p0 [hbm:s6], $0xF7A  }
0x23: {  	s9 =	sor.u32 $0xD0000000, s2;
	s6 =	simm.s32 $0x108;
	_ =	swait.ge @!p0 [sflag:s8], $0x0  }
0x24: {  	s3 =	sadd.s32 $0x88, s3;
	s6 =	simm.s32 @!p1 $0x1082;
	[sflag:s4] =	ssyncset.s32 $0xFFFFF086  }
0x25: {  	[simem:s6], [sflag:s4] =	dma.local [hbm:s3], $0xF7A  }
0x26: {  	[smem:$0x3F9E] =	sst s1;
	(tag) =	ssettag s2;
	_ =	strace s9  }
0x27: {  	s1 =	sld [smem:$0x3FAE]  }
0x28: {  	s2 =	sld [smem:$0x3FAF]  }
0x29: {  	s4 =	sld [smem:$0x3FB1]  }
0x2a: {  	p0 =	seq.s32 s5, $0x0;
	s5 =	sld [smem:$0x3FB2]  }
0x2b: {  	s6 =	sld [smem:$0x3FB3]  }
0x2c: {  	s7 =	sld [smem:$0x3FB4]  }
0x2d: {  	s3 =	simm.s32 $0x108;
	s8 =	sld [smem:$0x3FB5]  }
0x2e: {  	s3 =	simm.s32 @!p0 $0x1082;
	s9 =	sld [smem:$0x3FB6]  }
0x2f: {  	lr =	sadd.s32 s0, s3;
	s0 =	sld [smem:$0x3FAD]  }
0x30: {  	s3 =	sld [smem:$0x3FB0]  }
0x31: {  	[smem:$0x3FB9] =	sst s10  }
0x32: {  	s10 =	sld [smem:$0x3FB7];
	_ =	sdelay $0x3  }
0x33: {  	p0 =	seq.s32 s10, $0x1;
	s10 =	sld [smem:$0x3FB9];
	_ =	sdelay $0x3  }
0x34: {  	[smem:$0x3FB9] =	sst s10  }
0x35: {  	s10 =	sld [smem:$0x3FB8];
	_ =	sdelay $0x3  }
0x36: {  	p1 =	seq.s32 s10, $0x1;
	s10 =	sld [smem:$0x3FB9];
	_ =	sdelay $0x3  }
0x37: {  	[smem:$0x3FB9] =	sst s10  }
0x38: {  	s10 =	sld [smem:$0x3FBA]  }
0x39: {  	_ = 	snop;
	(pc) =	sbr.ind lr, $3  }
0x3a: {  	_ = 	snop  }
0x3b: {  	_ = 	snop  }
0x3c: {  	p2 =	seq.s32 s10, $0x1;
	s10 =	sld [smem:$0x3FB9]  }
0x3d: {  	_ =	shalt  }
0x3e: {  	_ =	shalt  }
0x3f: {  	_ =	shalt  }
0x40: {  	_ =	shalt  }
0x41: {  	_ =	shalt  }
0x42: {  	_ =	shalt  }
0x43: {  	_ =	shalt  }
0x44: {  	_ =	shalt  }
0x45: {  	_ =	shalt  }
0x46: {  	_ =	shalt  }
0x47: {  	_ =	shalt  }
0x48: {  	_ =	shalt  }
0x49: {  	_ =	shalt  }
0x4a: {  	_ =	shalt  }
0x4b: {  	_ =	shalt  }
0x4c: {  	_ =	shalt  }
0x4d: {  	_ =	shalt  }
0x4e: {  	_ =	shalt  }
0x4f: {  	_ =	shalt  }
0x50: {  	_ =	shalt  }
0x51: {  	_ =	shalt  }
0x52: {  	_ =	shalt  }
0x53: {  	_ =	shalt  }
0x54: {  	_ =	shalt  }
0x55: {  	_ =	shalt  }
0x56: {  	_ =	shalt  }
0x57: {  	_ =	shalt  }
0x58: {  	_ =	shalt  }
0x59: {  	_ =	shalt  }
0x5a: {  	_ =	shalt  }
0x5b: {  	_ =	shalt  }
0x5c: {  	_ =	shalt  }
0x5d: {  	_ =	shalt  }
0x5e: {  	_ =	shalt  }
0x5f: {  	_ =	shalt  }
0x60: {  	_ =	shalt  }
0x61: {  	_ =	shalt  }
0x62: {  	_ =	shalt  }
0x63: {  	_ =	shalt  }
0x64: {  	_ =	shalt  }
0x65: {  	_ =	shalt  }
0x66: {  	_ =	shalt  }
0x67: {  	_ =	shalt  }
0x68: {  	_ =	shalt  }
0x69: {  	_ =	shalt  }
0x6a: {  	_ =	shalt  }
0x6b: {  	_ =	shalt  }
0x6c: {  	_ =	shalt  }
0x6d: {  	_ =	shalt  }
0x6e: {  	_ =	shalt  }
0x6f: {  	_ =	shalt  }
0x70: {  	_ =	shalt  }
0x71: {  	_ =	shalt  }
0x72: {  	_ =	shalt  }
0x73: {  	_ =	shalt  }
0x74: {  	_ =	shalt  }
0x75: {  	_ =	shalt  }
0x76: {  	_ =	shalt  }
0x77: {  	_ =	shalt  }
0x78: {  	_ =	shalt  }
0x79: {  	_ =	shalt  }
0x7a: {  	_ =	shalt  }
0x7b: {  	_ =	shalt  }
0x7c: {  	_ =	shalt  }
0x7d: {  	_ =	shalt  }
0x7e: {  	_ =	shalt  }
0x7f: {  	_ =	shalt  }
0x80: {  	_ =	shalt  }
0x81: {  	_ =	shalt  }
0x82: {  	_ =	shalt  }
0x83: {  	_ =	shalt  }
0x84: {  	_ =	shalt  }
0x85: {  	_ =	shalt  }
0x86: {  	_ =	shalt  }
0x87: {  	_ =	shalt  }
.Lfunc_end0:
.L_simem_size_0:
called_computation_lowered:
.L_overlay_start_0:
0x88: {  	s2 =	sld [smem:$0x3FD9]  }
0x89: {  	s3 =	sld [smem:$0x3FFE];
	_ =	sdelay $0x1  }
0x8a: {  	s1 =	srdreg.scid  }
0x8b: {  	s0 =	sand.u32 $0x1, s1  }
0x8c: {  	s17 =	sshll.u32 s0, $0xA;
	s2 =	sadd.s32 s3, s2  }
0x8d: {  	s2 =	sadd.s32 s2, s17  }
0x8e: {  	[smem:$0x3FC5] =	sst s2  }
0x8f: {  	_ = 	snop  }
0x90: {  	s2 =	sld [smem:$0x3FC9]  }
0x91: {  	s18 =	sld [smem:$0x3FD0];
	(tm) =	ssettm $0x1  }
0x92: {  	s4 =	sld [smem:$0x3FFB];
	_ =	sdelay $0x3  }
0x93: {  	_ =	strace s4  }
0x94: {  	s4 =	sld [smem:$0x3FFC];
	_ =	sdelay $0x3  }
0x95: {  	_ =	strace s4  }
0x96: {  	s4 =	sld [smem:$0x3FFD];
	_ =	sdelay $0x3  }
0x97: {  	_ =	strace s4  }
0x98: {  	_ =	strace $0x8FFFFFFF  }
0x99: {  	s19 =	sld [smem:$0x3FDB];
	_ =	sdelay $0x1  }
0x9a: {  	s5 =	simm.s32 $_scs_section_size  }
0x9b: {  	s6 =	simm.s32 $_size__tile_overlayer_lowered;
	s7 =	simm.s32 $_tile_overlayer_lowered  }
0x9c: {  	s22 =	simm.s32 $0x1BFF;
	s21 =	sshll.u32 s7, $0x1;
	s4 =	sadd.s32 s5, s19  }
0x9d: {  	s8 =	simm.s32 $0x0;
	s20 =	sshll.u32 s6, $0x1;
	s6 =	sadd.s32 s21, s4  }
0x9e: {  	[timem:s8], [sflag:s22] =	dma.local [hbm:s6], s20  }
0x9f: {  	_ =	swait.ge [sflag:s22], s20  }
0xa0: {  	s5 =	ssub.s32 $0x0, s20;
	[sflag:s22] =	ssyncset.done $0x0  }
0xa1: {  	[sflag:s22] =	ssyncadd.s32 s5;
	_ =	sdelay $0x1  }
0xa2: {  	s23 =	simm.s32 $0x1B8B  }
0xa3: {  	_ =	swait.ge [sflag:s23], $0x1  }
0xa4: {  	[sflag:s23] =	ssyncset.done $0x0  }
0xa5: {  	s25 =	simm.s32 $0x1B8E;
	s24 =	sld [smem:$0x3FFE];
	[sflag:s23] =	ssyncadd.s32 $0xFFFFFFFF  }
0xa6: {  	s26 =	simm.s32 $execute0_lowered;
	[smem:$0x3FD2] =	sst s25  }
0xa7: {  	s6 =	sshll.u32 s26, $0x1;
	_ =	strace $0x80000046;
	[dreg:$0x1] =	wrdreg $0xFFFFFFFF  }
0xa8: {  	s28 =	simm.s32 $_size_execute0_lowered;
	s4 =	sadd.s32 s4, s6;
	[dreg:$0x0] =	wrdreg $0x0  }
0xa9: {  	s6 =	sshll.u32 s28, $0x1;
	[dreg:$0x2] =	wrdreg s4  }
0xaa: {  	[dreg:$0x3] =	wrdreg s6  }
0xab: {  	[dreg:$0x4] =	wrdreg $0xC0  }
0xac: {  	_ =	task [dreg:s8], $0x5FFFF  }
0xad: {  	[dreg:$0x1] =	wrdreg $0xFFFFFFFF  }
0xae: {  	[dreg:$0x0] =	wrdreg $0x60  }
0xaf: {  	[dreg:$0x2] =	wrdreg s2  }
0xb0: {  	[dreg:$0x3] =	wrdreg s18  }
0xb1: {  	[dreg:$0x4] =	wrdreg s24  }
0xb2: {  	[dreg:$0x5] =	wrdreg $0xB8000  }
0xb3: {  	[dreg:$0x6] =	wrdreg $0x9  }
0xb4: {  	_ =	task.clear_ibuf [dreg:s8], $0x7FFFF;
	_ =	strace $0x90000046  }
0xb5: {  	s29 =	simm.s32 $0x9;
	_ =	strace $0x80000048  }
0xb6: {  	_ =	swait.ge [sflag:s29], $0x1  }
0xb7: {  	[sflag:s29] =	ssyncadd.s32 $0xFFFFFFFF  }
0xb8: {  	_ =	strace $0x90000048  }
0xb9: {  	_ =	sfence  }
0xba: {  	s30 =	sld [smem:$0x0];
	_ =	sdelay $0x2  }
0xbb: {  	s31 =	sshll.u32 s1, $0xD;
	s1 =	sshrl.u32 s1, $0x2  }
0xbc: {  	s3 =	sand.u32 $0x4000, s31;
	s1 =	sadd.s32 s1, s30  }
0xbd: {  	s0 =	sor.u32 s3, s0;
	s1 =	sshll.u32 s1, $0x11  }
0xbe: {  	s0 =	sor.u32 s1, s0  }
0xbf: {  	s0 =	sadd.s32 $0x8F2B, s0  }
0xc0: {  	[sflag:s0] =	ssyncadd.remote.s32 $0x1  }
0xc1: {  	_ =	sfence.sel $0xFFFF  }
0xc2: {  	[dreg:$0x0] =	wrdreg $0xFFFFFFFF;
	(pc) =	sbr.abs _section_cstart, $3  }
0xc3: {  	[dreg:$0x1] =	wrdreg $0xFFFFFFFF  }
0xc4: {  	_ =	task.clear_ibuf [dreg:s8], $0x2FFFF;
	_ =	strace $0x9FFFFFFF  }
0xc5: {  	(tm) =	ssettm $0x7FFFFFFF  }
tec
execute0_lowered:
.L_overlay_start_1:
0x0: {  	(tag) =	ssettag $0x1  }
0x1: {  	s2 =	rddreg [dreg:$0x0]  }
0x2: {  	s0 =	srdreg.scid;
	s1 =	rddreg [dreg:$0x1]  }
0x3: {  	s8 =	stileid.u32;
	s4 =	rddreg [dreg:$0x2];
	s25 =	simm.s32 $0x0  }
0x4: {  	s0 =	sand.u32 $0x1, s0;
	s3 =	sshll.u32 s8, $0x1;
	[smem:$0x7FF] =	sst s25  }
0x5: {  	s7 =	sadd.s32 $0xA600, s4;
	s5 =	sor.u32 s0, s3;
	s3 =	rddreg [dreg:$0x3]  }
0x6: {  	s15 =	simm.s32 $0x100;
	_ =	strace $0x80000047;
	[dreg:$0x5] =	wrdreg s7  }
0x7: {  	s16 =	simm.s32 $0x180;
	[dreg:$0xd] =	wrdreg s15  }
0x8: {  	s17 =	simm.s32 $0x200;
	[dreg:$0xe] =	wrdreg s16  }
0x9: {  	s18 =	simm.s32 $0x280;
	[dreg:$0xf] =	wrdreg s17  }
0xa: {  	s19 =	simm.s32 $0x300;
	[dreg:$0x10] =	wrdreg s18  }
0xb: {  	s20 =	simm.s32 $0x380;
	[dreg:$0x11] =	wrdreg s19  }
0xc: {  	s21 =	simm.s32 $0x400;
	[dreg:$0x12] =	wrdreg s20  }
0xd: {  	s22 =	simm.s32 $0x480;
	[dreg:$0x13] =	wrdreg s21  }
0xe: {  	s23 =	simm.s32 $0x500;
	[dreg:$0x14] =	wrdreg s22  }
0xf: {  	s24 =	simm.s32 $0x580;
	[dreg:$0x15] =	wrdreg s23  }
0x10: {  	s26 =	simm.s32 $0x600;
	[dreg:$0x16] =	wrdreg s24  }
0x11: {  	s28 =	simm.s32 $0x680;
	[dreg:$0x17] =	wrdreg s26  }
0x12: {  	[dreg:$0x18] =	wrdreg s28;
	s7 =	simm.s32 $0x980  }
0x13: {  	s15 =	simm.s32 $0xD00;
	[dreg:$0x1e] =	wrdreg s7  }
0x14: {  	s16 =	simm.s32 $0xD80;
	[smem:$0x7C6] =	sst s15  }
0x15: {  	s17 =	simm.s32 $0xE00;
	[smem:$0x7C7] =	sst s16  }
0x16: {  	s18 =	simm.s32 $0xE80;
	[smem:$0x7C8] =	sst s17  }
0x17: {  	s19 =	simm.s32 $0xF00;
	[smem:$0x7C9] =	sst s18  }
0x18: {  	s20 =	simm.s32 $0xF80;
	[smem:$0x7CA] =	sst s19  }
0x19: {  	s21 =	simm.s32 $0x1000;
	[smem:$0x7CB] =	sst s20  }
0x1a: {  	s22 =	simm.s32 $0x1080;
	[smem:$0x7CC] =	sst s21  }
0x1b: {  	s23 =	simm.s32 $0x1100;
	[smem:$0x7CD] =	sst s22  }
0x1c: {  	s24 =	simm.s32 $0x1180;
	[smem:$0x7CE] =	sst s23  }
0x1d: {  	s26 =	simm.s32 $0x1200;
	[smem:$0x7CF] =	sst s24  }
0x1e: {  	s28 =	simm.s32 $0x1280;
	[smem:$0x7D0] =	sst s26  }
0x1f: {  	[smem:$0x7D1] =	sst s28;
	s7 =	simm.s32 $0x1580  }
0x20: {  	s15 =	simm.s32 $0x1900;
	[smem:$0x7D7] =	sst s7  }
0x21: {  	s16 =	simm.s32 $0x1980;
	[smem:$0x7DE] =	sst s15  }
0x22: {  	s17 =	simm.s32 $0x1A00;
	[smem:$0x7DF] =	sst s16  }
0x23: {  	s18 =	simm.s32 $0x1A80;
	[smem:$0x7E0] =	sst s17  }
0x24: {  	s20 =	simm.s32 $0x1B00;
	[smem:$0x7E1] =	sst s18  }
0x25: {  	s22 =	simm.s32 $0x1B80;
	[smem:$0x7E2] =	sst s20  }
0x26: {  	s23 =	simm.s32 $0x1C00;
	[smem:$0x7E3] =	sst s22  }
0x27: {  	s26 =	simm.s32 $0x1C80;
	[smem:$0x7E4] =	sst s23  }
0x28: {  	[smem:$0x7E5] =	sst s26;
	s7 =	simm.s32 $0x1E00  }
0x29: {  	s15 =	simm.s32 $0x2100;
	[smem:$0x7E9] =	sst s7  }
0x2a: {  	s29 =	smul.u32 $0x140000, s0;
	s16 =	simm.s32 $0x2180;
	[smem:$0x7F0] =	sst s15  }
0x2b: {  	s0 =	ssub.s32 $0x2, s0;
	s17 =	simm.s32 $0x2200;
	[smem:$0x7F1] =	sst s16  }
0x2c: {  	s19 =	sshrl.u32 s0, $0x1;
	s18 =	simm.s32 $0x2280;
	[smem:$0x7F2] =	sst s17  }
0x2d: {  	s0 =	ssub.s32 s0, s19;
	s19 =	simm.s32 $0x2300;
	[smem:$0x7F3] =	sst s18  }
0x2e: {  	s20 =	simm.s32 $0x2380;
	[smem:$0x7F4] =	sst s19  }
0x2f: {  	s22 =	simm.s32 $0x2480;
	[smem:$0x7F5] =	sst s20  }
0x30: {  	s5 =	smul.u32 $0x2800, s5;
	s23 =	simm.s32 $0x2500;
	[smem:$0x7F7] =	sst s22  }
0x31: {  	s21 =	smul.u32 $0x50000, s8;
	s26 =	simm.s32 $0x2600;
	[smem:$0x7F8] =	sst s23  }
0x32: {  	s30 =	smul.u32 $0x14000, s8;
	s5 =	sshrl.u32 s5, $0x3;
	[smem:$0x7FA] =	sst s26  }
0x33: {  	s24 =	sshrl.u32 s21, $0x2;
	s21 =	simm.s32 $0x2400;
	s16 =	rddreg [dreg:$0x5]  }
0x34: {  	s6 =	sadd.s32 s5, s4;
	s1 =	sadd.s32 s1, s5;
	[smem:$0x7F6] =	sst s21  }
0x35: {  	s5 =	sadd.s32 s30, s29;
	s29 =	simm.s32 $0x700;
	[dreg:$0x6] =	wrdreg s1  }
0x36: {  	s30 =	simm.s32 $0x780;
	[dreg:$0x19] =	wrdreg s29  }
0x37: {  	s28 =	sadd.s32 s24, s3;
	s24 =	simm.s32 $0x2580;
	[dreg:$0x1a] =	wrdreg s30  }
0x38: {  	s9 =	sadd.s32 $0x600, s6;
	[smem:$0x7F9] =	sst s24  }
0x39: {  	s10 =	sadd.s32 $0x700, s6;
	[dreg:$0x7] =	wrdreg s9  }
0x3a: {  	s11 =	sadd.s32 $0x800, s6;
	[dreg:$0x8] =	wrdreg s10  }
0x3b: {  	s12 =	sadd.s32 $0x900, s6;
	[dreg:$0x9] =	wrdreg s11  }
0x3c: {  	s13 =	sadd.s32 $0xA00, s6;
	[dreg:$0xa] =	wrdreg s12  }
0x3d: {  	s6 =	simm.s32 $0x900;
	[dreg:$0xb] =	wrdreg s13  }
0x3e: {  	s29 =	simm.s32 $0x1300;
	[dreg:$0x1d] =	wrdreg s6  }
0x3f: {  	s5 =	sshrl.u32 s5, $0x3;
	s30 =	simm.s32 $0x1380;
	[smem:$0x7D2] =	sst s29  }
0x40: {  	s4 =	sadd.s32 s5, s4;
	s5 =	simm.s32 $0x880;
	[smem:$0x7D3] =	sst s30  }
0x41: {  	s9 =	simm.s32 $0xA00;
	[dreg:$0x1c] =	wrdreg s5  }
0x42: {  	s10 =	simm.s32 $0xA80;
	[dreg:$0x1f] =	wrdreg s9  }
0x43: {  	s11 =	simm.s32 $0xB00;
	[smem:$0x7C1] =	sst s10  }
0x44: {  	s12 =	simm.s32 $0xB80;
	[smem:$0x7C2] =	sst s11  }
0x45: {  	s13 =	simm.s32 $0xC00;
	[smem:$0x7C3] =	sst s12  }
0x46: {  	s6 =	simm.s32 $0x1500;
	[smem:$0x7C4] =	sst s13  }
0x47: {  	s29 =	simm.s32 $0x1D00;
	[smem:$0x7D6] =	sst s6  }
0x48: {  	s30 =	sshll.u32 s8, $0x6;
	s8 =	simm.s32 $0x1E80;
	[smem:$0x7E6] =	sst s29  }
0x49: {  	s14 =	sadd.s32 $0xCE00, s4;
	[smem:$0x7EB] =	sst s8  }
0x4a: {  	s4 =	simm.s32 $0x800;
	[dreg:$0xc] =	wrdreg s14  }
0x4b: {  	s5 =	simm.s32 $0x1480;
	[dreg:$0x1b] =	wrdreg s4  }
0x4c: {  	s9 =	simm.s32 $0x1600;
	[smem:$0x7D5] =	sst s5  }
0x4d: {  	s10 =	simm.s32 $0x1680;
	[smem:$0x7D8] =	sst s9  }
0x4e: {  	s11 =	simm.s32 $0x1700;
	[smem:$0x7D9] =	sst s10  }
0x4f: {  	s12 =	simm.s32 $0x1780;
	[smem:$0x7DA] =	sst s11  }
0x50: {  	s13 =	simm.s32 $0x1800;
	[smem:$0x7DB] =	sst s12  }
0x51: {  	s29 =	simm.s32 $0x2700;
	[smem:$0x7DC] =	sst s13  }
0x52: {  	p0 =	por $0x0, $0x0;
	s14 =	simm.s32 $0xC80;
	[smem:$0x7FC] =	sst s29  }
0x53: {  	s31 =	simm.s32 $0x6;
	s4 =	simm.s32 $0x1400;
	[smem:$0x7C5] =	sst s14  }
0x54: {  	s7 =	simm.s32 $0x80;
	s5 =	simm.s32 $0x1D80;
	[smem:$0x7D4] =	sst s4  }
0x55: {  	s24 =	simm.s32 $0x5;
	s9 =	sshrl.u32 s28, $0x3;
	[smem:$0x7E8] =	sst s5  }
0x56: {  	s8 =	simm.s32 $0x3800;
	s10 =	simm.s32 $0x1F00;
	[smem:$0x7EA] =	sst s9  }
0x57: {  	s11 =	simm.s32 $0x1F80;
	s12 =	simm.s32 $0x2000;
	[smem:$0x7EC] =	sst s10  }
0x58: {  	s13 =	simm.s32 $0x2080;
	s28 =	simm.s32 $0x2680;
	[smem:$0x7ED] =	sst s11  }
0x59: {  	s14 =	simm.s32 $0x1880;
	s5 =	smax.u32 s0, $0x1;
	[smem:$0x7EE] =	sst s12  }
0x5a: {  	s4 =	sor.u32 $0x1C07, s30;
	[smem:$0x7EF] =	sst s13;
	p1 =	sne.s32 s5, $0x1  }
.Ltmp0:
0x5b: {  	s0 =	simm.s32 $0x3000;
	s10 =	simm.s32 $0x1;
	(pc) =	sbr.rel @!p1 .LBB2_1-.Ltmp0, $4  }
0x5c: {  	s9 =	simm.s32 $0x7800;
	s11 =	simm.s32 $0x3;
	[smem:$0x7FB] =	sst s28  }
0x5d: {  	s12 =	simm.s32 $0x2;
	s13 =	simm.s32 $0x4;
	[smem:$0x7DD] =	sst s14  }
0x5e: {  	s30 =	simm.s32 $0x2780;
	[smem:$0x7E7] =	sst s4;
	s14 =	simm.s32 $0x7  }
0x5f: {  	s4 =	simm.s32 $0x2800;
	[smem:$0x7FD] =	sst s30;
	s5 =	sadd.s32 $0xFFFFFFFF, s5  }
0x60: {  	s1 =	sld [smem:$0x7E7]  }
0x61: {  	s4 =	sld [smem:$0x7EA];
	_ =	sdelay $0x2  }
0x62: {  	[spmem:s4], [sflag:s1] =	dma.local [hbm:s16], $0x2800  }
0x63: {  	_ =	swait.ge [sflag:s14], $0x2800  }
0x64: {  	[sflag:s14] =	ssyncset.done $0x0  }
0x65: {  	s6 =	rddreg [dreg:$0x6];
	[sflag:s14] =	ssyncadd.s32 $0xFFFFD800  }
0x66: {  	[tilespmem:s25], [sflag:$0x7] =	stream.linear.gather [hbm4b:s6+s25], $0x2800, $0x38;
	[tilespmem:$0x1F800] =	vst v63  }
0x67: {  	_ =	swait.ge [sflag:s14], $0x2800  }
0x68: {  	[sflag:s14] =	ssyncset.done $0x0  }
0x69: {  	s30 =	simm.s32 $0x2800;
	s15 =	rddreg [dreg:$0x7];
	[sflag:s14] =	ssyncadd.s32 $0xFFFFD800  }
0x6a: {  	[tilespmem:s30], [sflag:$0x7] =	stream.linear.gather [hbm4b:s15+s25], $0x800, $0x38;
	[tilespmem:$0x1F800] =	vst v63  }
0x6b: {  	_ =	swait.ge [sflag:s14], $0x800  }
0x6c: {  	[sflag:s14] =	ssyncset.done $0x0  }
0x6d: {  	[sflag:s14] =	ssyncadd.s32 $0xFFFFF800  }
0x6e: {  	[bflag:$0x0] =	sbarrier.arrive $0xFFFF  }
0x6f: {  	[tilespmem:s8], [sflag:$0x1] =	stream.indirect.gather [hbm4b:s2+s7], $0x80, s25, s7, $0xb8;
	[tilespmem:$0x1F800] =	vst v63  }
0x70: {  	s17 =	rddreg [dreg:$0x8]  }
0x71: {  	[tilespmem:s0], [sflag:$0x6] =	stream.linear.gather [hbm4b:s17+s25], $0x800, $0x38;
	[tilespmem:$0x1F800] =	vst v63  }
0x72: {  	_ =	swait.ge [sflag:s10], $0x4000  }
0x73: {  	[sflag:s10] =	ssyncset.done $0x0  }
0x74: {  	[sflag:s10] =	ssyncadd.s32 $0xFFFFC000  }
0x75: {  	[spmem:s3] =	stream.indirect.scatter.add.f32 [tilespmem:s8], [sflag:$0x3], $0x80, s30, s7, $0xb8;
	[tilespmem:$0x1F800] =	vst v63  }
0x76: {  	_ = 	snop  }
0x77: {  	[tilespmem:s9], [sflag:$0x2] =	stream.indirect.gather [hbm4b:s2+s7], $0x80, s7, s7, $0xb8;
	[tilespmem:$0x1F800] =	vst v63  }
0x78: {  	_ =	swait.ge [sflag:s11], $0x4000  }
0x79: {  	[sflag:s11] =	ssyncset.done $0x0  }
0x7a: {  	[sflag:s11] =	ssyncadd.s32 $0xFFFFC000  }
0x7b: {  	_ =	swait.ge [sflag:s12], $0x4000  }
0x7c: {  	[sflag:s12] =	ssyncset.done $0x0  }
0x7d: {  	s19 =	simm.s32 $0x2880;
	[sflag:s12] =	ssyncadd.s32 $0xFFFFC000  }
0x7e: {  	[spmem:s3] =	stream.indirect.scatter.add.f32 [tilespmem:s9], [sflag:$0x4], $0x80, s19, s7, $0xb8;
	[tilespmem:$0x1F800] =	vst v63  }
0x7f: {  	s18 =	rddreg [dreg:$0xd]  }
0x80: {  	[tilespmem:s8], [sflag:$0x1] =	stream.indirect.gather [hbm4b:s2+s7], $0x80, s18, s7, $0xb8;
	[tilespmem:$0x1F800] =	vst v63  }
0x81: {  	_ =	swait.ge [sflag:s13], $0x4000  }
0x82: {  	[sflag:s13] =	ssyncset.done $0x0  }
0x83: {  	[sflag:s13] =	ssyncadd.s32 $0xFFFFC000  }
0x84: {  	_ =	swait.ge [sflag:s10], $0x4000  }
0x85: {  	[sflag:s10] =	ssyncset.done $0x0  }
0x86: {  	s21 =	simm.s32 $0x2900;
	[sflag:s10] =	ssyncadd.s32 $0xFFFFC000  }
0x87: {  	[spmem:s3] =	stream.indirect.scatter.add.f32 [tilespmem:s8], [sflag:$0x3], $0x80, s21, s7, $0xb8;
	[tilespmem:$0x1F800] =	vst v63  }
0x88: {  	s20 =	rddreg [dreg:$0xe]  }
0x89: {  	[tilespmem:s9], [sflag:$0x2] =	stream.indirect.gather [hbm4b:s2+s7], $0x80, s20, s7, $0xb8;
	[tilespmem:$0x1F800] =	vst v63  }
0x8a: {  	_ =	swait.ge [sflag:s11], $0x4000  }
0x8b: {  	[sflag:s11] =	ssyncset.done $0x0  }
0x8c: {  	[sflag:s11] =	ssyncadd.s32 $0xFFFFC000  }
0x8d: {  	_ =	swait.ge [sflag:s12], $0x4000  }
0x8e: {  	[sflag:s12] =	ssyncset.done $0x0  }
0x8f: {  	s23 =	simm.s32 $0x2980;
	[sflag:s12] =	ssyncadd.s32 $0xFFFFC000  }
0x90: {  	[spmem:s3] =	stream.indirect.scatter.add.f32 [tilespmem:s9], [sflag:$0x4], $0x80, s23, s7, $0xb8;
	[tilespmem:$0x1F800] =	vst v63  }
0x91: {  	s22 =	rddreg [dreg:$0xf]  }
0x92: {  	[tilespmem:s8], [sflag:$0x1] =	stream.indirect.gather [hbm4b:s2+s7], $0x80, s22, s7, $0xb8;
	[tilespmem:$0x1F800] =	vst v63  }
0x93: {  	_ =	swait.ge [sflag:s13], $0x4000  }
0x94: {  	[sflag:s13] =	ssyncset.done $0x0  }
0x95: {  	[sflag:s13] =	ssyncadd.s32 $0xFFFFC000  }
0x96: {  	_ =	swait.ge [sflag:s10], $0x4000  }
0x97: {  	[sflag:s10] =	ssyncset.done $0x0  }
0x98: {  	s25 =	simm.s32 $0x2A00;
	[sflag:s10] =	ssyncadd.s32 $0xFFFFC000  }
0x99: {  	[spmem:s3] =	stream.indirect.scatter.add.f32 [tilespmem:s8], [sflag:$0x3], $0x80, s25, s7, $0xb8;
	[tilespmem:$0x1F800] =	vst v63  }
0x9a: {  	s24 =	rddreg [dreg:$0x10]  }
0x9b: {  	[tilespmem:s9], [sflag:$0x2] =	stream.indirect.gather [hbm4b:s2+s7], $0x80, s24, s7, $0xb8;
	[tilespmem:$0x1F800] =	vst v63  }
0x9c: {  	_ =	swait.ge [sflag:s11], $0x4000  }
0x9d: {  	[sflag:s11] =	ssyncset.done $0x0  }
0x9e: {  	[sflag:s11] =	ssyncadd.s32 $0xFFFFC000  }
0x9f: {  	_ =	swait.ge [sflag:s12], $0x4000  }
0xa0: {  	[sflag:s12] =	ssyncset.done $0x0  }
0xa1: {  	s28 =	simm.s32 $0x2A80;
	[sflag:s12] =	ssyncadd.s32 $0xFFFFC000  }
0xa2: {  	[spmem:s3] =	stream.indirect.scatter.add.f32 [tilespmem:s9], [sflag:$0x4], $0x80, s28, s7, $0xb8;
	[tilespmem:$0x1F800] =	vst v63  }
0xa3: {  	s26 =	rddreg [dreg:$0x11]  }
0xa4: {  	[tilespmem:s8], [sflag:$0x1] =	stream.indirect.gather [hbm4b:s2+s7], $0x80, s26, s7, $0xb8;
	[tilespmem:$0x1F800] =	vst v63  }
0xa5: {  	_ =	swait.ge [sflag:s13], $0x4000  }
0xa6: {  	[sflag:s13] =	ssyncset.done $0x0  }
0xa7: {  	[sflag:s13] =	ssyncadd.s32 $0xFFFFC000  }
0xa8: {  	_ =	swait.ge [sflag:s10], $0x4000  }
0xa9: {  	[sflag:s10] =	ssyncset.done $0x0  }
0xaa: {  	s31 =	simm.s32 $0x2B00;
	[sflag:s10] =	ssyncadd.s32 $0xFFFFC000  }
0xab: {  	[spmem:s3] =	stream.indirect.scatter.add.f32 [tilespmem:s8], [sflag:$0x3], $0x80, s31, s7, $0xb8;
	[tilespmem:$0x1F800] =	vst v63  }
0xac: {  	s29 =	rddreg [dreg:$0x12]  }
0xad: {  	[tilespmem:s9], [sflag:$0x2] =	stream.indirect.gather [hbm4b:s2+s7], $0x80, s29, s7, $0xb8;
	[tilespmem:$0x1F800] =	vst v63  }
0xae: {  	_ =	swait.ge [sflag:s11], $0x4000  }
0xaf: {  	[sflag:s11] =	ssyncset.done $0x0  }
0xb0: {  	[sflag:s11] =	ssyncadd.s32 $0xFFFFC000  }
0xb1: {  	_ =	swait.ge [sflag:s12], $0x4000  }
0xb2: {  	[sflag:s12] =	ssyncset.done $0x0  }
0xb3: {  	s4 =	simm.s32 $0x2B80;
	[sflag:s12] =	ssyncadd.s32 $0xFFFFC000  }
0xb4: {  	[spmem:s3] =	stream.indirect.scatter.add.f32 [tilespmem:s9], [sflag:$0x4], $0x80, s4, s7, $0xb8;
	[tilespmem:$0x1F800] =	vst v63  }
0xb5: {  	s1 =	rddreg [dreg:$0x13]  }
0xb6: {  	[tilespmem:s8], [sflag:$0x1] =	stream.indirect.gather [hbm4b:s2+s7], $0x80, s1, s7, $0xb8;
	[tilespmem:$0x1F800] =	vst v63  }
0xb7: {  	_ =	swait.ge [sflag:s13], $0x4000  }
0xb8: {  	[sflag:s13] =	ssyncset.done $0x0  }
0xb9: {  	[sflag:s13] =	ssyncadd.s32 $0xFFFFC000  }
0xba: {  	_ =	swait.ge [sflag:s10], $0x4000  }
0xbb: {  	[sflag:s10] =	ssyncset.done $0x0  }
0xbc: {  	s14 =	simm.s32 $0x2C00;
	[sflag:s10] =	ssyncadd.s32 $0xFFFFC000  }
0xbd: {  	[spmem:s3] =	stream.indirect.scatter.add.f32 [tilespmem:s8], [sflag:$0x3], $0x80, s14, s7, $0xb8;
	[tilespmem:$0x1F800] =	vst v63  }
0xbe: {  	s6 =	rddreg [dreg:$0x14]  }
0xbf: {  	[tilespmem:s9], [sflag:$0x2] =	stream.indirect.gather [hbm4b:s2+s7], $0x80, s6, s7, $0xb8;
	[tilespmem:$0x1F800] =	vst v63  }
0xc0: {  	_ =	swait.ge [sflag:s11], $0x4000  }
0xc1: {  	[sflag:s11] =	ssyncset.done $0x0  }
0xc2: {  	[sflag:s11] =	ssyncadd.s32 $0xFFFFC000  }
0xc3: {  	_ =	swait.ge [sflag:s12], $0x4000  }
0xc4: {  	[sflag:s12] =	ssyncset.done $0x0  }
0xc5: {  	s18 =	simm.s32 $0x2C80;
	[sflag:s12] =	ssyncadd.s32 $0xFFFFC000  }
0xc6: {  	[spmem:s3] =	stream.indirect.scatter.add.f32 [tilespmem:s9], [sflag:$0x4], $0x80, s18, s7, $0xb8;
	[tilespmem:$0x1F800] =	vst v63  }
0xc7: {  	s17 =	rddreg [dreg:$0x15]  }
0xc8: {  	[tilespmem:s8], [sflag:$0x1] =	stream.indirect.gather [hbm4b:s2+s7], $0x80, s17, s7, $0xb8;
	[tilespmem:$0x1F800] =	vst v63  }
0xc9: {  	_ =	swait.ge [sflag:s13], $0x4000  }
0xca: {  	[sflag:s13] =	ssyncset.done $0x0  }
0xcb: {  	[sflag:s13] =	ssyncadd.s32 $0xFFFFC000  }
0xcc: {  	_ =	swait.ge [sflag:s10], $0x4000  }
0xcd: {  	[sflag:s10] =	ssyncset.done $0x0  }
0xce: {  	s20 =	simm.s32 $0x2D00;
	[sflag:s10] =	ssyncadd.s32 $0xFFFFC000  }
0xcf: {  	[spmem:s3] =	stream.indirect.scatter.add.f32 [tilespmem:s8], [sflag:$0x3], $0x80, s20, s7, $0xb8;
	[tilespmem:$0x1F800] =	vst v63  }
0xd0: {  	s19 =	rddreg [dreg:$0x16]  }
0xd1: {  	[tilespmem:s9], [sflag:$0x2] =	stream.indirect.gather [hbm4b:s2+s7], $0x80, s19, s7, $0xb8;
	[tilespmem:$0x1F800] =	vst v63  }
0xd2: {  	_ =	swait.ge [sflag:s11], $0x4000  }
0xd3: {  	[sflag:s11] =	ssyncset.done $0x0  }
0xd4: {  	[sflag:s11] =	ssyncadd.s32 $0xFFFFC000  }
0xd5: {  	_ =	swait.ge [sflag:s12], $0x4000  }
0xd6: {  	[sflag:s12] =	ssyncset.done $0x0  }
0xd7: {  	s22 =	simm.s32 $0x2D80;
	[sflag:s12] =	ssyncadd.s32 $0xFFFFC000  }
0xd8: {  	[spmem:s3] =	stream.indirect.scatter.add.f32 [tilespmem:s9], [sflag:$0x4], $0x80, s22, s7, $0xb8;
	[tilespmem:$0x1F800] =	vst v63  }
0xd9: {  	s21 =	rddreg [dreg:$0x17]  }
0xda: {  	[tilespmem:s8], [sflag:$0x1] =	stream.indirect.gather [hbm4b:s2+s7], $0x80, s21, s7, $0xb8;
	[tilespmem:$0x1F800] =	vst v63  }
0xdb: {  	_ =	swait.ge [sflag:s13], $0x4000  }
0xdc: {  	[sflag:s13] =	ssyncset.done $0x0  }
0xdd: {  	[sflag:s13] =	ssyncadd.s32 $0xFFFFC000  }
0xde: {  	_ =	swait.ge [sflag:s10], $0x4000  }
0xdf: {  	[sflag:s10] =	ssyncset.done $0x0  }
0xe0: {  	s24 =	simm.s32 $0x2E00;
	[sflag:s10] =	ssyncadd.s32 $0xFFFFC000  }
0xe1: {  	[spmem:s3] =	stream.indirect.scatter.add.f32 [tilespmem:s8], [sflag:$0x3], $0x80, s24, s7, $0xb8;
	[tilespmem:$0x1F800] =	vst v63  }
0xe2: {  	s23 =	rddreg [dreg:$0x18]  }
0xe3: {  	[tilespmem:s9], [sflag:$0x2] =	stream.indirect.gather [hbm4b:s2+s7], $0x80, s23, s7, $0xb8;
	[tilespmem:$0x1F800] =	vst v63  }
0xe4: {  	_ =	swait.ge [sflag:s11], $0x4000  }
0xe5: {  	[sflag:s11] =	ssyncset.done $0x0  }
0xe6: {  	[sflag:s11] =	ssyncadd.s32 $0xFFFFC000  }
0xe7: {  	_ =	swait.ge [sflag:s12], $0x4000  }
0xe8: {  	[sflag:s12] =	ssyncset.done $0x0  }
0xe9: {  	s26 =	simm.s32 $0x2E80;
	[sflag:s12] =	ssyncadd.s32 $0xFFFFC000  }
0xea: {  	[spmem:s3] =	stream.indirect.scatter.add.f32 [tilespmem:s9], [sflag:$0x4], $0x80, s26, s7, $0xb8;
	[tilespmem:$0x1F800] =	vst v63  }
0xeb: {  	s25 =	rddreg [dreg:$0x19]  }
0xec: {  	[tilespmem:s8], [sflag:$0x1] =	stream.indirect.gather [hbm4b:s2+s7], $0x80, s25, s7, $0xb8;
	[tilespmem:$0x1F800] =	vst v63  }
0xed: {  	_ =	swait.ge [sflag:s13], $0x4000  }
0xee: {  	[sflag:s13] =	ssyncset.done $0x0  }
0xef: {  	[sflag:s13] =	ssyncadd.s32 $0xFFFFC000  }
0xf0: {  	_ =	swait.ge [sflag:s10], $0x4000  }
0xf1: {  	[sflag:s10] =	ssyncset.done $0x0  }
0xf2: {  	s6 =	simm.s32 $0x2F00;
	[sflag:s10] =	ssyncadd.s32 $0xFFFFC000  }
0xf3: {  	[spmem:s3] =	stream.indirect.scatter.add.f32 [tilespmem:s8], [sflag:$0x3], $0x80, s6, s7, $0xb8;
	[tilespmem:$0x1F800] =	vst v63  }
0xf4: {  	s28 =	rddreg [dreg:$0x1a]  }
0xf5: {  	[tilespmem:s9], [sflag:$0x2] =	stream.indirect.gather [hbm4b:s2+s7], $0x80, s28, s7, $0xb8;
	[tilespmem:$0x1F800] =	vst v63  }
0xf6: {  	_ =	swait.ge [sflag:s11], $0x4000  }
0xf7: {  	[sflag:s11] =	ssyncset.done $0x0  }
0xf8: {  	[sflag:s11] =	ssyncadd.s32 $0xFFFFC000  }
0xf9: {  	_ =	swait.ge [sflag:s12], $0x4000  }
0xfa: {  	[sflag:s12] =	ssyncset.done $0x0  }
0xfb: {  	s31 =	simm.s32 $0x2F80;
	[sflag:s12] =	ssyncadd.s32 $0xFFFFC000  }
0xfc: {  	[spmem:s3] =	stream.indirect.scatter.add.f32 [tilespmem:s9], [sflag:$0x4], $0x80, s31, s7, $0xb8;
	[tilespmem:$0x1F800] =	vst v63  }
0xfd: {  	s29 =	rddreg [dreg:$0x1b]  }
0xfe: {  	[tilespmem:s8], [sflag:$0x1] =	stream.indirect.gather [hbm4b:s2+s7], $0x80, s29, s7, $0xb8;
	[tilespmem:$0x1F800] =	vst v63  }
0xff: {  	_ =	swait.ge [sflag:s13], $0x4000  }
0x100: {  	s0 =	simm.s32 $0x6;
	[sflag:s13] =	ssyncset.done $0x0  }
0x101: {  	s14 =	simm.s32 $0x0;
	s6 =	rddreg [dreg:$0x9];
	[sflag:s13] =	ssyncadd.s32 $0xFFFFC000  }
0x102: {  	[tilespmem:s30], [sflag:$0x5] =	stream.linear.gather [hbm4b:s6+s14], $0x800, $0x38;
	[tilespmem:$0x1F800] =	vst v63  }
0x103: {  	_ =	swait.ge [sflag:s0], $0x800  }
0x104: {  	[sflag:s0] =	ssyncset.done $0x0  }
0x105: {  	[sflag:s0] =	ssyncadd.s32 $0xFFFFF800  }
0x106: {  	_ =	swait.ge [sflag:s10], $0x4000  }
0x107: {  	[sflag:s10] =	ssyncset.done $0x0  }
0x108: {  	s4 =	simm.s32 $0x3000;
	[sflag:s10] =	ssyncadd.s32 $0xFFFFC000  }
0x109: {  	[spmem:s3] =	stream.indirect.scatter.add.f32 [tilespmem:s8], [sflag:$0x3], $0x80, s4, s7, $0xb8;
	[tilespmem:$0x1F800] =	vst v63  }
0x10a: {  	s17 =	rddreg [dreg:$0x1c]  }
0x10b: {  	[tilespmem:s9], [sflag:$0x2] =	stream.indirect.gather [hbm4b:s2+s7], $0x80, s17, s7, $0xb8;
	[tilespmem:$0x1F800] =	vst v63  }
0x10c: {  	_ =	swait.ge [sflag:s11], $0x4000  }
0x10d: {  	[sflag:s11] =	ssyncset.done $0x0  }
0x10e: {  	[sflag:s11] =	ssyncadd.s32 $0xFFFFC000  }
0x10f: {  	_ =	swait.ge [sflag:s12], $0x4000  }
0x110: {  	[sflag:s12] =	ssyncset.done $0x0  }
0x111: {  	s21 =	simm.s32 $0x3080;
	[sflag:s12] =	ssyncadd.s32 $0xFFFFC000  }
0x112: {  	[spmem:s3] =	stream.indirect.scatter.add.f32 [tilespmem:s9], [sflag:$0x4], $0x80, s21, s7, $0xb8;
	[tilespmem:$0x1F800] =	vst v63  }
0x113: {  	s18 =	rddreg [dreg:$0x1d]  }
0x114: {  	[tilespmem:s8], [sflag:$0x1] =	stream.indirect.gather [hbm4b:s2+s7], $0x80, s18, s7, $0xb8;
	[tilespmem:$0x1F800] =	vst v63  }
0x115: {  	_ =	swait.ge [sflag:s13], $0x4000  }
0x116: {  	[sflag:s13] =	ssyncset.done $0x0  }
0x117: {  	[sflag:s13] =	ssyncadd.s32 $0xFFFFC000  }
0x118: {  	_ =	swait.ge [sflag:s10], $0x4000  }
0x119: {  	[sflag:s10] =	ssyncset.done $0x0  }
0x11a: {  	s29 =	simm.s32 $0x3100;
	[sflag:s10] =	ssyncadd.s32 $0xFFFFC000  }
0x11b: {  	[spmem:s3] =	stream.indirect.scatter.add.f32 [tilespmem:s8], [sflag:$0x3], $0x80, s29, s7, $0xb8;
	[tilespmem:$0x1F800] =	vst v63  }
0x11c: {  	s22 =	rddreg [dreg:$0x1e]  }
0x11d: {  	[tilespmem:s9], [sflag:$0x2] =	stream.indirect.gather [hbm4b:s2+s7], $0x80, s22, s7, $0xb8;
	[tilespmem:$0x1F800] =	vst v63  }
0x11e: {  	_ =	swait.ge [sflag:s11], $0x4000  }
0x11f: {  	[sflag:s11] =	ssyncset.done $0x0  }
0x120: {  	[sflag:s11] =	ssyncadd.s32 $0xFFFFC000  }
0x121: {  	_ =	swait.ge [sflag:s12], $0x4000  }
0x122: {  	[sflag:s12] =	ssyncset.done $0x0  }
0x123: {  	s24 =	simm.s32 $0x3180;
	[sflag:s12] =	ssyncadd.s32 $0xFFFFC000  }
0x124: {  	[spmem:s3] =	stream.indirect.scatter.add.f32 [tilespmem:s9], [sflag:$0x4], $0x80, s24, s7, $0xb8;
	[tilespmem:$0x1F800] =	vst v63  }
0x125: {  	s23 =	rddreg [dreg:$0x1f]  }
0x126: {  	[tilespmem:s8], [sflag:$0x1] =	stream.indirect.gather [hbm4b:s2+s7], $0x80, s23, s7, $0xb8;
	[tilespmem:$0x1F800] =	vst v63  }
0x127: {  	_ =	swait.ge [sflag:s13], $0x4000  }
0x128: {  	[sflag:s13] =	ssyncset.done $0x0  }
0x129: {  	[sflag:s13] =	ssyncadd.s32 $0xFFFFC000  }
0x12a: {  	_ =	swait.ge [sflag:s10], $0x4000  }
0x12b: {  	[sflag:s10] =	ssyncset.done $0x0  }
0x12c: {  	s28 =	simm.s32 $0x3200;
	s25 =	sld [smem:$0x7C1];
	[sflag:s10] =	ssyncadd.s32 $0xFFFFC000  }
0x12d: {  	[spmem:s3] =	stream.indirect.scatter.add.f32 [tilespmem:s8], [sflag:$0x3], $0x80, s28, s7, $0xb8;
	[tilespmem:$0x1F800] =	vst v63  }
0x12e: {  	_ = 	snop  }
0x12f: {  	[tilespmem:s9], [sflag:$0x2] =	stream.indirect.gather [hbm4b:s2+s7], $0x80, s25, s7, $0xb8;
	[tilespmem:$0x1F800] =	vst v63  }
0x130: {  	_ =	swait.ge [sflag:s11], $0x4000  }
0x131: {  	[sflag:s11] =	ssyncset.done $0x0  }
0x132: {  	[sflag:s11] =	ssyncadd.s32 $0xFFFFC000  }
0x133: {  	_ =	swait.ge [sflag:s12], $0x4000  }
0x134: {  	[sflag:s12] =	ssyncset.done $0x0  }
0x135: {  	s31 =	simm.s32 $0x3280;
	s26 =	sld [smem:$0x7C2];
	[sflag:s12] =	ssyncadd.s32 $0xFFFFC000  }
0x136: {  	[spmem:s3] =	stream.indirect.scatter.add.f32 [tilespmem:s9], [sflag:$0x4], $0x80, s31, s7, $0xb8;
	[tilespmem:$0x1F800] =	vst v63  }
0x137: {  	_ = 	snop  }
0x138: {  	[tilespmem:s8], [sflag:$0x1] =	stream.indirect.gather [hbm4b:s2+s7], $0x80, s26, s7, $0xb8;
	[tilespmem:$0x1F800] =	vst v63  }
0x139: {  	_ =	swait.ge [sflag:s13], $0x4000  }
0x13a: {  	[sflag:s13] =	ssyncset.done $0x0  }
0x13b: {  	[sflag:s13] =	ssyncadd.s32 $0xFFFFC000  }
0x13c: {  	_ =	swait.ge [sflag:s10], $0x4000  }
0x13d: {  	[sflag:s10] =	ssyncset.done $0x0  }
0x13e: {  	s26 =	simm.s32 $0x3300;
	s6 =	sld [smem:$0x7C3];
	[sflag:s10] =	ssyncadd.s32 $0xFFFFC000  }
0x13f: {  	[spmem:s3] =	stream.indirect.scatter.add.f32 [tilespmem:s8], [sflag:$0x3], $0x80, s26, s7, $0xb8;
	[tilespmem:$0x1F800] =	vst v63  }
0x140: {  	_ = 	snop  }
0x141: {  	[tilespmem:s9], [sflag:$0x2] =	stream.indirect.gather [hbm4b:s2+s7], $0x80, s6, s7, $0xb8;
	[tilespmem:$0x1F800] =	vst v63  }
0x142: {  	_ =	swait.ge [sflag:s11], $0x4000  }
0x143: {  	[sflag:s11] =	ssyncset.done $0x0  }
0x144: {  	[sflag:s11] =	ssyncadd.s32 $0xFFFFC000  }
0x145: {  	_ =	swait.ge [sflag:s12], $0x4000  }
0x146: {  	[sflag:s12] =	ssyncset.done $0x0  }
0x147: {  	s18 =	simm.s32 $0x3380;
	s17 =	sld [smem:$0x7C4];
	[sflag:s12] =	ssyncadd.s32 $0xFFFFC000  }
0x148: {  	[spmem:s3] =	stream.indirect.scatter.add.f32 [tilespmem:s9], [sflag:$0x4], $0x80, s18, s7, $0xb8;
	[tilespmem:$0x1F800] =	vst v63  }
0x149: {  	_ = 	snop  }
0x14a: {  	[tilespmem:s8], [sflag:$0x1] =	stream.indirect.gather [hbm4b:s2+s7], $0x80, s17, s7, $0xb8;
	[tilespmem:$0x1F800] =	vst v63  }
0x14b: {  	_ =	swait.ge [sflag:s13], $0x4000  }
0x14c: {  	[sflag:s13] =	ssyncset.done $0x0  }
0x14d: {  	[sflag:s13] =	ssyncadd.s32 $0xFFFFC000  }
0x14e: {  	_ =	swait.ge [sflag:s10], $0x4000  }
0x14f: {  	[sflag:s10] =	ssyncset.done $0x0  }
0x150: {  	s23 =	simm.s32 $0x3400;
	s21 =	sld [smem:$0x7C5];
	[sflag:s10] =	ssyncadd.s32 $0xFFFFC000  }
0x151: {  	[spmem:s3] =	stream.indirect.scatter.add.f32 [tilespmem:s8], [sflag:$0x3], $0x80, s23, s7, $0xb8;
	[tilespmem:$0x1F800] =	vst v63  }
0x152: {  	_ = 	snop  }
0x153: {  	[tilespmem:s9], [sflag:$0x2] =	stream.indirect.gather [hbm4b:s2+s7], $0x80, s21, s7, $0xb8;
	[tilespmem:$0x1F800] =	vst v63  }
0x154: {  	_ =	swait.ge [sflag:s11], $0x4000  }
0x155: {  	[sflag:s11] =	ssyncset.done $0x0  }
0x156: {  	[sflag:s11] =	ssyncadd.s32 $0xFFFFC000  }
0x157: {  	_ =	swait.ge [sflag:s12], $0x4000  }
0x158: {  	[sflag:s12] =	ssyncset.done $0x0  }
0x159: {  	s24 =	simm.s32 $0x3480;
	s22 =	sld [smem:$0x7C6];
	[sflag:s12] =	ssyncadd.s32 $0xFFFFC000  }
0x15a: {  	[spmem:s3] =	stream.indirect.scatter.add.f32 [tilespmem:s9], [sflag:$0x4], $0x80, s24, s7, $0xb8;
	[tilespmem:$0x1F800] =	vst v63  }
0x15b: {  	_ = 	snop  }
0x15c: {  	[tilespmem:s8], [sflag:$0x1] =	stream.indirect.gather [hbm4b:s2+s7], $0x80, s22, s7, $0xb8;
	[tilespmem:$0x1F800] =	vst v63  }
0x15d: {  	_ =	swait.ge [sflag:s13], $0x4000  }
0x15e: {  	[sflag:s13] =	ssyncset.done $0x0  }
0x15f: {  	[sflag:s13] =	ssyncadd.s32 $0xFFFFC000  }
0x160: {  	_ =	swait.ge [sflag:s10], $0x4000  }
0x161: {  	[sflag:s10] =	ssyncset.done $0x0  }
0x162: {  	s22 =	simm.s32 $0x3500;
	s25 =	sld [smem:$0x7C7];
	[sflag:s10] =	ssyncadd.s32 $0xFFFFC000  }
0x163: {  	[spmem:s3] =	stream.indirect.scatter.add.f32 [tilespmem:s8], [sflag:$0x3], $0x80, s22, s7, $0xb8;
	[tilespmem:$0x1F800] =	vst v63  }
0x164: {  	_ = 	snop  }
0x165: {  	[tilespmem:s9], [sflag:$0x2] =	stream.indirect.gather [hbm4b:s2+s7], $0x80, s25, s7, $0xb8;
	[tilespmem:$0x1F800] =	vst v63  }
0x166: {  	_ =	swait.ge [sflag:s11], $0x4000  }
0x167: {  	[sflag:s11] =	ssyncset.done $0x0  }
0x168: {  	[sflag:s11] =	ssyncadd.s32 $0xFFFFC000  }
0x169: {  	_ =	swait.ge [sflag:s12], $0x4000  }
0x16a: {  	[sflag:s12] =	ssyncset.done $0x0  }
0x16b: {  	s24 =	simm.s32 $0x3580;
	s31 =	sld [smem:$0x7C8];
	[sflag:s12] =	ssyncadd.s32 $0xFFFFC000  }
0x16c: {  	[spmem:s3] =	stream.indirect.scatter.add.f32 [tilespmem:s9], [sflag:$0x4], $0x80, s24, s7, $0xb8;
	[tilespmem:$0x1F800] =	vst v63  }
0x16d: {  	_ = 	snop  }
0x16e: {  	[tilespmem:s8], [sflag:$0x1] =	stream.indirect.gather [hbm4b:s2+s7], $0x80, s31, s7, $0xb8;
	[tilespmem:$0x1F800] =	vst v63  }
0x16f: {  	_ =	swait.ge [sflag:s13], $0x4000  }
0x170: {  	[sflag:s13] =	ssyncset.done $0x0  }
0x171: {  	[sflag:s13] =	ssyncadd.s32 $0xFFFFC000  }
0x172: {  	_ =	swait.ge [sflag:s10], $0x4000  }
0x173: {  	[sflag:s10] =	ssyncset.done $0x0  }
0x174: {  	s21 =	simm.s32 $0x3600;
	s6 =	sld [smem:$0x7C9];
	[sflag:s10] =	ssyncadd.s32 $0xFFFFC000  }
0x175: {  	[spmem:s3] =	stream.indirect.scatter.add.f32 [tilespmem:s8], [sflag:$0x3], $0x80, s21, s7, $0xb8;
	[tilespmem:$0x1F800] =	vst v63  }
0x176: {  	_ = 	snop  }
0x177: {  	[tilespmem:s9], [sflag:$0x2] =	stream.indirect.gather [hbm4b:s2+s7], $0x80, s6, s7, $0xb8;
	[tilespmem:$0x1F800] =	vst v63  }
0x178: {  	_ =	swait.ge [sflag:s11], $0x4000  }
0x179: {  	[sflag:s11] =	ssyncset.done $0x0  }
0x17a: {  	[sflag:s11] =	ssyncadd.s32 $0xFFFFC000  }
0x17b: {  	_ =	swait.ge [sflag:s12], $0x4000  }
0x17c: {  	[sflag:s12] =	ssyncset.done $0x0  }
0x17d: {  	s31 =	simm.s32 $0x3680;
	s17 =	sld [smem:$0x7CA];
	[sflag:s12] =	ssyncadd.s32 $0xFFFFC000  }
0x17e: {  	[spmem:s3] =	stream.indirect.scatter.add.f32 [tilespmem:s9], [sflag:$0x4], $0x80, s31, s7, $0xb8;
	[tilespmem:$0x1F800] =	vst v63  }
0x17f: {  	_ = 	snop  }
0x180: {  	[tilespmem:s8], [sflag:$0x1] =	stream.indirect.gather [hbm4b:s2+s7], $0x80, s17, s7, $0xb8;
	[tilespmem:$0x1F800] =	vst v63  }
0x181: {  	_ =	swait.ge [sflag:s13], $0x4000  }
0x182: {  	[sflag:s13] =	ssyncset.done $0x0  }
0x183: {  	[sflag:s13] =	ssyncadd.s32 $0xFFFFC000  }
0x184: {  	_ =	swait.ge [sflag:s10], $0x4000  }
0x185: {  	[sflag:s10] =	ssyncset.done $0x0  }
0x186: {  	s25 =	simm.s32 $0x3700;
	s18 =	sld [smem:$0x7CB];
	[sflag:s10] =	ssyncadd.s32 $0xFFFFC000  }
0x187: {  	[spmem:s3] =	stream.indirect.scatter.add.f32 [tilespmem:s8], [sflag:$0x3], $0x80, s25, s7, $0xb8;
	[tilespmem:$0x1F800] =	vst v63  }
0x188: {  	_ = 	snop  }
0x189: {  	[tilespmem:s9], [sflag:$0x2] =	stream.indirect.gather [hbm4b:s2+s7], $0x80, s18, s7, $0xb8;
	[tilespmem:$0x1F800] =	vst v63  }
0x18a: {  	_ =	swait.ge [sflag:s11], $0x4000  }
0x18b: {  	[sflag:s11] =	ssyncset.done $0x0  }
0x18c: {  	[sflag:s11] =	ssyncadd.s32 $0xFFFFC000  }
0x18d: {  	_ =	swait.ge [sflag:s12], $0x4000  }
0x18e: {  	[sflag:s12] =	ssyncset.done $0x0  }
0x18f: {  	s25 =	simm.s32 $0x3780;
	s6 =	sld [smem:$0x7CC];
	[sflag:s12] =	ssyncadd.s32 $0xFFFFC000  }
0x190: {  	[spmem:s3] =	stream.indirect.scatter.add.f32 [tilespmem:s9], [sflag:$0x4], $0x80, s25, s7, $0xb8;
	[tilespmem:$0x1F800] =	vst v63  }
0x191: {  	_ = 	snop  }
0x192: {  	[tilespmem:s8], [sflag:$0x1] =	stream.indirect.gather [hbm4b:s2+s7], $0x80, s6, s7, $0xb8;
	[tilespmem:$0x1F800] =	vst v63  }
0x193: {  	_ =	swait.ge [sflag:s13], $0x4000  }
0x194: {  	[sflag:s13] =	ssyncset.done $0x0  }
0x195: {  	s1 =	simm.s32 $0x5;
	s17 =	rddreg [dreg:$0xa];
	[sflag:s13] =	ssyncadd.s32 $0xFFFFC000  }
0x196: {  	[tilespmem:s4], [sflag:$0x6] =	stream.linear.gather [hbm4b:s17+s14], $0x800, $0x38;
	[tilespmem:$0x1F800] =	vst v63  }
0x197: {  	_ =	swait.ge [sflag:s1], $0x800  }
0x198: {  	[sflag:s1] =	ssyncset.done $0x0  }
0x199: {  	[sflag:s1] =	ssyncadd.s32 $0xFFFFF800  }
0x19a: {  	_ =	swait.ge [sflag:s10], $0x4000  }
0x19b: {  	[sflag:s10] =	ssyncset.done $0x0  }
0x19c: {  	s18 =	sld [smem:$0x7CD];
	[sflag:s10] =	ssyncadd.s32 $0xFFFFC000  }
0x19d: {  	[spmem:s3] =	stream.indirect.scatter.add.f32 [tilespmem:s8], [sflag:$0x3], $0x80, s30, s7, $0xb8;
	[tilespmem:$0x1F800] =	vst v63  }
0x19e: {  	_ = 	snop  }
0x19f: {  	[tilespmem:s9], [sflag:$0x2] =	stream.indirect.gather [hbm4b:s2+s7], $0x80, s18, s7, $0xb8;
	[tilespmem:$0x1F800] =	vst v63  }
0x1a0: {  	_ =	swait.ge [sflag:s11], $0x4000  }
0x1a1: {  	[sflag:s11] =	ssyncset.done $0x0  }
0x1a2: {  	[sflag:s11] =	ssyncadd.s32 $0xFFFFC000  }
0x1a3: {  	_ =	swait.ge [sflag:s12], $0x4000  }
0x1a4: {  	[sflag:s12] =	ssyncset.done $0x0  }
0x1a5: {  	s15 =	simm.s32 $0x2880;
	s6 =	sld [smem:$0x7CE];
	[sflag:s12] =	ssyncadd.s32 $0xFFFFC000  }
0x1a6: {  	[spmem:s3] =	stream.indirect.scatter.add.f32 [tilespmem:s9], [sflag:$0x4], $0x80, s15, s7, $0xb8;
	[tilespmem:$0x1F800] =	vst v63  }
0x1a7: {  	_ = 	snop  }
0x1a8: {  	[tilespmem:s8], [sflag:$0x1] =	stream.indirect.gather [hbm4b:s2+s7], $0x80, s6, s7, $0xb8;
	[tilespmem:$0x1F800] =	vst v63  }
0x1a9: {  	_ =	swait.ge [sflag:s13], $0x4000  }
0x1aa: {  	[sflag:s13] =	ssyncset.done $0x0  }
0x1ab: {  	[sflag:s13] =	ssyncadd.s32 $0xFFFFC000  }
0x1ac: {  	_ =	swait.ge [sflag:s10], $0x4000  }
0x1ad: {  	[sflag:s10] =	ssyncset.done $0x0  }
0x1ae: {  	s18 =	simm.s32 $0x2900;
	s17 =	sld [smem:$0x7CF];
	[sflag:s10] =	ssyncadd.s32 $0xFFFFC000  }
0x1af: {  	[spmem:s3] =	stream.indirect.scatter.add.f32 [tilespmem:s8], [sflag:$0x3], $0x80, s18, s7, $0xb8;
	[tilespmem:$0x1F800] =	vst v63  }
0x1b0: {  	_ = 	snop  }
0x1b1: {  	[tilespmem:s9], [sflag:$0x2] =	stream.indirect.gather [hbm4b:s2+s7], $0x80, s17, s7, $0xb8;
	[tilespmem:$0x1F800] =	vst v63  }
0x1b2: {  	_ =	swait.ge [sflag:s11], $0x4000  }
0x1b3: {  	[sflag:s11] =	ssyncset.done $0x0  }
0x1b4: {  	[sflag:s11] =	ssyncadd.s32 $0xFFFFC000  }
0x1b5: {  	_ =	swait.ge [sflag:s12], $0x4000  }
0x1b6: {  	[sflag:s12] =	ssyncset.done $0x0  }
0x1b7: {  	s6 =	simm.s32 $0x2980;
	s15 =	sld [smem:$0x7D0];
	[sflag:s12] =	ssyncadd.s32 $0xFFFFC000  }
0x1b8: {  	[spmem:s3] =	stream.indirect.scatter.add.f32 [tilespmem:s9], [sflag:$0x4], $0x80, s6, s7, $0xb8;
	[tilespmem:$0x1F800] =	vst v63  }
0x1b9: {  	_ = 	snop  }
0x1ba: {  	[tilespmem:s8], [sflag:$0x1] =	stream.indirect.gather [hbm4b:s2+s7], $0x80, s15, s7, $0xb8;
	[tilespmem:$0x1F800] =	vst v63  }
0x1bb: {  	_ =	swait.ge [sflag:s13], $0x4000  }
0x1bc: {  	[sflag:s13] =	ssyncset.done $0x0  }
0x1bd: {  	[sflag:s13] =	ssyncadd.s32 $0xFFFFC000  }
0x1be: {  	_ =	swait.ge [sflag:s10], $0x4000  }
0x1bf: {  	[sflag:s10] =	ssyncset.done $0x0  }
0x1c0: {  	s18 =	simm.s32 $0x2A00;
	s17 =	sld [smem:$0x7D1];
	[sflag:s10] =	ssyncadd.s32 $0xFFFFC000  }
0x1c1: {  	[spmem:s3] =	stream.indirect.scatter.add.f32 [tilespmem:s8], [sflag:$0x3], $0x80, s18, s7, $0xb8;
	[tilespmem:$0x1F800] =	vst v63  }
0x1c2: {  	_ = 	snop  }
0x1c3: {  	[tilespmem:s9], [sflag:$0x2] =	stream.indirect.gather [hbm4b:s2+s7], $0x80, s17, s7, $0xb8;
	[tilespmem:$0x1F800] =	vst v63  }
0x1c4: {  	_ =	swait.ge [sflag:s11], $0x4000  }
0x1c5: {  	[sflag:s11] =	ssyncset.done $0x0  }
0x1c6: {  	[sflag:s11] =	ssyncadd.s32 $0xFFFFC000  }
0x1c7: {  	_ =	swait.ge [sflag:s12], $0x4000  }
0x1c8: {  	[sflag:s12] =	ssyncset.done $0x0  }
0x1c9: {  	s15 =	simm.s32 $0x2A80;
	s17 =	sld [smem:$0x7D2];
	[sflag:s12] =	ssyncadd.s32 $0xFFFFC000  }
0x1ca: {  	[spmem:s3] =	stream.indirect.scatter.add.f32 [tilespmem:s9], [sflag:$0x4], $0x80, s15, s7, $0xb8;
	[tilespmem:$0x1F800] =	vst v63  }
0x1cb: {  	_ = 	snop  }
0x1cc: {  	[tilespmem:s8], [sflag:$0x1] =	stream.indirect.gather [hbm4b:s2+s7], $0x80, s17, s7, $0xb8;
	[tilespmem:$0x1F800] =	vst v63  }
0x1cd: {  	_ =	swait.ge [sflag:s13], $0x4000  }
0x1ce: {  	[sflag:s13] =	ssyncset.done $0x0  }
0x1cf: {  	[sflag:s13] =	ssyncadd.s32 $0xFFFFC000  }
0x1d0: {  	_ =	swait.ge [sflag:s10], $0x4000  }
0x1d1: {  	[sflag:s10] =	ssyncset.done $0x0  }
0x1d2: {  	s17 =	simm.s32 $0x2B00;
	s18 =	sld [smem:$0x7D3];
	[sflag:s10] =	ssyncadd.s32 $0xFFFFC000  }
0x1d3: {  	[spmem:s3] =	stream.indirect.scatter.add.f32 [tilespmem:s8], [sflag:$0x3], $0x80, s17, s7, $0xb8;
	[tilespmem:$0x1F800] =	vst v63  }
0x1d4: {  	_ = 	snop  }
0x1d5: {  	[tilespmem:s9], [sflag:$0x2] =	stream.indirect.gather [hbm4b:s2+s7], $0x80, s18, s7, $0xb8;
	[tilespmem:$0x1F800] =	vst v63  }
0x1d6: {  	_ =	swait.ge [sflag:s11], $0x4000  }
0x1d7: {  	[sflag:s11] =	ssyncset.done $0x0  }
0x1d8: {  	[sflag:s11] =	ssyncadd.s32 $0xFFFFC000  }
0x1d9: {  	_ =	swait.ge [sflag:s12], $0x4000  }
0x1da: {  	[sflag:s12] =	ssyncset.done $0x0  }
0x1db: {  	s17 =	simm.s32 $0x2B80;
	s18 =	sld [smem:$0x7D4];
	[sflag:s12] =	ssyncadd.s32 $0xFFFFC000  }
0x1dc: {  	[spmem:s3] =	stream.indirect.scatter.add.f32 [tilespmem:s9], [sflag:$0x4], $0x80, s17, s7, $0xb8;
	[tilespmem:$0x1F800] =	vst v63  }
0x1dd: {  	_ = 	snop  }
0x1de: {  	[tilespmem:s8], [sflag:$0x1] =	stream.indirect.gather [hbm4b:s2+s7], $0x80, s18, s7, $0xb8;
	[tilespmem:$0x1F800] =	vst v63  }
0x1df: {  	_ =	swait.ge [sflag:s13], $0x4000  }
0x1e0: {  	[sflag:s13] =	ssyncset.done $0x0  }
0x1e1: {  	[sflag:s13] =	ssyncadd.s32 $0xFFFFC000  }
0x1e2: {  	_ =	swait.ge [sflag:s10], $0x4000  }
0x1e3: {  	[sflag:s10] =	ssyncset.done $0x0  }
0x1e4: {  	s18 =	simm.s32 $0x2C00;
	s16 =	sld [smem:$0x7D5];
	[sflag:s10] =	ssyncadd.s32 $0xFFFFC000  }
0x1e5: {  	[spmem:s3] =	stream.indirect.scatter.add.f32 [tilespmem:s8], [sflag:$0x3], $0x80, s18, s7, $0xb8;
	[tilespmem:$0x1F800] =	vst v63  }
0x1e6: {  	_ = 	snop  }
0x1e7: {  	[tilespmem:s9], [sflag:$0x2] =	stream.indirect.gather [hbm4b:s2+s7], $0x80, s16, s7, $0xb8;
	[tilespmem:$0x1F800] =	vst v63  }
0x1e8: {  	_ =	swait.ge [sflag:s11], $0x4000  }
0x1e9: {  	[sflag:s11] =	ssyncset.done $0x0  }
0x1ea: {  	[sflag:s11] =	ssyncadd.s32 $0xFFFFC000  }
0x1eb: {  	_ =	swait.ge [sflag:s12], $0x4000  }
0x1ec: {  	[sflag:s12] =	ssyncset.done $0x0  }
0x1ed: {  	s18 =	simm.s32 $0x2C80;
	s16 =	sld [smem:$0x7D6];
	[sflag:s12] =	ssyncadd.s32 $0xFFFFC000  }
0x1ee: {  	[spmem:s3] =	stream.indirect.scatter.add.f32 [tilespmem:s9], [sflag:$0x4], $0x80, s18, s7, $0xb8;
	[tilespmem:$0x1F800] =	vst v63  }
0x1ef: {  	_ = 	snop  }
0x1f0: {  	[tilespmem:s8], [sflag:$0x1] =	stream.indirect.gather [hbm4b:s2+s7], $0x80, s16, s7, $0xb8;
	[tilespmem:$0x1F800] =	vst v63  }
0x1f1: {  	_ =	swait.ge [sflag:s13], $0x4000  }
0x1f2: {  	[sflag:s13] =	ssyncset.done $0x0  }
0x1f3: {  	[sflag:s13] =	ssyncadd.s32 $0xFFFFC000  }
0x1f4: {  	_ =	swait.ge [sflag:s10], $0x4000  }
0x1f5: {  	[sflag:s10] =	ssyncset.done $0x0  }
0x1f6: {  	s18 =	simm.s32 $0x2D00;
	s16 =	sld [smem:$0x7D7];
	[sflag:s10] =	ssyncadd.s32 $0xFFFFC000  }
0x1f7: {  	[spmem:s3] =	stream.indirect.scatter.add.f32 [tilespmem:s8], [sflag:$0x3], $0x80, s18, s7, $0xb8;
	[tilespmem:$0x1F800] =	vst v63  }
0x1f8: {  	_ = 	snop  }
0x1f9: {  	[tilespmem:s9], [sflag:$0x2] =	stream.indirect.gather [hbm4b:s2+s7], $0x80, s16, s7, $0xb8;
	[tilespmem:$0x1F800] =	vst v63  }
0x1fa: {  	_ =	swait.ge [sflag:s11], $0x4000  }
0x1fb: {  	[sflag:s11] =	ssyncset.done $0x0  }
0x1fc: {  	[sflag:s11] =	ssyncadd.s32 $0xFFFFC000  }
0x1fd: {  	_ =	swait.ge [sflag:s12], $0x4000  }
0x1fe: {  	[sflag:s12] =	ssyncset.done $0x0  }
0x1ff: {  	s19 =	simm.s32 $0x2D80;
	s16 =	sld [smem:$0x7D8];
	[sflag:s12] =	ssyncadd.s32 $0xFFFFC000  }
0x200: {  	[spmem:s3] =	stream.indirect.scatter.add.f32 [tilespmem:s9], [sflag:$0x4], $0x80, s19, s7, $0xb8;
	[tilespmem:$0x1F800] =	vst v63  }
0x201: {  	_ = 	snop  }
0x202: {  	[tilespmem:s8], [sflag:$0x1] =	stream.indirect.gather [hbm4b:s2+s7], $0x80, s16, s7, $0xb8;
	[tilespmem:$0x1F800] =	vst v63  }
0x203: {  	_ =	swait.ge [sflag:s13], $0x4000  }
0x204: {  	[sflag:s13] =	ssyncset.done $0x0  }
0x205: {  	[sflag:s13] =	ssyncadd.s32 $0xFFFFC000  }
0x206: {  	_ =	swait.ge [sflag:s10], $0x4000  }
0x207: {  	[sflag:s10] =	ssyncset.done $0x0  }
0x208: {  	s19 =	simm.s32 $0x2E00;
	s16 =	sld [smem:$0x7D9];
	[sflag:s10] =	ssyncadd.s32 $0xFFFFC000  }
0x209: {  	[spmem:s3] =	stream.indirect.scatter.add.f32 [tilespmem:s8], [sflag:$0x3], $0x80, s19, s7, $0xb8;
	[tilespmem:$0x1F800] =	vst v63  }
0x20a: {  	_ = 	snop  }
0x20b: {  	[tilespmem:s9], [sflag:$0x2] =	stream.indirect.gather [hbm4b:s2+s7], $0x80, s16, s7, $0xb8;
	[tilespmem:$0x1F800] =	vst v63  }
0x20c: {  	_ =	swait.ge [sflag:s11], $0x4000  }
0x20d: {  	[sflag:s11] =	ssyncset.done $0x0  }
0x20e: {  	[sflag:s11] =	ssyncadd.s32 $0xFFFFC000  }
0x20f: {  	_ =	swait.ge [sflag:s12], $0x4000  }
0x210: {  	[sflag:s12] =	ssyncset.done $0x0  }
0x211: {  	s19 =	simm.s32 $0x2E80;
	s16 =	sld [smem:$0x7DA];
	[sflag:s12] =	ssyncadd.s32 $0xFFFFC000  }
0x212: {  	[spmem:s3] =	stream.indirect.scatter.add.f32 [tilespmem:s9], [sflag:$0x4], $0x80, s19, s7, $0xb8;
	[tilespmem:$0x1F800] =	vst v63  }
0x213: {  	_ = 	snop  }
0x214: {  	[tilespmem:s8], [sflag:$0x1] =	stream.indirect.gather [hbm4b:s2+s7], $0x80, s16, s7, $0xb8;
	[tilespmem:$0x1F800] =	vst v63  }
0x215: {  	_ =	swait.ge [sflag:s13], $0x4000  }
0x216: {  	[sflag:s13] =	ssyncset.done $0x0  }
0x217: {  	[sflag:s13] =	ssyncadd.s32 $0xFFFFC000  }
0x218: {  	_ =	swait.ge [sflag:s10], $0x4000  }
0x219: {  	[sflag:s10] =	ssyncset.done $0x0  }
0x21a: {  	s20 =	simm.s32 $0x2F00;
	s16 =	sld [smem:$0x7DB];
	[sflag:s10] =	ssyncadd.s32 $0xFFFFC000  }
0x21b: {  	[spmem:s3] =	stream.indirect.scatter.add.f32 [tilespmem:s8], [sflag:$0x3], $0x80, s20, s7, $0xb8;
	[tilespmem:$0x1F800] =	vst v63  }
0x21c: {  	_ = 	snop  }
0x21d: {  	[tilespmem:s9], [sflag:$0x2] =	stream.indirect.gather [hbm4b:s2+s7], $0x80, s16, s7, $0xb8;
	[tilespmem:$0x1F800] =	vst v63  }
0x21e: {  	_ =	swait.ge [sflag:s11], $0x4000  }
0x21f: {  	[sflag:s11] =	ssyncset.done $0x0  }
0x220: {  	[sflag:s11] =	ssyncadd.s32 $0xFFFFC000  }
0x221: {  	_ =	swait.ge [sflag:s12], $0x4000  }
0x222: {  	[sflag:s12] =	ssyncset.done $0x0  }
0x223: {  	s20 =	simm.s32 $0x2F80;
	s16 =	sld [smem:$0x7DC];
	[sflag:s12] =	ssyncadd.s32 $0xFFFFC000  }
0x224: {  	[spmem:s3] =	stream.indirect.scatter.add.f32 [tilespmem:s9], [sflag:$0x4], $0x80, s20, s7, $0xb8;
	[tilespmem:$0x1F800] =	vst v63  }
0x225: {  	_ = 	snop  }
0x226: {  	[tilespmem:s8], [sflag:$0x1] =	stream.indirect.gather [hbm4b:s2+s7], $0x80, s16, s7, $0xb8;
	[tilespmem:$0x1F800] =	vst v63  }
0x227: {  	_ =	swait.ge [sflag:s13], $0x4000  }
0x228: {  	[sflag:s13] =	ssyncset.done $0x0  }
0x229: {  	s16 =	rddreg [dreg:$0xb];
	[sflag:s13] =	ssyncadd.s32 $0xFFFFC000  }
0x22a: {  	[tilespmem:s30], [sflag:$0x5] =	stream.linear.gather [hbm4b:s16+s14], $0x800, $0x38;
	[tilespmem:$0x1F800] =	vst v63  }
0x22b: {  	_ =	swait.ge [sflag:s0], $0x800  }
0x22c: {  	[sflag:s0] =	ssyncset.done $0x0  }
0x22d: {  	[sflag:s0] =	ssyncadd.s32 $0xFFFFF800  }
0x22e: {  	_ =	swait.ge [sflag:s10], $0x4000  }
0x22f: {  	[sflag:s10] =	ssyncset.done $0x0  }
0x230: {  	s0 =	sld [smem:$0x7DD];
	[sflag:s10] =	ssyncadd.s32 $0xFFFFC000  }
0x231: {  	[spmem:s3] =	stream.indirect.scatter.add.f32 [tilespmem:s8], [sflag:$0x3], $0x80, s4, s7, $0xb8;
	[tilespmem:$0x1F800] =	vst v63  }
0x232: {  	_ = 	snop  }
0x233: {  	[tilespmem:s9], [sflag:$0x2] =	stream.indirect.gather [hbm4b:s2+s7], $0x80, s0, s7, $0xb8;
	[tilespmem:$0x1F800] =	vst v63  }
0x234: {  	_ =	swait.ge [sflag:s11], $0x4000  }
0x235: {  	[sflag:s11] =	ssyncset.done $0x0  }
0x236: {  	[sflag:s11] =	ssyncadd.s32 $0xFFFFC000  }
0x237: {  	_ =	swait.ge [sflag:s12], $0x4000  }
0x238: {  	[sflag:s12] =	ssyncset.done $0x0  }
0x239: {  	s4 =	simm.s32 $0x3080;
	s16 =	sld [smem:$0x7DE];
	[sflag:s12] =	ssyncadd.s32 $0xFFFFC000  }
0x23a: {  	[spmem:s3] =	stream.indirect.scatter.add.f32 [tilespmem:s9], [sflag:$0x4], $0x80, s4, s7, $0xb8;
	[tilespmem:$0x1F800] =	vst v63  }
0x23b: {  	_ = 	snop  }
0x23c: {  	[tilespmem:s8], [sflag:$0x1] =	stream.indirect.gather [hbm4b:s2+s7], $0x80, s16, s7, $0xb8;
	[tilespmem:$0x1F800] =	vst v63  }
0x23d: {  	_ =	swait.ge [sflag:s13], $0x4000  }
0x23e: {  	[sflag:s13] =	ssyncset.done $0x0  }
0x23f: {  	[sflag:s13] =	ssyncadd.s32 $0xFFFFC000  }
0x240: {  	_ =	swait.ge [sflag:s10], $0x4000  }
0x241: {  	[sflag:s10] =	ssyncset.done $0x0  }
0x242: {  	s0 =	sld [smem:$0x7DF];
	[sflag:s10] =	ssyncadd.s32 $0xFFFFC000  }
0x243: {  	[spmem:s3] =	stream.indirect.scatter.add.f32 [tilespmem:s8], [sflag:$0x3], $0x80, s29, s7, $0xb8;
	[tilespmem:$0x1F800] =	vst v63  }
0x244: {  	_ = 	snop  }
0x245: {  	[tilespmem:s9], [sflag:$0x2] =	stream.indirect.gather [hbm4b:s2+s7], $0x80, s0, s7, $0xb8;
	[tilespmem:$0x1F800] =	vst v63  }
0x246: {  	_ =	swait.ge [sflag:s11], $0x4000  }
0x247: {  	[sflag:s11] =	ssyncset.done $0x0  }
0x248: {  	[sflag:s11] =	ssyncadd.s32 $0xFFFFC000  }
0x249: {  	_ =	swait.ge [sflag:s12], $0x4000  }
0x24a: {  	[sflag:s12] =	ssyncset.done $0x0  }
0x24b: {  	s29 =	simm.s32 $0x3180;
	s4 =	sld [smem:$0x7E0];
	[sflag:s12] =	ssyncadd.s32 $0xFFFFC000  }
0x24c: {  	[spmem:s3] =	stream.indirect.scatter.add.f32 [tilespmem:s9], [sflag:$0x4], $0x80, s29, s7, $0xb8;
	[tilespmem:$0x1F800] =	vst v63  }
0x24d: {  	_ = 	snop  }
0x24e: {  	[tilespmem:s8], [sflag:$0x1] =	stream.indirect.gather [hbm4b:s2+s7], $0x80, s4, s7, $0xb8;
	[tilespmem:$0x1F800] =	vst v63  }
0x24f: {  	_ =	swait.ge [sflag:s13], $0x4000  }
0x250: {  	[sflag:s13] =	ssyncset.done $0x0  }
0x251: {  	[sflag:s13] =	ssyncadd.s32 $0xFFFFC000  }
0x252: {  	_ =	swait.ge [sflag:s10], $0x4000  }
0x253: {  	[sflag:s10] =	ssyncset.done $0x0  }
0x254: {  	s4 =	sld [smem:$0x7E1];
	[sflag:s10] =	ssyncadd.s32 $0xFFFFC000  }
0x255: {  	[spmem:s3] =	stream.indirect.scatter.add.f32 [tilespmem:s8], [sflag:$0x3], $0x80, s28, s7, $0xb8;
	[tilespmem:$0x1F800] =	vst v63  }
0x256: {  	_ = 	snop  }
0x257: {  	[tilespmem:s9], [sflag:$0x2] =	stream.indirect.gather [hbm4b:s2+s7], $0x80, s4, s7, $0xb8;
	[tilespmem:$0x1F800] =	vst v63  }
0x258: {  	_ =	swait.ge [sflag:s11], $0x4000  }
0x259: {  	[sflag:s11] =	ssyncset.done $0x0  }
0x25a: {  	[sflag:s11] =	ssyncadd.s32 $0xFFFFC000  }
0x25b: {  	_ =	swait.ge [sflag:s12], $0x4000  }
0x25c: {  	[sflag:s12] =	ssyncset.done $0x0  }
0x25d: {  	s4 =	simm.s32 $0x3280;
	s29 =	sld [smem:$0x7E2];
	[sflag:s12] =	ssyncadd.s32 $0xFFFFC000  }
0x25e: {  	[spmem:s3] =	stream.indirect.scatter.add.f32 [tilespmem:s9], [sflag:$0x4], $0x80, s4, s7, $0xb8;
	[tilespmem:$0x1F800] =	vst v63  }
0x25f: {  	_ = 	snop  }
0x260: {  	[tilespmem:s8], [sflag:$0x1] =	stream.indirect.gather [hbm4b:s2+s7], $0x80, s29, s7, $0xb8;
	[tilespmem:$0x1F800] =	vst v63  }
0x261: {  	_ =	swait.ge [sflag:s13], $0x4000  }
0x262: {  	[sflag:s13] =	ssyncset.done $0x0  }
0x263: {  	[sflag:s13] =	ssyncadd.s32 $0xFFFFC000  }
0x264: {  	_ =	swait.ge [sflag:s10], $0x4000  }
0x265: {  	[sflag:s10] =	ssyncset.done $0x0  }
0x266: {  	s28 =	sld [smem:$0x7E3];
	[sflag:s10] =	ssyncadd.s32 $0xFFFFC000  }
0x267: {  	[spmem:s3] =	stream.indirect.scatter.add.f32 [tilespmem:s8], [sflag:$0x3], $0x80, s26, s7, $0xb8;
	[tilespmem:$0x1F800] =	vst v63  }
0x268: {  	_ = 	snop  }
0x269: {  	[tilespmem:s9], [sflag:$0x2] =	stream.indirect.gather [hbm4b:s2+s7], $0x80, s28, s7, $0xb8;
	[tilespmem:$0x1F800] =	vst v63  }
0x26a: {  	_ =	swait.ge [sflag:s11], $0x4000  }
0x26b: {  	[sflag:s11] =	ssyncset.done $0x0  }
0x26c: {  	[sflag:s11] =	ssyncadd.s32 $0xFFFFC000  }
0x26d: {  	_ =	swait.ge [sflag:s12], $0x4000  }
0x26e: {  	[sflag:s12] =	ssyncset.done $0x0  }
0x26f: {  	s4 =	simm.s32 $0x3380;
	s29 =	sld [smem:$0x7E4];
	[sflag:s12] =	ssyncadd.s32 $0xFFFFC000  }
0x270: {  	[spmem:s3] =	stream.indirect.scatter.add.f32 [tilespmem:s9], [sflag:$0x4], $0x80, s4, s7, $0xb8;
	[tilespmem:$0x1F800] =	vst v63  }
0x271: {  	_ = 	snop  }
0x272: {  	[tilespmem:s8], [sflag:$0x1] =	stream.indirect.gather [hbm4b:s2+s7], $0x80, s29, s7, $0xb8;
	[tilespmem:$0x1F800] =	vst v63  }
0x273: {  	_ =	swait.ge [sflag:s13], $0x4000  }
0x274: {  	[sflag:s13] =	ssyncset.done $0x0  }
0x275: {  	[sflag:s13] =	ssyncadd.s32 $0xFFFFC000  }
0x276: {  	_ =	swait.ge [sflag:s10], $0x4000  }
0x277: {  	[sflag:s10] =	ssyncset.done $0x0  }
0x278: {  	s26 =	sld [smem:$0x7E5];
	[sflag:s10] =	ssyncadd.s32 $0xFFFFC000  }
0x279: {  	[spmem:s3] =	stream.indirect.scatter.add.f32 [tilespmem:s8], [sflag:$0x3], $0x80, s23, s7, $0xb8;
	[tilespmem:$0x1F800] =	vst v63  }
0x27a: {  	_ = 	snop  }
0x27b: {  	[tilespmem:s9], [sflag:$0x2] =	stream.indirect.gather [hbm4b:s2+s7], $0x80, s26, s7, $0xb8;
	[tilespmem:$0x1F800] =	vst v63  }
0x27c: {  	_ =	swait.ge [sflag:s11], $0x4000  }
0x27d: {  	[sflag:s11] =	ssyncset.done $0x0  }
0x27e: {  	[sflag:s11] =	ssyncadd.s32 $0xFFFFC000  }
0x27f: {  	_ =	swait.ge [sflag:s12], $0x4000  }
0x280: {  	[sflag:s12] =	ssyncset.done $0x0  }
0x281: {  	s29 =	simm.s32 $0x3480;
	s28 =	sld [smem:$0x7E6];
	[sflag:s12] =	ssyncadd.s32 $0xFFFFC000  }
0x282: {  	[spmem:s3] =	stream.indirect.scatter.add.f32 [tilespmem:s9], [sflag:$0x4], $0x80, s29, s7, $0xb8;
	[tilespmem:$0x1F800] =	vst v63  }
0x283: {  	_ = 	snop  }
0x284: {  	[tilespmem:s8], [sflag:$0x1] =	stream.indirect.gather [hbm4b:s2+s7], $0x80, s28, s7, $0xb8;
	[tilespmem:$0x1F800] =	vst v63  }
0x285: {  	_ =	swait.ge [sflag:s13], $0x4000  }
0x286: {  	[sflag:s13] =	ssyncset.done $0x0  }
0x287: {  	[sflag:s13] =	ssyncadd.s32 $0xFFFFC000  }
0x288: {  	_ =	swait.ge [sflag:s10], $0x4000  }
0x289: {  	[sflag:s10] =	ssyncset.done $0x0  }
0x28a: {  	s4 =	sld [smem:$0x7E8];
	[sflag:s10] =	ssyncadd.s32 $0xFFFFC000  }
0x28b: {  	[spmem:s3] =	stream.indirect.scatter.add.f32 [tilespmem:s8], [sflag:$0x3], $0x80, s22, s7, $0xb8;
	[tilespmem:$0x1F800] =	vst v63  }
0x28c: {  	_ = 	snop  }
0x28d: {  	[tilespmem:s9], [sflag:$0x2] =	stream.indirect.gather [hbm4b:s2+s7], $0x80, s4, s7, $0xb8;
	[tilespmem:$0x1F800] =	vst v63  }
0x28e: {  	_ =	swait.ge [sflag:s11], $0x4000  }
0x28f: {  	[sflag:s11] =	ssyncset.done $0x0  }
0x290: {  	[sflag:s11] =	ssyncadd.s32 $0xFFFFC000  }
0x291: {  	_ =	swait.ge [sflag:s12], $0x4000  }
0x292: {  	[sflag:s12] =	ssyncset.done $0x0  }
0x293: {  	s23 =	sld [smem:$0x7E9];
	[sflag:s12] =	ssyncadd.s32 $0xFFFFC000  }
0x294: {  	[spmem:s3] =	stream.indirect.scatter.add.f32 [tilespmem:s9], [sflag:$0x4], $0x80, s24, s7, $0xb8;
	[tilespmem:$0x1F800] =	vst v63  }
0x295: {  	_ = 	snop  }
0x296: {  	[tilespmem:s8], [sflag:$0x1] =	stream.indirect.gather [hbm4b:s2+s7], $0x80, s23, s7, $0xb8;
	[tilespmem:$0x1F800] =	vst v63  }
0x297: {  	_ =	swait.ge [sflag:s13], $0x4000  }
0x298: {  	[sflag:s13] =	ssyncset.done $0x0  }
0x299: {  	[sflag:s13] =	ssyncadd.s32 $0xFFFFC000  }
0x29a: {  	_ =	swait.ge [sflag:s10], $0x4000  }
0x29b: {  	[sflag:s10] =	ssyncset.done $0x0  }
0x29c: {  	s26 =	sld [smem:$0x7EB];
	[sflag:s10] =	ssyncadd.s32 $0xFFFFC000  }
0x29d: {  	[spmem:s3] =	stream.indirect.scatter.add.f32 [tilespmem:s8], [sflag:$0x3], $0x80, s21, s7, $0xb8;
	[tilespmem:$0x1F800] =	vst v63  }
0x29e: {  	_ = 	snop  }
0x29f: {  	[tilespmem:s9], [sflag:$0x2] =	stream.indirect.gather [hbm4b:s2+s7], $0x80, s26, s7, $0xb8;
	[tilespmem:$0x1F800] =	vst v63  }
0x2a0: {  	_ =	swait.ge [sflag:s11], $0x4000  }
0x2a1: {  	[sflag:s11] =	ssyncset.done $0x0  }
0x2a2: {  	[sflag:s11] =	ssyncadd.s32 $0xFFFFC000  }
0x2a3: {  	_ =	swait.ge [sflag:s12], $0x4000  }
0x2a4: {  	[sflag:s12] =	ssyncset.done $0x0  }
0x2a5: {  	s28 =	sld [smem:$0x7EC];
	[sflag:s12] =	ssyncadd.s32 $0xFFFFC000  }
0x2a6: {  	[spmem:s3] =	stream.indirect.scatter.add.f32 [tilespmem:s9], [sflag:$0x4], $0x80, s31, s7, $0xb8;
	[tilespmem:$0x1F800] =	vst v63  }
0x2a7: {  	_ = 	snop  }
0x2a8: {  	[tilespmem:s8], [sflag:$0x1] =	stream.indirect.gather [hbm4b:s2+s7], $0x80, s28, s7, $0xb8;
	[tilespmem:$0x1F800] =	vst v63  }
0x2a9: {  	_ =	swait.ge [sflag:s13], $0x4000  }
0x2aa: {  	[sflag:s13] =	ssyncset.done $0x0  }
0x2ab: {  	[sflag:s13] =	ssyncadd.s32 $0xFFFFC000  }
0x2ac: {  	_ =	swait.ge [sflag:s10], $0x4000  }
0x2ad: {  	[sflag:s10] =	ssyncset.done $0x0  }
0x2ae: {  	s31 =	simm.s32 $0x3700;
	s29 =	sld [smem:$0x7ED];
	[sflag:s10] =	ssyncadd.s32 $0xFFFFC000  }
0x2af: {  	[spmem:s3] =	stream.indirect.scatter.add.f32 [tilespmem:s8], [sflag:$0x3], $0x80, s31, s7, $0xb8;
	[tilespmem:$0x1F800] =	vst v63  }
0x2b0: {  	_ = 	snop  }
0x2b1: {  	[tilespmem:s9], [sflag:$0x2] =	stream.indirect.gather [hbm4b:s2+s7], $0x80, s29, s7, $0xb8;
	[tilespmem:$0x1F800] =	vst v63  }
0x2b2: {  	_ =	swait.ge [sflag:s11], $0x4000  }
0x2b3: {  	[sflag:s11] =	ssyncset.done $0x0  }
0x2b4: {  	[sflag:s11] =	ssyncadd.s32 $0xFFFFC000  }
0x2b5: {  	_ =	swait.ge [sflag:s12], $0x4000  }
0x2b6: {  	[sflag:s12] =	ssyncset.done $0x0  }
0x2b7: {  	s0 =	sld [smem:$0x7EE];
	[sflag:s12] =	ssyncadd.s32 $0xFFFFC000  }
0x2b8: {  	[spmem:s3] =	stream.indirect.scatter.add.f32 [tilespmem:s9], [sflag:$0x4], $0x80, s25, s7, $0xb8;
	[tilespmem:$0x1F800] =	vst v63  }
0x2b9: {  	_ = 	snop  }
0x2ba: {  	[tilespmem:s8], [sflag:$0x1] =	stream.indirect.gather [hbm4b:s2+s7], $0x80, s0, s7, $0xb8;
	[tilespmem:$0x1F800] =	vst v63  }
0x2bb: {  	_ =	swait.ge [sflag:s13], $0x4000  }
0x2bc: {  	[sflag:s13] =	ssyncset.done $0x0  }
0x2bd: {  	[sflag:s13] =	ssyncadd.s32 $0xFFFFC000  }
0x2be: {  	_ =	swait.ge [sflag:s1], $0x800  }
0x2bf: {  	[sflag:s1] =	ssyncset.done $0x0  }
0x2c0: {  	[sflag:s1] =	ssyncadd.s32 $0xFFFFF800  }
0x2c1: {  	_ =	swait.ge [sflag:s10], $0x4000  }
0x2c2: {  	[sflag:s10] =	ssyncset.done $0x0  }
0x2c3: {  	s4 =	sld [smem:$0x7EF];
	[sflag:s10] =	ssyncadd.s32 $0xFFFFC000  }
0x2c4: {  	[spmem:s3] =	stream.indirect.scatter.add.f32 [tilespmem:s8], [sflag:$0x3], $0x80, s30, s7, $0xb8;
	[tilespmem:$0x1F800] =	vst v63  }
0x2c5: {  	_ = 	snop  }
0x2c6: {  	[tilespmem:s9], [sflag:$0x2] =	stream.indirect.gather [hbm4b:s2+s7], $0x80, s4, s7, $0xb8;
	[tilespmem:$0x1F800] =	vst v63  }
0x2c7: {  	_ =	swait.ge [sflag:s11], $0x4000  }
0x2c8: {  	[sflag:s11] =	ssyncset.done $0x0  }
0x2c9: {  	[sflag:s11] =	ssyncadd.s32 $0xFFFFC000  }
0x2ca: {  	_ =	swait.ge [sflag:s12], $0x4000  }
0x2cb: {  	[sflag:s12] =	ssyncset.done $0x0  }
0x2cc: {  	s22 =	simm.s32 $0x2880;
	s21 =	sld [smem:$0x7F0];
	[sflag:s12] =	ssyncadd.s32 $0xFFFFC000  }
0x2cd: {  	[spmem:s3] =	stream.indirect.scatter.add.f32 [tilespmem:s9], [sflag:$0x4], $0x80, s22, s7, $0xb8;
	[tilespmem:$0x1F800] =	vst v63  }
0x2ce: {  	_ = 	snop  }
0x2cf: {  	[tilespmem:s8], [sflag:$0x1] =	stream.indirect.gather [hbm4b:s2+s7], $0x80, s21, s7, $0xb8;
	[tilespmem:$0x1F800] =	vst v63  }
0x2d0: {  	_ =	swait.ge [sflag:s13], $0x4000  }
0x2d1: {  	[sflag:s13] =	ssyncset.done $0x0  }
0x2d2: {  	[sflag:s13] =	ssyncadd.s32 $0xFFFFC000  }
0x2d3: {  	_ =	swait.ge [sflag:s10], $0x4000  }
0x2d4: {  	[sflag:s10] =	ssyncset.done $0x0  }
0x2d5: {  	s24 =	simm.s32 $0x2900;
	s23 =	sld [smem:$0x7F1];
	[sflag:s10] =	ssyncadd.s32 $0xFFFFC000  }
0x2d6: {  	[spmem:s3] =	stream.indirect.scatter.add.f32 [tilespmem:s8], [sflag:$0x3], $0x80, s24, s7, $0xb8;
	[tilespmem:$0x1F800] =	vst v63  }
0x2d7: {  	_ = 	snop  }
0x2d8: {  	[tilespmem:s9], [sflag:$0x2] =	stream.indirect.gather [hbm4b:s2+s7], $0x80, s23, s7, $0xb8;
	[tilespmem:$0x1F800] =	vst v63  }
0x2d9: {  	_ =	swait.ge [sflag:s11], $0x4000  }
0x2da: {  	[sflag:s11] =	ssyncset.done $0x0  }
0x2db: {  	[sflag:s11] =	ssyncadd.s32 $0xFFFFC000  }
0x2dc: {  	_ =	swait.ge [sflag:s12], $0x4000  }
0x2dd: {  	[sflag:s12] =	ssyncset.done $0x0  }
0x2de: {  	s25 =	sld [smem:$0x7F2];
	[sflag:s12] =	ssyncadd.s32 $0xFFFFC000  }
0x2df: {  	[spmem:s3] =	stream.indirect.scatter.add.f32 [tilespmem:s9], [sflag:$0x4], $0x80, s6, s7, $0xb8;
	[tilespmem:$0x1F800] =	vst v63  }
0x2e0: {  	_ = 	snop  }
0x2e1: {  	[tilespmem:s8], [sflag:$0x1] =	stream.indirect.gather [hbm4b:s2+s7], $0x80, s25, s7, $0xb8;
	[tilespmem:$0x1F800] =	vst v63  }
0x2e2: {  	_ =	swait.ge [sflag:s13], $0x4000  }
0x2e3: {  	[sflag:s13] =	ssyncset.done $0x0  }
0x2e4: {  	[sflag:s13] =	ssyncadd.s32 $0xFFFFC000  }
0x2e5: {  	_ =	swait.ge [sflag:s10], $0x4000  }
0x2e6: {  	[sflag:s10] =	ssyncset.done $0x0  }
0x2e7: {  	s28 =	simm.s32 $0x2A00;
	s26 =	sld [smem:$0x7F3];
	[sflag:s10] =	ssyncadd.s32 $0xFFFFC000  }
0x2e8: {  	[spmem:s3] =	stream.indirect.scatter.add.f32 [tilespmem:s8], [sflag:$0x3], $0x80, s28, s7, $0xb8;
	[tilespmem:$0x1F800] =	vst v63  }
0x2e9: {  	_ = 	snop  }
0x2ea: {  	[tilespmem:s9], [sflag:$0x2] =	stream.indirect.gather [hbm4b:s2+s7], $0x80, s26, s7, $0xb8;
	[tilespmem:$0x1F800] =	vst v63  }
0x2eb: {  	_ =	swait.ge [sflag:s11], $0x4000  }
0x2ec: {  	[sflag:s11] =	ssyncset.done $0x0  }
0x2ed: {  	[sflag:s11] =	ssyncadd.s32 $0xFFFFC000  }
0x2ee: {  	_ =	swait.ge [sflag:s12], $0x4000  }
0x2ef: {  	[sflag:s12] =	ssyncset.done $0x0  }
0x2f0: {  	s29 =	sld [smem:$0x7F4];
	[sflag:s12] =	ssyncadd.s32 $0xFFFFC000  }
0x2f1: {  	[spmem:s3] =	stream.indirect.scatter.add.f32 [tilespmem:s9], [sflag:$0x4], $0x80, s15, s7, $0xb8;
	[tilespmem:$0x1F800] =	vst v63  }
0x2f2: {  	_ = 	snop  }
0x2f3: {  	[tilespmem:s8], [sflag:$0x1] =	stream.indirect.gather [hbm4b:s2+s7], $0x80, s29, s7, $0xb8;
	[tilespmem:$0x1F800] =	vst v63  }
0x2f4: {  	_ =	swait.ge [sflag:s13], $0x4000  }
0x2f5: {  	[sflag:s13] =	ssyncset.done $0x0  }
0x2f6: {  	[sflag:s13] =	ssyncadd.s32 $0xFFFFC000  }
0x2f7: {  	_ =	swait.ge [sflag:s10], $0x4000  }
0x2f8: {  	[sflag:s10] =	ssyncset.done $0x0  }
0x2f9: {  	s31 =	simm.s32 $0x2B00;
	s30 =	sld [smem:$0x7F5];
	[sflag:s10] =	ssyncadd.s32 $0xFFFFC000  }
0x2fa: {  	[spmem:s3] =	stream.indirect.scatter.add.f32 [tilespmem:s8], [sflag:$0x3], $0x80, s31, s7, $0xb8;
	[tilespmem:$0x1F800] =	vst v63  }
0x2fb: {  	_ = 	snop  }
0x2fc: {  	[tilespmem:s9], [sflag:$0x2] =	stream.indirect.gather [hbm4b:s2+s7], $0x80, s30, s7, $0xb8;
	[tilespmem:$0x1F800] =	vst v63  }
0x2fd: {  	_ =	swait.ge [sflag:s11], $0x4000  }
0x2fe: {  	[sflag:s11] =	ssyncset.done $0x0  }
0x2ff: {  	[sflag:s11] =	ssyncadd.s32 $0xFFFFC000  }
0x300: {  	_ =	swait.ge [sflag:s12], $0x4000  }
0x301: {  	[sflag:s12] =	ssyncset.done $0x0  }
0x302: {  	s0 =	sld [smem:$0x7F6];
	[sflag:s12] =	ssyncadd.s32 $0xFFFFC000  }
0x303: {  	[spmem:s3] =	stream.indirect.scatter.add.f32 [tilespmem:s9], [sflag:$0x4], $0x80, s17, s7, $0xb8;
	[tilespmem:$0x1F800] =	vst v63  }
0x304: {  	_ = 	snop  }
0x305: {  	[tilespmem:s8], [sflag:$0x1] =	stream.indirect.gather [hbm4b:s2+s7], $0x80, s0, s7, $0xb8;
	[tilespmem:$0x1F800] =	vst v63  }
0x306: {  	_ =	swait.ge [sflag:s13], $0x4000  }
0x307: {  	[sflag:s13] =	ssyncset.done $0x0  }
0x308: {  	[sflag:s13] =	ssyncadd.s32 $0xFFFFC000  }
0x309: {  	_ =	swait.ge [sflag:s10], $0x4000  }
0x30a: {  	[sflag:s10] =	ssyncset.done $0x0  }
0x30b: {  	s4 =	simm.s32 $0x2C00;
	s1 =	sld [smem:$0x7F7];
	[sflag:s10] =	ssyncadd.s32 $0xFFFFC000  }
0x30c: {  	[spmem:s3] =	stream.indirect.scatter.add.f32 [tilespmem:s8], [sflag:$0x3], $0x80, s4, s7, $0xb8;
	[tilespmem:$0x1F800] =	vst v63  }
0x30d: {  	_ = 	snop  }
0x30e: {  	[tilespmem:s9], [sflag:$0x2] =	stream.indirect.gather [hbm4b:s2+s7], $0x80, s1, s7, $0xb8;
	[tilespmem:$0x1F800] =	vst v63  }
0x30f: {  	_ =	swait.ge [sflag:s11], $0x4000  }
0x310: {  	[sflag:s11] =	ssyncset.done $0x0  }
0x311: {  	[sflag:s11] =	ssyncadd.s32 $0xFFFFC000  }
0x312: {  	_ =	swait.ge [sflag:s12], $0x4000  }
0x313: {  	[sflag:s12] =	ssyncset.done $0x0  }
0x314: {  	s15 =	simm.s32 $0x2C80;
	s6 =	sld [smem:$0x7F8];
	[sflag:s12] =	ssyncadd.s32 $0xFFFFC000  }
0x315: {  	[spmem:s3] =	stream.indirect.scatter.add.f32 [tilespmem:s9], [sflag:$0x4], $0x80, s15, s7, $0xb8;
	[tilespmem:$0x1F800] =	vst v63  }
0x316: {  	_ = 	snop  }
0x317: {  	[tilespmem:s8], [sflag:$0x1] =	stream.indirect.gather [hbm4b:s2+s7], $0x80, s6, s7, $0xb8;
	[tilespmem:$0x1F800] =	vst v63  }
0x318: {  	_ =	swait.ge [sflag:s13], $0x4000  }
0x319: {  	[sflag:s13] =	ssyncset.done $0x0  }
0x31a: {  	[sflag:s13] =	ssyncadd.s32 $0xFFFFC000  }
0x31b: {  	_ =	swait.ge [sflag:s10], $0x4000  }
0x31c: {  	[sflag:s10] =	ssyncset.done $0x0  }
0x31d: {  	s17 =	sld [smem:$0x7F9];
	[sflag:s10] =	ssyncadd.s32 $0xFFFFC000  }
0x31e: {  	[spmem:s3] =	stream.indirect.scatter.add.f32 [tilespmem:s8], [sflag:$0x3], $0x80, s18, s7, $0xb8;
	[tilespmem:$0x1F800] =	vst v63  }
0x31f: {  	_ = 	snop  }
0x320: {  	[tilespmem:s9], [sflag:$0x2] =	stream.indirect.gather [hbm4b:s2+s7], $0x80, s17, s7, $0xb8;
	[tilespmem:$0x1F800] =	vst v63  }
0x321: {  	_ =	swait.ge [sflag:s11], $0x4000  }
0x322: {  	[sflag:s11] =	ssyncset.done $0x0  }
0x323: {  	[sflag:s11] =	ssyncadd.s32 $0xFFFFC000  }
0x324: {  	_ =	swait.ge [sflag:s12], $0x4000  }
0x325: {  	[sflag:s12] =	ssyncset.done $0x0  }
0x326: {  	s22 =	simm.s32 $0x2D80;
	s21 =	sld [smem:$0x7FA];
	[sflag:s12] =	ssyncadd.s32 $0xFFFFC000  }
0x327: {  	[spmem:s3] =	stream.indirect.scatter.add.f32 [tilespmem:s9], [sflag:$0x4], $0x80, s22, s7, $0xb8;
	[tilespmem:$0x1F800] =	vst v63  }
0x328: {  	_ = 	snop  }
0x329: {  	[tilespmem:s8], [sflag:$0x1] =	stream.indirect.gather [hbm4b:s2+s7], $0x80, s21, s7, $0xb8;
	[tilespmem:$0x1F800] =	vst v63  }
0x32a: {  	_ =	swait.ge [sflag:s13], $0x4000  }
0x32b: {  	[sflag:s13] =	ssyncset.done $0x0  }
0x32c: {  	[sflag:s13] =	ssyncadd.s32 $0xFFFFC000  }
0x32d: {  	_ =	swait.ge [sflag:s10], $0x4000  }
0x32e: {  	[sflag:s10] =	ssyncset.done $0x0  }
0x32f: {  	s24 =	simm.s32 $0x2E00;
	s23 =	sld [smem:$0x7FB];
	[sflag:s10] =	ssyncadd.s32 $0xFFFFC000  }
0x330: {  	[spmem:s3] =	stream.indirect.scatter.add.f32 [tilespmem:s8], [sflag:$0x3], $0x80, s24, s7, $0xb8;
	[tilespmem:$0x1F800] =	vst v63  }
0x331: {  	_ = 	snop  }
0x332: {  	[tilespmem:s9], [sflag:$0x2] =	stream.indirect.gather [hbm4b:s2+s7], $0x80, s23, s7, $0xb8;
	[tilespmem:$0x1F800] =	vst v63  }
0x333: {  	_ =	swait.ge [sflag:s11], $0x4000  }
0x334: {  	[sflag:s11] =	ssyncset.done $0x0  }
0x335: {  	[sflag:s11] =	ssyncadd.s32 $0xFFFFC000  }
0x336: {  	_ =	swait.ge [sflag:s12], $0x4000  }
0x337: {  	[sflag:s12] =	ssyncset.done $0x0  }
0x338: {  	s25 =	sld [smem:$0x7FC];
	[sflag:s12] =	ssyncadd.s32 $0xFFFFC000  }
0x339: {  	[spmem:s3] =	stream.indirect.scatter.add.f32 [tilespmem:s9], [sflag:$0x4], $0x80, s19, s7, $0xb8;
	[tilespmem:$0x1F800] =	vst v63  }
0x33a: {  	_ = 	snop  }
0x33b: {  	[tilespmem:s8], [sflag:$0x1] =	stream.indirect.gather [hbm4b:s2+s7], $0x80, s25, s7, $0xb8;
	[tilespmem:$0x1F800] =	vst v63  }
0x33c: {  	_ =	swait.ge [sflag:s13], $0x4000  }
0x33d: {  	[sflag:s13] =	ssyncset.done $0x0  }
0x33e: {  	[sflag:s13] =	ssyncadd.s32 $0xFFFFC000  }
0x33f: {  	_ =	swait.ge [sflag:s10], $0x4000  }
0x340: {  	[sflag:s10] =	ssyncset.done $0x0  }
0x341: {  	s28 =	simm.s32 $0x2F00;
	s26 =	sld [smem:$0x7FD];
	[sflag:s10] =	ssyncadd.s32 $0xFFFFC000  }
0x342: {  	[spmem:s3] =	stream.indirect.scatter.add.f32 [tilespmem:s8], [sflag:$0x3], $0x80, s28, s7, $0xb8;
	[tilespmem:$0x1F800] =	vst v63  }
0x343: {  	_ = 	snop  }
0x344: {  	[tilespmem:s9], [sflag:$0x2] =	stream.indirect.gather [hbm4b:s2+s7], $0x80, s26, s7, $0xb8;
	[tilespmem:$0x1F800] =	vst v63  }
0x345: {  	_ =	swait.ge [sflag:s11], $0x4000  }
0x346: {  	[sflag:s11] =	ssyncset.done $0x0  }
0x347: {  	[sflag:s11] =	ssyncadd.s32 $0xFFFFC000  }
0x348: {  	_ =	swait.ge [sflag:s12], $0x4000  }
0x349: {  	[sflag:s12] =	ssyncset.done $0x0  }
0x34a: {  	s20 =	simm.s32 $0x2F80;
	[sflag:s12] =	ssyncadd.s32 $0xFFFFC000  }
0x34b: {  	[spmem:s3] =	stream.indirect.scatter.add.f32 [tilespmem:s9], [sflag:$0x4], $0x80, s20, s7, $0xb8;
	[tilespmem:$0x1F800] =	vst v63  }
0x34c: {  	_ =	swait.ge [sflag:s13], $0x4000  }
0x34d: {  	[sflag:s13] =	ssyncset.done $0x0  }
0x34e: {  	[sflag:s13] =	ssyncadd.s32 $0xFFFFC000  }
0x34f: {  	[bflag:$0x0] =	sbarrier.arrive $0xFFFF  }
0x350: {  	s30 =	sld [smem:$0x7E7]  }
0x351: {  	p1 =	sne.s32 s5, $0x1;
	s31 =	sld [smem:$0x7EA]  }
.Ltmp1:
0x352: {  	_ = 	snop;
	(pc) =	sbr.rel @!p1 .LBB2_7-.Ltmp1, $4  }
0x353: {  	s14 =	simm.s32 $0x7;
	s29 =	rddreg [dreg:$0xc]  }
0x354: {  	[hbm:s29], [sflag:s30] =	dma.local [spmem:s31], $0x2800  }
0x355: {  	s5 =	sadd.s32 $0xFFFFFFFF, s5;
	_ =	swait.ge [sflag:s14], $0x2800  }
0x356: {  	p0 =	por $0x1, $0x1;
	s16 =	rddreg [dreg:$0x5];
	[sflag:s14] =	ssyncset.done $0x0  }
0x357: {  	s30 =	simm.s32 $0x2800;
	s31 =	simm.s32 $0x3000  }
0x358: {  	s29 =	simm.s32 $0x3100;
	s28 =	simm.s32 $0x3200;
	s26 =	simm.s32 $0x3300  }
0x359: {  	s24 =	simm.s32 $0x3400;
	s23 =	simm.s32 $0x3500;
	s22 =	simm.s32 $0x3600  }
0x35a: {  	s21 =	simm.s32 $0x3700;
	s25 =	simm.s32 $0x3780;
	s15 =	simm.s32 $0x5  }
.LBB2_4:
0x35b: {  	s0 =	sld [smem:$0x7E7]  }
0x35c: {  	s1 =	sld [smem:$0x7EA];
	_ =	sdelay $0x1  }
0x35d: {  	[sflag:s14] =	ssyncadd.s32 $0xFFFFD800  }
0x35e: {  	[spmem:s1], [sflag:s0] =	dma.local [hbm:s16], $0x2800  }
0x35f: {  	_ =	swait.ge [sflag:s14], $0x2800  }
0x360: {  	s1 =	simm.s32 $0x7;
	[sflag:s14] =	ssyncset.done $0x0  }
0x361: {  	s0 =	rddreg [dreg:$0x6];
	[sflag:s14] =	ssyncadd.s32 $0xFFFFD800;
	s14 =	simm.s32 $0x0  }
0x362: {  	[tilespmem:s14], [sflag:$0x7] =	stream.linear.gather [hbm4b:s0+s14], $0x2800, $0x38;
	[tilespmem:$0x1F800] =	vst v63  }
0x363: {  	_ =	swait.ge [sflag:s1], $0x2800  }
0x364: {  	[sflag:s1] =	ssyncset.done $0x0  }
0x365: {  	s4 =	rddreg [dreg:$0x7];
	[sflag:s1] =	ssyncadd.s32 $0xFFFFD800  }
0x366: {  	[tilespmem:s30], [sflag:$0x7] =	stream.linear.gather [hbm4b:s4+s14], $0x800, $0x38;
	[tilespmem:$0x1F800] =	vst v63  }
0x367: {  	_ =	swait.ge [sflag:s1], $0x800  }
0x368: {  	[sflag:s1] =	ssyncset.done $0x0  }
0x369: {  	[sflag:s1] =	ssyncadd.s32 $0xFFFFF800  }
0x36a: {  	[bflag:$0x0] =	sbarrier.arrive $0xFFFF  }
0x36b: {  	[tilespmem:s8], [sflag:$0x1] =	stream.indirect.gather [hbm4b:s2+s7], $0x80, s14, s7, $0xb8;
	[tilespmem:$0x1F800] =	vst v63  }
0x36c: {  	s6 =	rddreg [dreg:$0x8]  }
0x36d: {  	[tilespmem:s31], [sflag:$0x6] =	stream.linear.gather [hbm4b:s6+s14], $0x800, $0x38;
	[tilespmem:$0x1F800] =	vst v63  }
0x36e: {  	_ =	swait.ge [sflag:s10], $0x4000  }
0x36f: {  	[sflag:s10] =	ssyncset.done $0x0  }
0x370: {  	[sflag:s10] =	ssyncadd.s32 $0xFFFFC000  }
0x371: {  	[spmem:s3] =	stream.indirect.scatter.add.f32 [tilespmem:s8], [sflag:$0x3], $0x80, s30, s7, $0xb8;
	[tilespmem:$0x1F800] =	vst v63  }
0x372: {  	_ = 	snop  }
0x373: {  	[tilespmem:s9], [sflag:$0x2] =	stream.indirect.gather [hbm4b:s2+s7], $0x80, s7, s7, $0xb8;
	[tilespmem:$0x1F800] =	vst v63  }
0x374: {  	_ =	swait.ge [sflag:s11], $0x4000  }
0x375: {  	[sflag:s11] =	ssyncset.done $0x0  }
0x376: {  	[sflag:s11] =	ssyncadd.s32 $0xFFFFC000  }
0x377: {  	_ =	swait.ge [sflag:s12], $0x4000  }
0x378: {  	[sflag:s12] =	ssyncset.done $0x0  }
0x379: {  	s18 =	simm.s32 $0x2880;
	[sflag:s12] =	ssyncadd.s32 $0xFFFFC000  }
0x37a: {  	[spmem:s3] =	stream.indirect.scatter.add.f32 [tilespmem:s9], [sflag:$0x4], $0x80, s18, s7, $0xb8;
	[tilespmem:$0x1F800] =	vst v63  }
0x37b: {  	s17 =	rddreg [dreg:$0xd]  }
0x37c: {  	[tilespmem:s8], [sflag:$0x1] =	stream.indirect.gather [hbm4b:s2+s7], $0x80, s17, s7, $0xb8;
	[tilespmem:$0x1F800] =	vst v63  }
0x37d: {  	_ =	swait.ge [sflag:s13], $0x4000  }
0x37e: {  	[sflag:s13] =	ssyncset.done $0x0  }
0x37f: {  	[sflag:s13] =	ssyncadd.s32 $0xFFFFC000  }
0x380: {  	_ =	swait.ge [sflag:s10], $0x4000  }
0x381: {  	[sflag:s10] =	ssyncset.done $0x0  }
0x382: {  	s20 =	simm.s32 $0x2900;
	[sflag:s10] =	ssyncadd.s32 $0xFFFFC000  }
0x383: {  	[spmem:s3] =	stream.indirect.scatter.add.f32 [tilespmem:s8], [sflag:$0x3], $0x80, s20, s7, $0xb8;
	[tilespmem:$0x1F800] =	vst v63  }
0x384: {  	s19 =	rddreg [dreg:$0xe]  }
0x385: {  	[tilespmem:s9], [sflag:$0x2] =	stream.indirect.gather [hbm4b:s2+s7], $0x80, s19, s7, $0xb8;
	[tilespmem:$0x1F800] =	vst v63  }
0x386: {  	_ =	swait.ge [sflag:s11], $0x4000  }
0x387: {  	[sflag:s11] =	ssyncset.done $0x0  }
0x388: {  	[sflag:s11] =	ssyncadd.s32 $0xFFFFC000  }
0x389: {  	_ =	swait.ge [sflag:s12], $0x4000  }
0x38a: {  	[sflag:s12] =	ssyncset.done $0x0  }
0x38b: {  	s4 =	simm.s32 $0x2980;
	[sflag:s12] =	ssyncadd.s32 $0xFFFFC000  }
0x38c: {  	[spmem:s3] =	stream.indirect.scatter.add.f32 [tilespmem:s9], [sflag:$0x4], $0x80, s4, s7, $0xb8;
	[tilespmem:$0x1F800] =	vst v63  }
0x38d: {  	s1 =	rddreg [dreg:$0xf]  }
0x38e: {  	[tilespmem:s8], [sflag:$0x1] =	stream.indirect.gather [hbm4b:s2+s7], $0x80, s1, s7, $0xb8;
	[tilespmem:$0x1F800] =	vst v63  }
0x38f: {  	_ =	swait.ge [sflag:s13], $0x4000  }
0x390: {  	[sflag:s13] =	ssyncset.done $0x0  }
0x391: {  	[sflag:s13] =	ssyncadd.s32 $0xFFFFC000  }
0x392: {  	_ =	swait.ge [sflag:s10], $0x4000  }
0x393: {  	[sflag:s10] =	ssyncset.done $0x0  }
0x394: {  	s17 =	simm.s32 $0x2A00;
	[sflag:s10] =	ssyncadd.s32 $0xFFFFC000  }
0x395: {  	[spmem:s3] =	stream.indirect.scatter.add.f32 [tilespmem:s8], [sflag:$0x3], $0x80, s17, s7, $0xb8;
	[tilespmem:$0x1F800] =	vst v63  }
0x396: {  	s6 =	rddreg [dreg:$0x10]  }
0x397: {  	[tilespmem:s9], [sflag:$0x2] =	stream.indirect.gather [hbm4b:s2+s7], $0x80, s6, s7, $0xb8;
	[tilespmem:$0x1F800] =	vst v63  }
0x398: {  	_ =	swait.ge [sflag:s11], $0x4000  }
0x399: {  	[sflag:s11] =	ssyncset.done $0x0  }
0x39a: {  	[sflag:s11] =	ssyncadd.s32 $0xFFFFC000  }
0x39b: {  	_ =	swait.ge [sflag:s12], $0x4000  }
0x39c: {  	[sflag:s12] =	ssyncset.done $0x0  }
0x39d: {  	s19 =	simm.s32 $0x2A80;
	[sflag:s12] =	ssyncadd.s32 $0xFFFFC000  }
0x39e: {  	[spmem:s3] =	stream.indirect.scatter.add.f32 [tilespmem:s9], [sflag:$0x4], $0x80, s19, s7, $0xb8;
	[tilespmem:$0x1F800] =	vst v63  }
0x39f: {  	s18 =	rddreg [dreg:$0x11]  }
0x3a0: {  	[tilespmem:s8], [sflag:$0x1] =	stream.indirect.gather [hbm4b:s2+s7], $0x80, s18, s7, $0xb8;
	[tilespmem:$0x1F800] =	vst v63  }
0x3a1: {  	_ =	swait.ge [sflag:s13], $0x4000  }
0x3a2: {  	[sflag:s13] =	ssyncset.done $0x0  }
0x3a3: {  	[sflag:s13] =	ssyncadd.s32 $0xFFFFC000  }
0x3a4: {  	_ =	swait.ge [sflag:s10], $0x4000  }
0x3a5: {  	[sflag:s10] =	ssyncset.done $0x0  }
0x3a6: {  	s1 =	simm.s32 $0x2B00;
	[sflag:s10] =	ssyncadd.s32 $0xFFFFC000  }
0x3a7: {  	[spmem:s3] =	stream.indirect.scatter.add.f32 [tilespmem:s8], [sflag:$0x3], $0x80, s1, s7, $0xb8;
	[tilespmem:$0x1F800] =	vst v63  }
0x3a8: {  	s20 =	rddreg [dreg:$0x12]  }
0x3a9: {  	[tilespmem:s9], [sflag:$0x2] =	stream.indirect.gather [hbm4b:s2+s7], $0x80, s20, s7, $0xb8;
	[tilespmem:$0x1F800] =	vst v63  }
0x3aa: {  	_ =	swait.ge [sflag:s11], $0x4000  }
0x3ab: {  	[sflag:s11] =	ssyncset.done $0x0  }
0x3ac: {  	[sflag:s11] =	ssyncadd.s32 $0xFFFFC000  }
0x3ad: {  	_ =	swait.ge [sflag:s12], $0x4000  }
0x3ae: {  	[sflag:s12] =	ssyncset.done $0x0  }
0x3af: {  	s6 =	simm.s32 $0x2B80;
	[sflag:s12] =	ssyncadd.s32 $0xFFFFC000  }
0x3b0: {  	[spmem:s3] =	stream.indirect.scatter.add.f32 [tilespmem:s9], [sflag:$0x4], $0x80, s6, s7, $0xb8;
	[tilespmem:$0x1F800] =	vst v63  }
0x3b1: {  	s4 =	rddreg [dreg:$0x13]  }
0x3b2: {  	[tilespmem:s8], [sflag:$0x1] =	stream.indirect.gather [hbm4b:s2+s7], $0x80, s4, s7, $0xb8;
	[tilespmem:$0x1F800] =	vst v63  }
0x3b3: {  	_ =	swait.ge [sflag:s13], $0x4000  }
0x3b4: {  	[sflag:s13] =	ssyncset.done $0x0  }
0x3b5: {  	[sflag:s13] =	ssyncadd.s32 $0xFFFFC000  }
0x3b6: {  	_ =	swait.ge [sflag:s10], $0x4000  }
0x3b7: {  	[sflag:s10] =	ssyncset.done $0x0  }
0x3b8: {  	s18 =	simm.s32 $0x2C00;
	[sflag:s10] =	ssyncadd.s32 $0xFFFFC000  }
0x3b9: {  	[spmem:s3] =	stream.indirect.scatter.add.f32 [tilespmem:s8], [sflag:$0x3], $0x80, s18, s7, $0xb8;
	[tilespmem:$0x1F800] =	vst v63  }
0x3ba: {  	s17 =	rddreg [dreg:$0x14]  }
0x3bb: {  	[tilespmem:s9], [sflag:$0x2] =	stream.indirect.gather [hbm4b:s2+s7], $0x80, s17, s7, $0xb8;
	[tilespmem:$0x1F800] =	vst v63  }
0x3bc: {  	_ =	swait.ge [sflag:s11], $0x4000  }
0x3bd: {  	[sflag:s11] =	ssyncset.done $0x0  }
0x3be: {  	[sflag:s11] =	ssyncadd.s32 $0xFFFFC000  }
0x3bf: {  	_ =	swait.ge [sflag:s12], $0x4000  }
0x3c0: {  	[sflag:s12] =	ssyncset.done $0x0  }
0x3c1: {  	s20 =	simm.s32 $0x2C80;
	[sflag:s12] =	ssyncadd.s32 $0xFFFFC000  }
0x3c2: {  	[spmem:s3] =	stream.indirect.scatter.add.f32 [tilespmem:s9], [sflag:$0x4], $0x80, s20, s7, $0xb8;
	[tilespmem:$0x1F800] =	vst v63  }
0x3c3: {  	s19 =	rddreg [dreg:$0x15]  }
0x3c4: {  	[tilespmem:s8], [sflag:$0x1] =	stream.indirect.gather [hbm4b:s2+s7], $0x80, s19, s7, $0xb8;
	[tilespmem:$0x1F800] =	vst v63  }
0x3c5: {  	_ =	swait.ge [sflag:s13], $0x4000  }
0x3c6: {  	[sflag:s13] =	ssyncset.done $0x0  }
0x3c7: {  	[sflag:s13] =	ssyncadd.s32 $0xFFFFC000  }
0x3c8: {  	_ =	swait.ge [sflag:s10], $0x4000  }
0x3c9: {  	[sflag:s10] =	ssyncset.done $0x0  }
0x3ca: {  	s4 =	simm.s32 $0x2D00;
	[sflag:s10] =	ssyncadd.s32 $0xFFFFC000  }
0x3cb: {  	[spmem:s3] =	stream.indirect.scatter.add.f32 [tilespmem:s8], [sflag:$0x3], $0x80, s4, s7, $0xb8;
	[tilespmem:$0x1F800] =	vst v63  }
0x3cc: {  	s1 =	rddreg [dreg:$0x16]  }
0x3cd: {  	[tilespmem:s9], [sflag:$0x2] =	stream.indirect.gather [hbm4b:s2+s7], $0x80, s1, s7, $0xb8;
	[tilespmem:$0x1F800] =	vst v63  }
0x3ce: {  	_ =	swait.ge [sflag:s11], $0x4000  }
0x3cf: {  	[sflag:s11] =	ssyncset.done $0x0  }
0x3d0: {  	[sflag:s11] =	ssyncadd.s32 $0xFFFFC000  }
0x3d1: {  	_ =	swait.ge [sflag:s12], $0x4000  }
0x3d2: {  	[sflag:s12] =	ssyncset.done $0x0  }
0x3d3: {  	s17 =	simm.s32 $0x2D80;
	[sflag:s12] =	ssyncadd.s32 $0xFFFFC000  }
0x3d4: {  	[spmem:s3] =	stream.indirect.scatter.add.f32 [tilespmem:s9], [sflag:$0x4], $0x80, s17, s7, $0xb8;
	[tilespmem:$0x1F800] =	vst v63  }
0x3d5: {  	s6 =	rddreg [dreg:$0x17]  }
0x3d6: {  	[tilespmem:s8], [sflag:$0x1] =	stream.indirect.gather [hbm4b:s2+s7], $0x80, s6, s7, $0xb8;
	[tilespmem:$0x1F800] =	vst v63  }
0x3d7: {  	_ =	swait.ge [sflag:s13], $0x4000  }
0x3d8: {  	[sflag:s13] =	ssyncset.done $0x0  }
0x3d9: {  	[sflag:s13] =	ssyncadd.s32 $0xFFFFC000  }
0x3da: {  	_ =	swait.ge [sflag:s10], $0x4000  }
0x3db: {  	[sflag:s10] =	ssyncset.done $0x0  }
0x3dc: {  	s20 =	simm.s32 $0x2E00;
	[sflag:s10] =	ssyncadd.s32 $0xFFFFC000  }
0x3dd: {  	[spmem:s3] =	stream.indirect.scatter.add.f32 [tilespmem:s8], [sflag:$0x3], $0x80, s20, s7, $0xb8;
	[tilespmem:$0x1F800] =	vst v63  }
0x3de: {  	s19 =	rddreg [dreg:$0x18]  }
0x3df: {  	[tilespmem:s9], [sflag:$0x2] =	stream.indirect.gather [hbm4b:s2+s7], $0x80, s19, s7, $0xb8;
	[tilespmem:$0x1F800] =	vst v63  }
0x3e0: {  	_ =	swait.ge [sflag:s11], $0x4000  }
0x3e1: {  	[sflag:s11] =	ssyncset.done $0x0  }
0x3e2: {  	[sflag:s11] =	ssyncadd.s32 $0xFFFFC000  }
0x3e3: {  	_ =	swait.ge [sflag:s12], $0x4000  }
0x3e4: {  	[sflag:s12] =	ssyncset.done $0x0  }
0x3e5: {  	s4 =	simm.s32 $0x2E80;
	[sflag:s12] =	ssyncadd.s32 $0xFFFFC000  }
0x3e6: {  	[spmem:s3] =	stream.indirect.scatter.add.f32 [tilespmem:s9], [sflag:$0x4], $0x80, s4, s7, $0xb8;
	[tilespmem:$0x1F800] =	vst v63  }
0x3e7: {  	s1 =	rddreg [dreg:$0x19]  }
0x3e8: {  	[tilespmem:s8], [sflag:$0x1] =	stream.indirect.gather [hbm4b:s2+s7], $0x80, s1, s7, $0xb8;
	[tilespmem:$0x1F800] =	vst v63  }
0x3e9: {  	_ =	swait.ge [sflag:s13], $0x4000  }
0x3ea: {  	[sflag:s13] =	ssyncset.done $0x0  }
0x3eb: {  	[sflag:s13] =	ssyncadd.s32 $0xFFFFC000  }
0x3ec: {  	_ =	swait.ge [sflag:s10], $0x4000  }
0x3ed: {  	[sflag:s10] =	ssyncset.done $0x0  }
0x3ee: {  	s17 =	simm.s32 $0x2F00;
	[sflag:s10] =	ssyncadd.s32 $0xFFFFC000  }
0x3ef: {  	[spmem:s3] =	stream.indirect.scatter.add.f32 [tilespmem:s8], [sflag:$0x3], $0x80, s17, s7, $0xb8;
	[tilespmem:$0x1F800] =	vst v63  }
0x3f0: {  	s6 =	rddreg [dreg:$0x1a]  }
0x3f1: {  	[tilespmem:s9], [sflag:$0x2] =	stream.indirect.gather [hbm4b:s2+s7], $0x80, s6, s7, $0xb8;
	[tilespmem:$0x1F800] =	vst v63  }
0x3f2: {  	_ =	swait.ge [sflag:s11], $0x4000  }
0x3f3: {  	[sflag:s11] =	ssyncset.done $0x0  }
0x3f4: {  	[sflag:s11] =	ssyncadd.s32 $0xFFFFC000  }
0x3f5: {  	_ =	swait.ge [sflag:s12], $0x4000  }
0x3f6: {  	[sflag:s12] =	ssyncset.done $0x0  }
0x3f7: {  	s20 =	simm.s32 $0x2F80;
	[sflag:s12] =	ssyncadd.s32 $0xFFFFC000  }
0x3f8: {  	[spmem:s3] =	stream.indirect.scatter.add.f32 [tilespmem:s9], [sflag:$0x4], $0x80, s20, s7, $0xb8;
	[tilespmem:$0x1F800] =	vst v63  }
0x3f9: {  	s19 =	rddreg [dreg:$0x1b]  }
0x3fa: {  	[tilespmem:s8], [sflag:$0x1] =	stream.indirect.gather [hbm4b:s2+s7], $0x80, s19, s7, $0xb8;
	[tilespmem:$0x1F800] =	vst v63  }
0x3fb: {  	_ =	swait.ge [sflag:s13], $0x4000  }
0x3fc: {  	[sflag:s13] =	ssyncset.done $0x0  }
0x3fd: {  	s0 =	rddreg [dreg:$0x9];
	[sflag:s13] =	ssyncadd.s32 $0xFFFFC000  }
0x3fe: {  	[tilespmem:s30], [sflag:$0x5] =	stream.linear.gather [hbm4b:s0+s14], $0x800, $0x38;
	[tilespmem:$0x1F800] =	vst v63  }
0x3ff: {  	s0 =	simm.s32 $0x6  }
0x400: {  	_ =	swait.ge [sflag:s0], $0x800  }
0x401: {  	[sflag:s0] =	ssyncset.done $0x0  }
0x402: {  	[sflag:s0] =	ssyncadd.s32 $0xFFFFF800  }
0x403: {  	_ =	swait.ge [sflag:s10], $0x4000  }
0x404: {  	[sflag:s10] =	ssyncset.done $0x0  }
0x405: {  	[sflag:s10] =	ssyncadd.s32 $0xFFFFC000  }
0x406: {  	[spmem:s3] =	stream.indirect.scatter.add.f32 [tilespmem:s8], [sflag:$0x3], $0x80, s31, s7, $0xb8;
	[tilespmem:$0x1F800] =	vst v63  }
0x407: {  	s1 =	rddreg [dreg:$0x1c]  }
0x408: {  	[tilespmem:s9], [sflag:$0x2] =	stream.indirect.gather [hbm4b:s2+s7], $0x80, s1, s7, $0xb8;
	[tilespmem:$0x1F800] =	vst v63  }
0x409: {  	_ =	swait.ge [sflag:s11], $0x4000  }
0x40a: {  	[sflag:s11] =	ssyncset.done $0x0  }
0x40b: {  	[sflag:s11] =	ssyncadd.s32 $0xFFFFC000  }
0x40c: {  	_ =	swait.ge [sflag:s12], $0x4000  }
0x40d: {  	[sflag:s12] =	ssyncset.done $0x0  }
0x40e: {  	s6 =	simm.s32 $0x3080;
	[sflag:s12] =	ssyncadd.s32 $0xFFFFC000  }
0x40f: {  	[spmem:s3] =	stream.indirect.scatter.add.f32 [tilespmem:s9], [sflag:$0x4], $0x80, s6, s7, $0xb8;
	[tilespmem:$0x1F800] =	vst v63  }
0x410: {  	s4 =	rddreg [dreg:$0x1d]  }
0x411: {  	[tilespmem:s8], [sflag:$0x1] =	stream.indirect.gather [hbm4b:s2+s7], $0x80, s4, s7, $0xb8;
	[tilespmem:$0x1F800] =	vst v63  }
0x412: {  	_ =	swait.ge [sflag:s13], $0x4000  }
0x413: {  	[sflag:s13] =	ssyncset.done $0x0  }
0x414: {  	[sflag:s13] =	ssyncadd.s32 $0xFFFFC000  }
0x415: {  	_ =	swait.ge [sflag:s10], $0x4000  }
0x416: {  	[sflag:s10] =	ssyncset.done $0x0  }
0x417: {  	[sflag:s10] =	ssyncadd.s32 $0xFFFFC000  }
0x418: {  	[spmem:s3] =	stream.indirect.scatter.add.f32 [tilespmem:s8], [sflag:$0x3], $0x80, s29, s7, $0xb8;
	[tilespmem:$0x1F800] =	vst v63  }
0x419: {  	s17 =	rddreg [dreg:$0x1e]  }
0x41a: {  	[tilespmem:s9], [sflag:$0x2] =	stream.indirect.gather [hbm4b:s2+s7], $0x80, s17, s7, $0xb8;
	[tilespmem:$0x1F800] =	vst v63  }
0x41b: {  	_ =	swait.ge [sflag:s11], $0x4000  }
0x41c: {  	[sflag:s11] =	ssyncset.done $0x0  }
0x41d: {  	[sflag:s11] =	ssyncadd.s32 $0xFFFFC000  }
0x41e: {  	_ =	swait.ge [sflag:s12], $0x4000  }
0x41f: {  	[sflag:s12] =	ssyncset.done $0x0  }
0x420: {  	s20 =	simm.s32 $0x3180;
	[sflag:s12] =	ssyncadd.s32 $0xFFFFC000  }
0x421: {  	[spmem:s3] =	stream.indirect.scatter.add.f32 [tilespmem:s9], [sflag:$0x4], $0x80, s20, s7, $0xb8;
	[tilespmem:$0x1F800] =	vst v63  }
0x422: {  	s19 =	rddreg [dreg:$0x1f]  }
0x423: {  	[tilespmem:s8], [sflag:$0x1] =	stream.indirect.gather [hbm4b:s2+s7], $0x80, s19, s7, $0xb8;
	[tilespmem:$0x1F800] =	vst v63  }
0x424: {  	_ =	swait.ge [sflag:s13], $0x4000  }
0x425: {  	[sflag:s13] =	ssyncset.done $0x0  }
0x426: {  	[sflag:s13] =	ssyncadd.s32 $0xFFFFC000  }
0x427: {  	_ =	swait.ge [sflag:s10], $0x4000  }
0x428: {  	[sflag:s10] =	ssyncset.done $0x0  }
0x429: {  	s1 =	sld [smem:$0x7C1];
	[sflag:s10] =	ssyncadd.s32 $0xFFFFC000  }
0x42a: {  	[spmem:s3] =	stream.indirect.scatter.add.f32 [tilespmem:s8], [sflag:$0x3], $0x80, s28, s7, $0xb8;
	[tilespmem:$0x1F800] =	vst v63  }
0x42b: {  	_ = 	snop  }
0x42c: {  	[tilespmem:s9], [sflag:$0x2] =	stream.indirect.gather [hbm4b:s2+s7], $0x80, s1, s7, $0xb8;
	[tilespmem:$0x1F800] =	vst v63  }
0x42d: {  	_ =	swait.ge [sflag:s11], $0x4000  }
0x42e: {  	[sflag:s11] =	ssyncset.done $0x0  }
0x42f: {  	[sflag:s11] =	ssyncadd.s32 $0xFFFFC000  }
0x430: {  	_ =	swait.ge [sflag:s12], $0x4000  }
0x431: {  	[sflag:s12] =	ssyncset.done $0x0  }
0x432: {  	s6 =	simm.s32 $0x3280;
	s4 =	sld [smem:$0x7C2];
	[sflag:s12] =	ssyncadd.s32 $0xFFFFC000  }
0x433: {  	[spmem:s3] =	stream.indirect.scatter.add.f32 [tilespmem:s9], [sflag:$0x4], $0x80, s6, s7, $0xb8;
	[tilespmem:$0x1F800] =	vst v63  }
0x434: {  	_ = 	snop  }
0x435: {  	[tilespmem:s8], [sflag:$0x1] =	stream.indirect.gather [hbm4b:s2+s7], $0x80, s4, s7, $0xb8;
	[tilespmem:$0x1F800] =	vst v63  }
0x436: {  	_ =	swait.ge [sflag:s13], $0x4000  }
0x437: {  	[sflag:s13] =	ssyncset.done $0x0  }
0x438: {  	[sflag:s13] =	ssyncadd.s32 $0xFFFFC000  }
0x439: {  	_ =	swait.ge [sflag:s10], $0x4000  }
0x43a: {  	[sflag:s10] =	ssyncset.done $0x0  }
0x43b: {  	s17 =	sld [smem:$0x7C3];
	[sflag:s10] =	ssyncadd.s32 $0xFFFFC000  }
0x43c: {  	[spmem:s3] =	stream.indirect.scatter.add.f32 [tilespmem:s8], [sflag:$0x3], $0x80, s26, s7, $0xb8;
	[tilespmem:$0x1F800] =	vst v63  }
0x43d: {  	_ = 	snop  }
0x43e: {  	[tilespmem:s9], [sflag:$0x2] =	stream.indirect.gather [hbm4b:s2+s7], $0x80, s17, s7, $0xb8;
	[tilespmem:$0x1F800] =	vst v63  }
0x43f: {  	_ =	swait.ge [sflag:s11], $0x4000  }
0x440: {  	[sflag:s11] =	ssyncset.done $0x0  }
0x441: {  	[sflag:s11] =	ssyncadd.s32 $0xFFFFC000  }
0x442: {  	_ =	swait.ge [sflag:s12], $0x4000  }
0x443: {  	[sflag:s12] =	ssyncset.done $0x0  }
0x444: {  	s20 =	simm.s32 $0x3380;
	s19 =	sld [smem:$0x7C4];
	[sflag:s12] =	ssyncadd.s32 $0xFFFFC000  }
0x445: {  	[spmem:s3] =	stream.indirect.scatter.add.f32 [tilespmem:s9], [sflag:$0x4], $0x80, s20, s7, $0xb8;
	[tilespmem:$0x1F800] =	vst v63  }
0x446: {  	_ = 	snop  }
0x447: {  	[tilespmem:s8], [sflag:$0x1] =	stream.indirect.gather [hbm4b:s2+s7], $0x80, s19, s7, $0xb8;
	[tilespmem:$0x1F800] =	vst v63  }
0x448: {  	_ =	swait.ge [sflag:s13], $0x4000  }
0x449: {  	[sflag:s13] =	ssyncset.done $0x0  }
0x44a: {  	[sflag:s13] =	ssyncadd.s32 $0xFFFFC000  }
0x44b: {  	_ =	swait.ge [sflag:s10], $0x4000  }
0x44c: {  	[sflag:s10] =	ssyncset.done $0x0  }
0x44d: {  	s1 =	sld [smem:$0x7C5];
	[sflag:s10] =	ssyncadd.s32 $0xFFFFC000  }
0x44e: {  	[spmem:s3] =	stream.indirect.scatter.add.f32 [tilespmem:s8], [sflag:$0x3], $0x80, s24, s7, $0xb8;
	[tilespmem:$0x1F800] =	vst v63  }
0x44f: {  	_ = 	snop  }
0x450: {  	[tilespmem:s9], [sflag:$0x2] =	stream.indirect.gather [hbm4b:s2+s7], $0x80, s1, s7, $0xb8;
	[tilespmem:$0x1F800] =	vst v63  }
0x451: {  	_ =	swait.ge [sflag:s11], $0x4000  }
0x452: {  	[sflag:s11] =	ssyncset.done $0x0  }
0x453: {  	[sflag:s11] =	ssyncadd.s32 $0xFFFFC000  }
0x454: {  	_ =	swait.ge [sflag:s12], $0x4000  }
0x455: {  	[sflag:s12] =	ssyncset.done $0x0  }
0x456: {  	s6 =	simm.s32 $0x3480;
	s4 =	sld [smem:$0x7C6];
	[sflag:s12] =	ssyncadd.s32 $0xFFFFC000  }
0x457: {  	[spmem:s3] =	stream.indirect.scatter.add.f32 [tilespmem:s9], [sflag:$0x4], $0x80, s6, s7, $0xb8;
	[tilespmem:$0x1F800] =	vst v63  }
0x458: {  	_ = 	snop  }
0x459: {  	[tilespmem:s8], [sflag:$0x1] =	stream.indirect.gather [hbm4b:s2+s7], $0x80, s4, s7, $0xb8;
	[tilespmem:$0x1F800] =	vst v63  }
0x45a: {  	_ =	swait.ge [sflag:s13], $0x4000  }
0x45b: {  	[sflag:s13] =	ssyncset.done $0x0  }
0x45c: {  	[sflag:s13] =	ssyncadd.s32 $0xFFFFC000  }
0x45d: {  	_ =	swait.ge [sflag:s10], $0x4000  }
0x45e: {  	[sflag:s10] =	ssyncset.done $0x0  }
0x45f: {  	s17 =	sld [smem:$0x7C7];
	[sflag:s10] =	ssyncadd.s32 $0xFFFFC000  }
0x460: {  	[spmem:s3] =	stream.indirect.scatter.add.f32 [tilespmem:s8], [sflag:$0x3], $0x80, s23, s7, $0xb8;
	[tilespmem:$0x1F800] =	vst v63  }
0x461: {  	_ = 	snop  }
0x462: {  	[tilespmem:s9], [sflag:$0x2] =	stream.indirect.gather [hbm4b:s2+s7], $0x80, s17, s7, $0xb8;
	[tilespmem:$0x1F800] =	vst v63  }
0x463: {  	_ =	swait.ge [sflag:s11], $0x4000  }
0x464: {  	[sflag:s11] =	ssyncset.done $0x0  }
0x465: {  	[sflag:s11] =	ssyncadd.s32 $0xFFFFC000  }
0x466: {  	_ =	swait.ge [sflag:s12], $0x4000  }
0x467: {  	[sflag:s12] =	ssyncset.done $0x0  }
0x468: {  	s20 =	simm.s32 $0x3580;
	s19 =	sld [smem:$0x7C8];
	[sflag:s12] =	ssyncadd.s32 $0xFFFFC000  }
0x469: {  	[spmem:s3] =	stream.indirect.scatter.add.f32 [tilespmem:s9], [sflag:$0x4], $0x80, s20, s7, $0xb8;
	[tilespmem:$0x1F800] =	vst v63  }
0x46a: {  	_ = 	snop  }
0x46b: {  	[tilespmem:s8], [sflag:$0x1] =	stream.indirect.gather [hbm4b:s2+s7], $0x80, s19, s7, $0xb8;
	[tilespmem:$0x1F800] =	vst v63  }
0x46c: {  	_ =	swait.ge [sflag:s13], $0x4000  }
0x46d: {  	[sflag:s13] =	ssyncset.done $0x0  }
0x46e: {  	[sflag:s13] =	ssyncadd.s32 $0xFFFFC000  }
0x46f: {  	_ =	swait.ge [sflag:s10], $0x4000  }
0x470: {  	[sflag:s10] =	ssyncset.done $0x0  }
0x471: {  	s4 =	sld [smem:$0x7C9];
	[sflag:s10] =	ssyncadd.s32 $0xFFFFC000  }
0x472: {  	[spmem:s3] =	stream.indirect.scatter.add.f32 [tilespmem:s8], [sflag:$0x3], $0x80, s22, s7, $0xb8;
	[tilespmem:$0x1F800] =	vst v63  }
0x473: {  	_ = 	snop  }
0x474: {  	[tilespmem:s9], [sflag:$0x2] =	stream.indirect.gather [hbm4b:s2+s7], $0x80, s4, s7, $0xb8;
	[tilespmem:$0x1F800] =	vst v63  }
0x475: {  	_ =	swait.ge [sflag:s11], $0x4000  }
0x476: {  	[sflag:s11] =	ssyncset.done $0x0  }
0x477: {  	[sflag:s11] =	ssyncadd.s32 $0xFFFFC000  }
0x478: {  	_ =	swait.ge [sflag:s12], $0x4000  }
0x479: {  	[sflag:s12] =	ssyncset.done $0x0  }
0x47a: {  	s17 =	simm.s32 $0x3680;
	s6 =	sld [smem:$0x7CA];
	[sflag:s12] =	ssyncadd.s32 $0xFFFFC000  }
0x47b: {  	[spmem:s3] =	stream.indirect.scatter.add.f32 [tilespmem:s9], [sflag:$0x4], $0x80, s17, s7, $0xb8;
	[tilespmem:$0x1F800] =	vst v63  }
0x47c: {  	_ = 	snop  }
0x47d: {  	[tilespmem:s8], [sflag:$0x1] =	stream.indirect.gather [hbm4b:s2+s7], $0x80, s6, s7, $0xb8;
	[tilespmem:$0x1F800] =	vst v63  }
0x47e: {  	_ =	swait.ge [sflag:s13], $0x4000  }
0x47f: {  	[sflag:s13] =	ssyncset.done $0x0  }
0x480: {  	[sflag:s13] =	ssyncadd.s32 $0xFFFFC000  }
0x481: {  	_ =	swait.ge [sflag:s10], $0x4000  }
0x482: {  	[sflag:s10] =	ssyncset.done $0x0  }
0x483: {  	s19 =	sld [smem:$0x7CB];
	[sflag:s10] =	ssyncadd.s32 $0xFFFFC000  }
0x484: {  	[spmem:s3] =	stream.indirect.scatter.add.f32 [tilespmem:s8], [sflag:$0x3], $0x80, s21, s7, $0xb8;
	[tilespmem:$0x1F800] =	vst v63  }
0x485: {  	_ = 	snop  }
0x486: {  	[tilespmem:s9], [sflag:$0x2] =	stream.indirect.gather [hbm4b:s2+s7], $0x80, s19, s7, $0xb8;
	[tilespmem:$0x1F800] =	vst v63  }
0x487: {  	_ =	swait.ge [sflag:s11], $0x4000  }
0x488: {  	[sflag:s11] =	ssyncset.done $0x0  }
0x489: {  	[sflag:s11] =	ssyncadd.s32 $0xFFFFC000  }
0x48a: {  	_ =	swait.ge [sflag:s12], $0x4000  }
0x48b: {  	[sflag:s12] =	ssyncset.done $0x0  }
0x48c: {  	s20 =	sld [smem:$0x7CC];
	[sflag:s12] =	ssyncadd.s32 $0xFFFFC000  }
0x48d: {  	[spmem:s3] =	stream.indirect.scatter.add.f32 [tilespmem:s9], [sflag:$0x4], $0x80, s25, s7, $0xb8;
	[tilespmem:$0x1F800] =	vst v63  }
0x48e: {  	_ = 	snop  }
0x48f: {  	[tilespmem:s8], [sflag:$0x1] =	stream.indirect.gather [hbm4b:s2+s7], $0x80, s20, s7, $0xb8;
	[tilespmem:$0x1F800] =	vst v63  }
0x490: {  	_ =	swait.ge [sflag:s13], $0x4000  }
0x491: {  	[sflag:s13] =	ssyncset.done $0x0  }
0x492: {  	s1 =	rddreg [dreg:$0xa];
	[sflag:s13] =	ssyncadd.s32 $0xFFFFC000  }
0x493: {  	[tilespmem:s31], [sflag:$0x6] =	stream.linear.gather [hbm4b:s1+s14], $0x800, $0x38;
	[tilespmem:$0x1F800] =	vst v63  }
0x494: {  	_ =	swait.ge [sflag:s15], $0x800  }
0x495: {  	[sflag:s15] =	ssyncset.done $0x0  }
0x496: {  	[sflag:s15] =	ssyncadd.s32 $0xFFFFF800  }
0x497: {  	_ =	swait.ge [sflag:s10], $0x4000  }
0x498: {  	[sflag:s10] =	ssyncset.done $0x0  }
0x499: {  	s4 =	sld [smem:$0x7CD];
	[sflag:s10] =	ssyncadd.s32 $0xFFFFC000  }
0x49a: {  	[spmem:s3] =	stream.indirect.scatter.add.f32 [tilespmem:s8], [sflag:$0x3], $0x80, s30, s7, $0xb8;
	[tilespmem:$0x1F800] =	vst v63  }
0x49b: {  	_ = 	snop  }
0x49c: {  	[tilespmem:s9], [sflag:$0x2] =	stream.indirect.gather [hbm4b:s2+s7], $0x80, s4, s7, $0xb8;
	[tilespmem:$0x1F800] =	vst v63  }
0x49d: {  	_ =	swait.ge [sflag:s11], $0x4000  }
0x49e: {  	[sflag:s11] =	ssyncset.done $0x0  }
0x49f: {  	[sflag:s11] =	ssyncadd.s32 $0xFFFFC000  }
0x4a0: {  	_ =	swait.ge [sflag:s12], $0x4000  }
0x4a1: {  	[sflag:s12] =	ssyncset.done $0x0  }
0x4a2: {  	s17 =	simm.s32 $0x2880;
	s6 =	sld [smem:$0x7CE];
	[sflag:s12] =	ssyncadd.s32 $0xFFFFC000  }
0x4a3: {  	[spmem:s3] =	stream.indirect.scatter.add.f32 [tilespmem:s9], [sflag:$0x4], $0x80, s17, s7, $0xb8;
	[tilespmem:$0x1F800] =	vst v63  }
0x4a4: {  	_ = 	snop  }
0x4a5: {  	[tilespmem:s8], [sflag:$0x1] =	stream.indirect.gather [hbm4b:s2+s7], $0x80, s6, s7, $0xb8;
	[tilespmem:$0x1F800] =	vst v63  }
0x4a6: {  	_ =	swait.ge [sflag:s13], $0x4000  }
0x4a7: {  	[sflag:s13] =	ssyncset.done $0x0  }
0x4a8: {  	[sflag:s13] =	ssyncadd.s32 $0xFFFFC000  }
0x4a9: {  	_ =	swait.ge [sflag:s10], $0x4000  }
0x4aa: {  	[sflag:s10] =	ssyncset.done $0x0  }
0x4ab: {  	s1 =	simm.s32 $0x2900;
	s19 =	sld [smem:$0x7CF];
	[sflag:s10] =	ssyncadd.s32 $0xFFFFC000  }
0x4ac: {  	[spmem:s3] =	stream.indirect.scatter.add.f32 [tilespmem:s8], [sflag:$0x3], $0x80, s1, s7, $0xb8;
	[tilespmem:$0x1F800] =	vst v63  }
0x4ad: {  	_ = 	snop  }
0x4ae: {  	[tilespmem:s9], [sflag:$0x2] =	stream.indirect.gather [hbm4b:s2+s7], $0x80, s19, s7, $0xb8;
	[tilespmem:$0x1F800] =	vst v63  }
0x4af: {  	_ =	swait.ge [sflag:s11], $0x4000  }
0x4b0: {  	[sflag:s11] =	ssyncset.done $0x0  }
0x4b1: {  	[sflag:s11] =	ssyncadd.s32 $0xFFFFC000  }
0x4b2: {  	_ =	swait.ge [sflag:s12], $0x4000  }
0x4b3: {  	[sflag:s12] =	ssyncset.done $0x0  }
0x4b4: {  	s4 =	simm.s32 $0x2980;
	s20 =	sld [smem:$0x7D0];
	[sflag:s12] =	ssyncadd.s32 $0xFFFFC000  }
0x4b5: {  	[spmem:s3] =	stream.indirect.scatter.add.f32 [tilespmem:s9], [sflag:$0x4], $0x80, s4, s7, $0xb8;
	[tilespmem:$0x1F800] =	vst v63  }
0x4b6: {  	_ = 	snop  }
0x4b7: {  	[tilespmem:s8], [sflag:$0x1] =	stream.indirect.gather [hbm4b:s2+s7], $0x80, s20, s7, $0xb8;
	[tilespmem:$0x1F800] =	vst v63  }
0x4b8: {  	_ =	swait.ge [sflag:s13], $0x4000  }
0x4b9: {  	[sflag:s13] =	ssyncset.done $0x0  }
0x4ba: {  	[sflag:s13] =	ssyncadd.s32 $0xFFFFC000  }
0x4bb: {  	_ =	swait.ge [sflag:s10], $0x4000  }
0x4bc: {  	[sflag:s10] =	ssyncset.done $0x0  }
0x4bd: {  	s4 =	simm.s32 $0x2A00;
	s6 =	sld [smem:$0x7D1];
	[sflag:s10] =	ssyncadd.s32 $0xFFFFC000  }
0x4be: {  	[spmem:s3] =	stream.indirect.scatter.add.f32 [tilespmem:s8], [sflag:$0x3], $0x80, s4, s7, $0xb8;
	[tilespmem:$0x1F800] =	vst v63  }
0x4bf: {  	_ = 	snop  }
0x4c0: {  	[tilespmem:s9], [sflag:$0x2] =	stream.indirect.gather [hbm4b:s2+s7], $0x80, s6, s7, $0xb8;
	[tilespmem:$0x1F800] =	vst v63  }
0x4c1: {  	_ =	swait.ge [sflag:s11], $0x4000  }
0x4c2: {  	[sflag:s11] =	ssyncset.done $0x0  }
0x4c3: {  	[sflag:s11] =	ssyncadd.s32 $0xFFFFC000  }
0x4c4: {  	_ =	swait.ge [sflag:s12], $0x4000  }
0x4c5: {  	[sflag:s12] =	ssyncset.done $0x0  }
0x4c6: {  	s6 =	simm.s32 $0x2A80;
	s17 =	sld [smem:$0x7D2];
	[sflag:s12] =	ssyncadd.s32 $0xFFFFC000  }
0x4c7: {  	[spmem:s3] =	stream.indirect.scatter.add.f32 [tilespmem:s9], [sflag:$0x4], $0x80, s6, s7, $0xb8;
	[tilespmem:$0x1F800] =	vst v63  }
0x4c8: {  	_ = 	snop  }
0x4c9: {  	[tilespmem:s8], [sflag:$0x1] =	stream.indirect.gather [hbm4b:s2+s7], $0x80, s17, s7, $0xb8;
	[tilespmem:$0x1F800] =	vst v63  }
0x4ca: {  	_ =	swait.ge [sflag:s13], $0x4000  }
0x4cb: {  	[sflag:s13] =	ssyncset.done $0x0  }
0x4cc: {  	[sflag:s13] =	ssyncadd.s32 $0xFFFFC000  }
0x4cd: {  	_ =	swait.ge [sflag:s10], $0x4000  }
0x4ce: {  	[sflag:s10] =	ssyncset.done $0x0  }
0x4cf: {  	s6 =	simm.s32 $0x2B00;
	s19 =	sld [smem:$0x7D3];
	[sflag:s10] =	ssyncadd.s32 $0xFFFFC000  }
0x4d0: {  	[spmem:s3] =	stream.indirect.scatter.add.f32 [tilespmem:s8], [sflag:$0x3], $0x80, s6, s7, $0xb8;
	[tilespmem:$0x1F800] =	vst v63  }
0x4d1: {  	_ = 	snop  }
0x4d2: {  	[tilespmem:s9], [sflag:$0x2] =	stream.indirect.gather [hbm4b:s2+s7], $0x80, s19, s7, $0xb8;
	[tilespmem:$0x1F800] =	vst v63  }
0x4d3: {  	_ =	swait.ge [sflag:s11], $0x4000  }
0x4d4: {  	[sflag:s11] =	ssyncset.done $0x0  }
0x4d5: {  	[sflag:s11] =	ssyncadd.s32 $0xFFFFC000  }
0x4d6: {  	_ =	swait.ge [sflag:s12], $0x4000  }
0x4d7: {  	[sflag:s12] =	ssyncset.done $0x0  }
0x4d8: {  	s17 =	simm.s32 $0x2B80;
	s20 =	sld [smem:$0x7D4];
	[sflag:s12] =	ssyncadd.s32 $0xFFFFC000  }
0x4d9: {  	[spmem:s3] =	stream.indirect.scatter.add.f32 [tilespmem:s9], [sflag:$0x4], $0x80, s17, s7, $0xb8;
	[tilespmem:$0x1F800] =	vst v63  }
0x4da: {  	_ = 	snop  }
0x4db: {  	[tilespmem:s8], [sflag:$0x1] =	stream.indirect.gather [hbm4b:s2+s7], $0x80, s20, s7, $0xb8;
	[tilespmem:$0x1F800] =	vst v63  }
0x4dc: {  	_ =	swait.ge [sflag:s13], $0x4000  }
0x4dd: {  	[sflag:s13] =	ssyncset.done $0x0  }
0x4de: {  	[sflag:s13] =	ssyncadd.s32 $0xFFFFC000  }
0x4df: {  	_ =	swait.ge [sflag:s10], $0x4000  }
0x4e0: {  	[sflag:s10] =	ssyncset.done $0x0  }
0x4e1: {  	s17 =	simm.s32 $0x2C00;
	s19 =	sld [smem:$0x7D5];
	[sflag:s10] =	ssyncadd.s32 $0xFFFFC000  }
0x4e2: {  	[spmem:s3] =	stream.indirect.scatter.add.f32 [tilespmem:s8], [sflag:$0x3], $0x80, s17, s7, $0xb8;
	[tilespmem:$0x1F800] =	vst v63  }
0x4e3: {  	_ = 	snop  }
0x4e4: {  	[tilespmem:s9], [sflag:$0x2] =	stream.indirect.gather [hbm4b:s2+s7], $0x80, s19, s7, $0xb8;
	[tilespmem:$0x1F800] =	vst v63  }
0x4e5: {  	_ =	swait.ge [sflag:s11], $0x4000  }
0x4e6: {  	[sflag:s11] =	ssyncset.done $0x0  }
0x4e7: {  	[sflag:s11] =	ssyncadd.s32 $0xFFFFC000  }
0x4e8: {  	_ =	swait.ge [sflag:s12], $0x4000  }
0x4e9: {  	[sflag:s12] =	ssyncset.done $0x0  }
0x4ea: {  	s18 =	simm.s32 $0x2C80;
	s20 =	sld [smem:$0x7D6];
	[sflag:s12] =	ssyncadd.s32 $0xFFFFC000  }
0x4eb: {  	[spmem:s3] =	stream.indirect.scatter.add.f32 [tilespmem:s9], [sflag:$0x4], $0x80, s18, s7, $0xb8;
	[tilespmem:$0x1F800] =	vst v63  }
0x4ec: {  	_ = 	snop  }
0x4ed: {  	[tilespmem:s8], [sflag:$0x1] =	stream.indirect.gather [hbm4b:s2+s7], $0x80, s20, s7, $0xb8;
	[tilespmem:$0x1F800] =	vst v63  }
0x4ee: {  	_ =	swait.ge [sflag:s13], $0x4000  }
0x4ef: {  	[sflag:s13] =	ssyncset.done $0x0  }
0x4f0: {  	[sflag:s13] =	ssyncadd.s32 $0xFFFFC000  }
0x4f1: {  	_ =	swait.ge [sflag:s10], $0x4000  }
0x4f2: {  	[sflag:s10] =	ssyncset.done $0x0  }
0x4f3: {  	s20 =	simm.s32 $0x2D00;
	s19 =	sld [smem:$0x7D7];
	[sflag:s10] =	ssyncadd.s32 $0xFFFFC000  }
0x4f4: {  	[spmem:s3] =	stream.indirect.scatter.add.f32 [tilespmem:s8], [sflag:$0x3], $0x80, s20, s7, $0xb8;
	[tilespmem:$0x1F800] =	vst v63  }
0x4f5: {  	_ = 	snop  }
0x4f6: {  	[tilespmem:s9], [sflag:$0x2] =	stream.indirect.gather [hbm4b:s2+s7], $0x80, s19, s7, $0xb8;
	[tilespmem:$0x1F800] =	vst v63  }
0x4f7: {  	_ =	swait.ge [sflag:s11], $0x4000  }
0x4f8: {  	[sflag:s11] =	ssyncset.done $0x0  }
0x4f9: {  	[sflag:s11] =	ssyncadd.s32 $0xFFFFC000  }
0x4fa: {  	_ =	swait.ge [sflag:s12], $0x4000  }
0x4fb: {  	[sflag:s12] =	ssyncset.done $0x0  }
0x4fc: {  	s20 =	simm.s32 $0x2D80;
	s19 =	sld [smem:$0x7D8];
	[sflag:s12] =	ssyncadd.s32 $0xFFFFC000  }
0x4fd: {  	[spmem:s3] =	stream.indirect.scatter.add.f32 [tilespmem:s9], [sflag:$0x4], $0x80, s20, s7, $0xb8;
	[tilespmem:$0x1F800] =	vst v63  }
0x4fe: {  	_ = 	snop  }
0x4ff: {  	[tilespmem:s8], [sflag:$0x1] =	stream.indirect.gather [hbm4b:s2+s7], $0x80, s19, s7, $0xb8;
	[tilespmem:$0x1F800] =	vst v63  }
0x500: {  	_ =	swait.ge [sflag:s13], $0x4000  }
0x501: {  	[sflag:s13] =	ssyncset.done $0x0  }
0x502: {  	[sflag:s13] =	ssyncadd.s32 $0xFFFFC000  }
0x503: {  	_ =	swait.ge [sflag:s10], $0x4000  }
0x504: {  	[sflag:s10] =	ssyncset.done $0x0  }
0x505: {  	s18 =	simm.s32 $0x2E00;
	s19 =	sld [smem:$0x7D9];
	[sflag:s10] =	ssyncadd.s32 $0xFFFFC000  }
0x506: {  	[spmem:s3] =	stream.indirect.scatter.add.f32 [tilespmem:s8], [sflag:$0x3], $0x80, s18, s7, $0xb8;
	[tilespmem:$0x1F800] =	vst v63  }
0x507: {  	_ = 	snop  }
0x508: {  	[tilespmem:s9], [sflag:$0x2] =	stream.indirect.gather [hbm4b:s2+s7], $0x80, s19, s7, $0xb8;
	[tilespmem:$0x1F800] =	vst v63  }
0x509: {  	_ =	swait.ge [sflag:s11], $0x4000  }
0x50a: {  	[sflag:s11] =	ssyncset.done $0x0  }
0x50b: {  	[sflag:s11] =	ssyncadd.s32 $0xFFFFC000  }
0x50c: {  	_ =	swait.ge [sflag:s12], $0x4000  }
0x50d: {  	[sflag:s12] =	ssyncset.done $0x0  }
0x50e: {  	s19 =	simm.s32 $0x2E80;
	s20 =	sld [smem:$0x7DA];
	[sflag:s12] =	ssyncadd.s32 $0xFFFFC000  }
0x50f: {  	[spmem:s3] =	stream.indirect.scatter.add.f32 [tilespmem:s9], [sflag:$0x4], $0x80, s19, s7, $0xb8;
	[tilespmem:$0x1F800] =	vst v63  }
0x510: {  	_ = 	snop  }
0x511: {  	[tilespmem:s8], [sflag:$0x1] =	stream.indirect.gather [hbm4b:s2+s7], $0x80, s20, s7, $0xb8;
	[tilespmem:$0x1F800] =	vst v63  }
0x512: {  	_ =	swait.ge [sflag:s13], $0x4000  }
0x513: {  	[sflag:s13] =	ssyncset.done $0x0  }
0x514: {  	[sflag:s13] =	ssyncadd.s32 $0xFFFFC000  }
0x515: {  	_ =	swait.ge [sflag:s10], $0x4000  }
0x516: {  	[sflag:s10] =	ssyncset.done $0x0  }
0x517: {  	s19 =	simm.s32 $0x2F00;
	s20 =	sld [smem:$0x7DB];
	[sflag:s10] =	ssyncadd.s32 $0xFFFFC000  }
0x518: {  	[spmem:s3] =	stream.indirect.scatter.add.f32 [tilespmem:s8], [sflag:$0x3], $0x80, s19, s7, $0xb8;
	[tilespmem:$0x1F800] =	vst v63  }
0x519: {  	_ = 	snop  }
0x51a: {  	[tilespmem:s9], [sflag:$0x2] =	stream.indirect.gather [hbm4b:s2+s7], $0x80, s20, s7, $0xb8;
	[tilespmem:$0x1F800] =	vst v63  }
0x51b: {  	_ =	swait.ge [sflag:s11], $0x4000  }
0x51c: {  	[sflag:s11] =	ssyncset.done $0x0  }
0x51d: {  	[sflag:s11] =	ssyncadd.s32 $0xFFFFC000  }
0x51e: {  	_ =	swait.ge [sflag:s12], $0x4000  }
0x51f: {  	[sflag:s12] =	ssyncset.done $0x0  }
0x520: {  	s20 =	simm.s32 $0x2F80;
	s16 =	sld [smem:$0x7DC];
	[sflag:s12] =	ssyncadd.s32 $0xFFFFC000  }
0x521: {  	[spmem:s3] =	stream.indirect.scatter.add.f32 [tilespmem:s9], [sflag:$0x4], $0x80, s20, s7, $0xb8;
	[tilespmem:$0x1F800] =	vst v63  }
0x522: {  	_ = 	snop  }
0x523: {  	[tilespmem:s8], [sflag:$0x1] =	stream.indirect.gather [hbm4b:s2+s7], $0x80, s16, s7, $0xb8;
	[tilespmem:$0x1F800] =	vst v63  }
0x524: {  	_ =	swait.ge [sflag:s13], $0x4000  }
0x525: {  	[sflag:s13] =	ssyncset.done $0x0  }
0x526: {  	s16 =	rddreg [dreg:$0xb];
	[sflag:s13] =	ssyncadd.s32 $0xFFFFC000  }
0x527: {  	[tilespmem:s30], [sflag:$0x5] =	stream.linear.gather [hbm4b:s16+s14], $0x800, $0x38;
	[tilespmem:$0x1F800] =	vst v63  }
0x528: {  	_ =	swait.ge [sflag:s0], $0x800  }
0x529: {  	[sflag:s0] =	ssyncset.done $0x0  }
0x52a: {  	[sflag:s0] =	ssyncadd.s32 $0xFFFFF800  }
0x52b: {  	_ =	swait.ge [sflag:s10], $0x4000  }
0x52c: {  	[sflag:s10] =	ssyncset.done $0x0  }
0x52d: {  	s0 =	sld [smem:$0x7DD];
	[sflag:s10] =	ssyncadd.s32 $0xFFFFC000  }
0x52e: {  	[spmem:s3] =	stream.indirect.scatter.add.f32 [tilespmem:s8], [sflag:$0x3], $0x80, s31, s7, $0xb8;
	[tilespmem:$0x1F800] =	vst v63  }
0x52f: {  	_ = 	snop  }
0x530: {  	[tilespmem:s9], [sflag:$0x2] =	stream.indirect.gather [hbm4b:s2+s7], $0x80, s0, s7, $0xb8;
	[tilespmem:$0x1F800] =	vst v63  }
0x531: {  	_ =	swait.ge [sflag:s11], $0x4000  }
0x532: {  	[sflag:s11] =	ssyncset.done $0x0  }
0x533: {  	[sflag:s11] =	ssyncadd.s32 $0xFFFFC000  }
0x534: {  	_ =	swait.ge [sflag:s12], $0x4000  }
0x535: {  	[sflag:s12] =	ssyncset.done $0x0  }
0x536: {  	s0 =	simm.s32 $0x3080;
	s16 =	sld [smem:$0x7DE];
	[sflag:s12] =	ssyncadd.s32 $0xFFFFC000  }
0x537: {  	[spmem:s3] =	stream.indirect.scatter.add.f32 [tilespmem:s9], [sflag:$0x4], $0x80, s0, s7, $0xb8;
	[tilespmem:$0x1F800] =	vst v63  }
0x538: {  	_ = 	snop  }
0x539: {  	[tilespmem:s8], [sflag:$0x1] =	stream.indirect.gather [hbm4b:s2+s7], $0x80, s16, s7, $0xb8;
	[tilespmem:$0x1F800] =	vst v63  }
0x53a: {  	_ =	swait.ge [sflag:s13], $0x4000  }
0x53b: {  	[sflag:s13] =	ssyncset.done $0x0  }
0x53c: {  	[sflag:s13] =	ssyncadd.s32 $0xFFFFC000  }
0x53d: {  	_ =	swait.ge [sflag:s10], $0x4000  }
0x53e: {  	[sflag:s10] =	ssyncset.done $0x0  }
0x53f: {  	s0 =	sld [smem:$0x7DF];
	[sflag:s10] =	ssyncadd.s32 $0xFFFFC000  }
0x540: {  	[spmem:s3] =	stream.indirect.scatter.add.f32 [tilespmem:s8], [sflag:$0x3], $0x80, s29, s7, $0xb8;
	[tilespmem:$0x1F800] =	vst v63  }
0x541: {  	_ = 	snop  }
0x542: {  	[tilespmem:s9], [sflag:$0x2] =	stream.indirect.gather [hbm4b:s2+s7], $0x80, s0, s7, $0xb8;
	[tilespmem:$0x1F800] =	vst v63  }
0x543: {  	_ =	swait.ge [sflag:s11], $0x4000  }
0x544: {  	[sflag:s11] =	ssyncset.done $0x0  }
0x545: {  	[sflag:s11] =	ssyncadd.s32 $0xFFFFC000  }
0x546: {  	_ =	swait.ge [sflag:s12], $0x4000  }
0x547: {  	[sflag:s12] =	ssyncset.done $0x0  }
0x548: {  	s0 =	simm.s32 $0x3180;
	s16 =	sld [smem:$0x7E0];
	[sflag:s12] =	ssyncadd.s32 $0xFFFFC000  }
0x549: {  	[spmem:s3] =	stream.indirect.scatter.add.f32 [tilespmem:s9], [sflag:$0x4], $0x80, s0, s7, $0xb8;
	[tilespmem:$0x1F800] =	vst v63  }
0x54a: {  	_ = 	snop  }
0x54b: {  	[tilespmem:s8], [sflag:$0x1] =	stream.indirect.gather [hbm4b:s2+s7], $0x80, s16, s7, $0xb8;
	[tilespmem:$0x1F800] =	vst v63  }
0x54c: {  	_ =	swait.ge [sflag:s13], $0x4000  }
0x54d: {  	[sflag:s13] =	ssyncset.done $0x0  }
0x54e: {  	[sflag:s13] =	ssyncadd.s32 $0xFFFFC000  }
0x54f: {  	_ =	swait.ge [sflag:s10], $0x4000  }
0x550: {  	[sflag:s10] =	ssyncset.done $0x0  }
0x551: {  	s0 =	sld [smem:$0x7E1];
	[sflag:s10] =	ssyncadd.s32 $0xFFFFC000  }
0x552: {  	[spmem:s3] =	stream.indirect.scatter.add.f32 [tilespmem:s8], [sflag:$0x3], $0x80, s28, s7, $0xb8;
	[tilespmem:$0x1F800] =	vst v63  }
0x553: {  	_ = 	snop  }
0x554: {  	[tilespmem:s9], [sflag:$0x2] =	stream.indirect.gather [hbm4b:s2+s7], $0x80, s0, s7, $0xb8;
	[tilespmem:$0x1F800] =	vst v63  }
0x555: {  	_ =	swait.ge [sflag:s11], $0x4000  }
0x556: {  	[sflag:s11] =	ssyncset.done $0x0  }
0x557: {  	[sflag:s11] =	ssyncadd.s32 $0xFFFFC000  }
0x558: {  	_ =	swait.ge [sflag:s12], $0x4000  }
0x559: {  	[sflag:s12] =	ssyncset.done $0x0  }
0x55a: {  	s0 =	simm.s32 $0x3280;
	s16 =	sld [smem:$0x7E2];
	[sflag:s12] =	ssyncadd.s32 $0xFFFFC000  }
0x55b: {  	[spmem:s3] =	stream.indirect.scatter.add.f32 [tilespmem:s9], [sflag:$0x4], $0x80, s0, s7, $0xb8;
	[tilespmem:$0x1F800] =	vst v63  }
0x55c: {  	_ = 	snop  }
0x55d: {  	[tilespmem:s8], [sflag:$0x1] =	stream.indirect.gather [hbm4b:s2+s7], $0x80, s16, s7, $0xb8;
	[tilespmem:$0x1F800] =	vst v63  }
0x55e: {  	_ =	swait.ge [sflag:s13], $0x4000  }
0x55f: {  	[sflag:s13] =	ssyncset.done $0x0  }
0x560: {  	[sflag:s13] =	ssyncadd.s32 $0xFFFFC000  }
0x561: {  	_ =	swait.ge [sflag:s10], $0x4000  }
0x562: {  	[sflag:s10] =	ssyncset.done $0x0  }
0x563: {  	s0 =	sld [smem:$0x7E3];
	[sflag:s10] =	ssyncadd.s32 $0xFFFFC000  }
0x564: {  	[spmem:s3] =	stream.indirect.scatter.add.f32 [tilespmem:s8], [sflag:$0x3], $0x80, s26, s7, $0xb8;
	[tilespmem:$0x1F800] =	vst v63  }
0x565: {  	_ = 	snop  }
0x566: {  	[tilespmem:s9], [sflag:$0x2] =	stream.indirect.gather [hbm4b:s2+s7], $0x80, s0, s7, $0xb8;
	[tilespmem:$0x1F800] =	vst v63  }
0x567: {  	_ =	swait.ge [sflag:s11], $0x4000  }
0x568: {  	[sflag:s11] =	ssyncset.done $0x0  }
0x569: {  	[sflag:s11] =	ssyncadd.s32 $0xFFFFC000  }
0x56a: {  	_ =	swait.ge [sflag:s12], $0x4000  }
0x56b: {  	[sflag:s12] =	ssyncset.done $0x0  }
0x56c: {  	s0 =	simm.s32 $0x3380;
	s16 =	sld [smem:$0x7E4];
	[sflag:s12] =	ssyncadd.s32 $0xFFFFC000  }
0x56d: {  	[spmem:s3] =	stream.indirect.scatter.add.f32 [tilespmem:s9], [sflag:$0x4], $0x80, s0, s7, $0xb8;
	[tilespmem:$0x1F800] =	vst v63  }
0x56e: {  	_ = 	snop  }
0x56f: {  	[tilespmem:s8], [sflag:$0x1] =	stream.indirect.gather [hbm4b:s2+s7], $0x80, s16, s7, $0xb8;
	[tilespmem:$0x1F800] =	vst v63  }
0x570: {  	_ =	swait.ge [sflag:s13], $0x4000  }
0x571: {  	[sflag:s13] =	ssyncset.done $0x0  }
0x572: {  	[sflag:s13] =	ssyncadd.s32 $0xFFFFC000  }
0x573: {  	_ =	swait.ge [sflag:s10], $0x4000  }
0x574: {  	[sflag:s10] =	ssyncset.done $0x0  }
0x575: {  	s0 =	sld [smem:$0x7E5];
	[sflag:s10] =	ssyncadd.s32 $0xFFFFC000  }
0x576: {  	[spmem:s3] =	stream.indirect.scatter.add.f32 [tilespmem:s8], [sflag:$0x3], $0x80, s24, s7, $0xb8;
	[tilespmem:$0x1F800] =	vst v63  }
0x577: {  	_ = 	snop  }
0x578: {  	[tilespmem:s9], [sflag:$0x2] =	stream.indirect.gather [hbm4b:s2+s7], $0x80, s0, s7, $0xb8;
	[tilespmem:$0x1F800] =	vst v63  }
0x579: {  	_ =	swait.ge [sflag:s11], $0x4000  }
0x57a: {  	[sflag:s11] =	ssyncset.done $0x0  }
0x57b: {  	[sflag:s11] =	ssyncadd.s32 $0xFFFFC000  }
0x57c: {  	_ =	swait.ge [sflag:s12], $0x4000  }
0x57d: {  	[sflag:s12] =	ssyncset.done $0x0  }
0x57e: {  	s0 =	simm.s32 $0x3480;
	s16 =	sld [smem:$0x7E6];
	[sflag:s12] =	ssyncadd.s32 $0xFFFFC000  }
0x57f: {  	[spmem:s3] =	stream.indirect.scatter.add.f32 [tilespmem:s9], [sflag:$0x4], $0x80, s0, s7, $0xb8;
	[tilespmem:$0x1F800] =	vst v63  }
0x580: {  	_ = 	snop  }
0x581: {  	[tilespmem:s8], [sflag:$0x1] =	stream.indirect.gather [hbm4b:s2+s7], $0x80, s16, s7, $0xb8;
	[tilespmem:$0x1F800] =	vst v63  }
0x582: {  	_ =	swait.ge [sflag:s13], $0x4000  }
0x583: {  	[sflag:s13] =	ssyncset.done $0x0  }
0x584: {  	[sflag:s13] =	ssyncadd.s32 $0xFFFFC000  }
0x585: {  	_ =	swait.ge [sflag:s10], $0x4000  }
0x586: {  	[sflag:s10] =	ssyncset.done $0x0  }
0x587: {  	s0 =	sld [smem:$0x7E8];
	[sflag:s10] =	ssyncadd.s32 $0xFFFFC000  }
0x588: {  	[spmem:s3] =	stream.indirect.scatter.add.f32 [tilespmem:s8], [sflag:$0x3], $0x80, s23, s7, $0xb8;
	[tilespmem:$0x1F800] =	vst v63  }
0x589: {  	_ = 	snop  }
0x58a: {  	[tilespmem:s9], [sflag:$0x2] =	stream.indirect.gather [hbm4b:s2+s7], $0x80, s0, s7, $0xb8;
	[tilespmem:$0x1F800] =	vst v63  }
0x58b: {  	_ =	swait.ge [sflag:s11], $0x4000  }
0x58c: {  	[sflag:s11] =	ssyncset.done $0x0  }
0x58d: {  	[sflag:s11] =	ssyncadd.s32 $0xFFFFC000  }
0x58e: {  	_ =	swait.ge [sflag:s12], $0x4000  }
0x58f: {  	[sflag:s12] =	ssyncset.done $0x0  }
0x590: {  	s0 =	simm.s32 $0x3580;
	s16 =	sld [smem:$0x7E9];
	[sflag:s12] =	ssyncadd.s32 $0xFFFFC000  }
0x591: {  	[spmem:s3] =	stream.indirect.scatter.add.f32 [tilespmem:s9], [sflag:$0x4], $0x80, s0, s7, $0xb8;
	[tilespmem:$0x1F800] =	vst v63  }
0x592: {  	_ = 	snop  }
0x593: {  	[tilespmem:s8], [sflag:$0x1] =	stream.indirect.gather [hbm4b:s2+s7], $0x80, s16, s7, $0xb8;
	[tilespmem:$0x1F800] =	vst v63  }
0x594: {  	_ =	swait.ge [sflag:s13], $0x4000  }
0x595: {  	[sflag:s13] =	ssyncset.done $0x0  }
0x596: {  	[sflag:s13] =	ssyncadd.s32 $0xFFFFC000  }
0x597: {  	_ =	swait.ge [sflag:s10], $0x4000  }
0x598: {  	[sflag:s10] =	ssyncset.done $0x0  }
0x599: {  	s0 =	sld [smem:$0x7EB];
	[sflag:s10] =	ssyncadd.s32 $0xFFFFC000  }
0x59a: {  	[spmem:s3] =	stream.indirect.scatter.add.f32 [tilespmem:s8], [sflag:$0x3], $0x80, s22, s7, $0xb8;
	[tilespmem:$0x1F800] =	vst v63  }
0x59b: {  	_ = 	snop  }
0x59c: {  	[tilespmem:s9], [sflag:$0x2] =	stream.indirect.gather [hbm4b:s2+s7], $0x80, s0, s7, $0xb8;
	[tilespmem:$0x1F800] =	vst v63  }
0x59d: {  	_ =	swait.ge [sflag:s11], $0x4000  }
0x59e: {  	[sflag:s11] =	ssyncset.done $0x0  }
0x59f: {  	[sflag:s11] =	ssyncadd.s32 $0xFFFFC000  }
0x5a0: {  	_ =	swait.ge [sflag:s12], $0x4000  }
0x5a1: {  	[sflag:s12] =	ssyncset.done $0x0  }
0x5a2: {  	s0 =	simm.s32 $0x3680;
	s16 =	sld [smem:$0x7EC];
	[sflag:s12] =	ssyncadd.s32 $0xFFFFC000  }
0x5a3: {  	[spmem:s3] =	stream.indirect.scatter.add.f32 [tilespmem:s9], [sflag:$0x4], $0x80, s0, s7, $0xb8;
	[tilespmem:$0x1F800] =	vst v63  }
0x5a4: {  	_ = 	snop  }
0x5a5: {  	[tilespmem:s8], [sflag:$0x1] =	stream.indirect.gather [hbm4b:s2+s7], $0x80, s16, s7, $0xb8;
	[tilespmem:$0x1F800] =	vst v63  }
0x5a6: {  	_ =	swait.ge [sflag:s13], $0x4000  }
0x5a7: {  	[sflag:s13] =	ssyncset.done $0x0  }
0x5a8: {  	[sflag:s13] =	ssyncadd.s32 $0xFFFFC000  }
0x5a9: {  	_ =	swait.ge [sflag:s10], $0x4000  }
0x5aa: {  	[sflag:s10] =	ssyncset.done $0x0  }
0x5ab: {  	s0 =	sld [smem:$0x7ED];
	[sflag:s10] =	ssyncadd.s32 $0xFFFFC000  }
0x5ac: {  	[spmem:s3] =	stream.indirect.scatter.add.f32 [tilespmem:s8], [sflag:$0x3], $0x80, s21, s7, $0xb8;
	[tilespmem:$0x1F800] =	vst v63  }
0x5ad: {  	_ = 	snop  }
0x5ae: {  	[tilespmem:s9], [sflag:$0x2] =	stream.indirect.gather [hbm4b:s2+s7], $0x80, s0, s7, $0xb8;
	[tilespmem:$0x1F800] =	vst v63  }
0x5af: {  	_ =	swait.ge [sflag:s11], $0x4000  }
0x5b0: {  	[sflag:s11] =	ssyncset.done $0x0  }
0x5b1: {  	[sflag:s11] =	ssyncadd.s32 $0xFFFFC000  }
0x5b2: {  	_ =	swait.ge [sflag:s12], $0x4000  }
0x5b3: {  	[sflag:s12] =	ssyncset.done $0x0  }
0x5b4: {  	s0 =	sld [smem:$0x7EE];
	[sflag:s12] =	ssyncadd.s32 $0xFFFFC000  }
0x5b5: {  	[spmem:s3] =	stream.indirect.scatter.add.f32 [tilespmem:s9], [sflag:$0x4], $0x80, s25, s7, $0xb8;
	[tilespmem:$0x1F800] =	vst v63  }
0x5b6: {  	_ = 	snop  }
0x5b7: {  	[tilespmem:s8], [sflag:$0x1] =	stream.indirect.gather [hbm4b:s2+s7], $0x80, s0, s7, $0xb8;
	[tilespmem:$0x1F800] =	vst v63  }
0x5b8: {  	_ =	swait.ge [sflag:s13], $0x4000  }
0x5b9: {  	[sflag:s13] =	ssyncset.done $0x0  }
0x5ba: {  	[sflag:s13] =	ssyncadd.s32 $0xFFFFC000  }
0x5bb: {  	_ =	swait.ge [sflag:s15], $0x800  }
0x5bc: {  	[sflag:s15] =	ssyncset.done $0x0  }
0x5bd: {  	[sflag:s15] =	ssyncadd.s32 $0xFFFFF800  }
0x5be: {  	_ =	swait.ge [sflag:s10], $0x4000  }
0x5bf: {  	[sflag:s10] =	ssyncset.done $0x0  }
0x5c0: {  	s0 =	sld [smem:$0x7EF];
	[sflag:s10] =	ssyncadd.s32 $0xFFFFC000  }
0x5c1: {  	[spmem:s3] =	stream.indirect.scatter.add.f32 [tilespmem:s8], [sflag:$0x3], $0x80, s30, s7, $0xb8;
	[tilespmem:$0x1F800] =	vst v63  }
0x5c2: {  	_ = 	snop  }
0x5c3: {  	[tilespmem:s9], [sflag:$0x2] =	stream.indirect.gather [hbm4b:s2+s7], $0x80, s0, s7, $0xb8;
	[tilespmem:$0x1F800] =	vst v63  }
0x5c4: {  	_ =	swait.ge [sflag:s11], $0x4000  }
0x5c5: {  	[sflag:s11] =	ssyncset.done $0x0  }
0x5c6: {  	[sflag:s11] =	ssyncadd.s32 $0xFFFFC000  }
0x5c7: {  	_ =	swait.ge [sflag:s12], $0x4000  }
0x5c8: {  	[sflag:s12] =	ssyncset.done $0x0  }
0x5c9: {  	s0 =	simm.s32 $0x2880;
	s16 =	sld [smem:$0x7F0];
	[sflag:s12] =	ssyncadd.s32 $0xFFFFC000  }
0x5ca: {  	[spmem:s3] =	stream.indirect.scatter.add.f32 [tilespmem:s9], [sflag:$0x4], $0x80, s0, s7, $0xb8;
	[tilespmem:$0x1F800] =	vst v63  }
0x5cb: {  	_ = 	snop  }
0x5cc: {  	[tilespmem:s8], [sflag:$0x1] =	stream.indirect.gather [hbm4b:s2+s7], $0x80, s16, s7, $0xb8;
	[tilespmem:$0x1F800] =	vst v63  }
0x5cd: {  	_ =	swait.ge [sflag:s13], $0x4000  }
0x5ce: {  	[sflag:s13] =	ssyncset.done $0x0  }
0x5cf: {  	[sflag:s13] =	ssyncadd.s32 $0xFFFFC000  }
0x5d0: {  	_ =	swait.ge [sflag:s10], $0x4000  }
0x5d1: {  	[sflag:s10] =	ssyncset.done $0x0  }
0x5d2: {  	s0 =	sld [smem:$0x7F1];
	[sflag:s10] =	ssyncadd.s32 $0xFFFFC000  }
0x5d3: {  	[spmem:s3] =	stream.indirect.scatter.add.f32 [tilespmem:s8], [sflag:$0x3], $0x80, s1, s7, $0xb8;
	[tilespmem:$0x1F800] =	vst v63  }
0x5d4: {  	_ = 	snop  }
0x5d5: {  	[tilespmem:s9], [sflag:$0x2] =	stream.indirect.gather [hbm4b:s2+s7], $0x80, s0, s7, $0xb8;
	[tilespmem:$0x1F800] =	vst v63  }
0x5d6: {  	_ =	swait.ge [sflag:s11], $0x4000  }
0x5d7: {  	[sflag:s11] =	ssyncset.done $0x0  }
0x5d8: {  	[sflag:s11] =	ssyncadd.s32 $0xFFFFC000  }
0x5d9: {  	_ =	swait.ge [sflag:s12], $0x4000  }
0x5da: {  	[sflag:s12] =	ssyncset.done $0x0  }
0x5db: {  	s1 =	simm.s32 $0x2980;
	s16 =	sld [smem:$0x7F2];
	[sflag:s12] =	ssyncadd.s32 $0xFFFFC000  }
0x5dc: {  	[spmem:s3] =	stream.indirect.scatter.add.f32 [tilespmem:s9], [sflag:$0x4], $0x80, s1, s7, $0xb8;
	[tilespmem:$0x1F800] =	vst v63  }
0x5dd: {  	_ = 	snop  }
0x5de: {  	[tilespmem:s8], [sflag:$0x1] =	stream.indirect.gather [hbm4b:s2+s7], $0x80, s16, s7, $0xb8;
	[tilespmem:$0x1F800] =	vst v63  }
0x5df: {  	_ =	swait.ge [sflag:s13], $0x4000  }
0x5e0: {  	[sflag:s13] =	ssyncset.done $0x0  }
0x5e1: {  	[sflag:s13] =	ssyncadd.s32 $0xFFFFC000  }
0x5e2: {  	_ =	swait.ge [sflag:s10], $0x4000  }
0x5e3: {  	[sflag:s10] =	ssyncset.done $0x0  }
0x5e4: {  	s1 =	sld [smem:$0x7F3];
	[sflag:s10] =	ssyncadd.s32 $0xFFFFC000  }
0x5e5: {  	[spmem:s3] =	stream.indirect.scatter.add.f32 [tilespmem:s8], [sflag:$0x3], $0x80, s4, s7, $0xb8;
	[tilespmem:$0x1F800] =	vst v63  }
0x5e6: {  	_ = 	snop  }
0x5e7: {  	[tilespmem:s9], [sflag:$0x2] =	stream.indirect.gather [hbm4b:s2+s7], $0x80, s1, s7, $0xb8;
	[tilespmem:$0x1F800] =	vst v63  }
0x5e8: {  	_ =	swait.ge [sflag:s11], $0x4000  }
0x5e9: {  	[sflag:s11] =	ssyncset.done $0x0  }
0x5ea: {  	[sflag:s11] =	ssyncadd.s32 $0xFFFFC000  }
0x5eb: {  	_ =	swait.ge [sflag:s12], $0x4000  }
0x5ec: {  	[sflag:s12] =	ssyncset.done $0x0  }
0x5ed: {  	s1 =	simm.s32 $0x2A80;
	s4 =	sld [smem:$0x7F4];
	[sflag:s12] =	ssyncadd.s32 $0xFFFFC000  }
0x5ee: {  	[spmem:s3] =	stream.indirect.scatter.add.f32 [tilespmem:s9], [sflag:$0x4], $0x80, s1, s7, $0xb8;
	[tilespmem:$0x1F800] =	vst v63  }
0x5ef: {  	_ = 	snop  }
0x5f0: {  	[tilespmem:s8], [sflag:$0x1] =	stream.indirect.gather [hbm4b:s2+s7], $0x80, s4, s7, $0xb8;
	[tilespmem:$0x1F800] =	vst v63  }
0x5f1: {  	_ =	swait.ge [sflag:s13], $0x4000  }
0x5f2: {  	[sflag:s13] =	ssyncset.done $0x0  }
0x5f3: {  	[sflag:s13] =	ssyncadd.s32 $0xFFFFC000  }
0x5f4: {  	_ =	swait.ge [sflag:s10], $0x4000  }
0x5f5: {  	[sflag:s10] =	ssyncset.done $0x0  }
0x5f6: {  	s4 =	sld [smem:$0x7F5];
	[sflag:s10] =	ssyncadd.s32 $0xFFFFC000  }
0x5f7: {  	[spmem:s3] =	stream.indirect.scatter.add.f32 [tilespmem:s8], [sflag:$0x3], $0x80, s6, s7, $0xb8;
	[tilespmem:$0x1F800] =	vst v63  }
0x5f8: {  	_ = 	snop  }
0x5f9: {  	[tilespmem:s9], [sflag:$0x2] =	stream.indirect.gather [hbm4b:s2+s7], $0x80, s4, s7, $0xb8;
	[tilespmem:$0x1F800] =	vst v63  }
0x5fa: {  	_ =	swait.ge [sflag:s11], $0x4000  }
0x5fb: {  	[sflag:s11] =	ssyncset.done $0x0  }
0x5fc: {  	[sflag:s11] =	ssyncadd.s32 $0xFFFFC000  }
0x5fd: {  	_ =	swait.ge [sflag:s12], $0x4000  }
0x5fe: {  	[sflag:s12] =	ssyncset.done $0x0  }
0x5ff: {  	s1 =	simm.s32 $0x2B80;
	s6 =	sld [smem:$0x7F6];
	[sflag:s12] =	ssyncadd.s32 $0xFFFFC000  }
0x600: {  	[spmem:s3] =	stream.indirect.scatter.add.f32 [tilespmem:s9], [sflag:$0x4], $0x80, s1, s7, $0xb8;
	[tilespmem:$0x1F800] =	vst v63  }
0x601: {  	_ = 	snop  }
0x602: {  	[tilespmem:s8], [sflag:$0x1] =	stream.indirect.gather [hbm4b:s2+s7], $0x80, s6, s7, $0xb8;
	[tilespmem:$0x1F800] =	vst v63  }
0x603: {  	_ =	swait.ge [sflag:s13], $0x4000  }
0x604: {  	[sflag:s13] =	ssyncset.done $0x0  }
0x605: {  	[sflag:s13] =	ssyncadd.s32 $0xFFFFC000  }
0x606: {  	_ =	swait.ge [sflag:s10], $0x4000  }
0x607: {  	[sflag:s10] =	ssyncset.done $0x0  }
0x608: {  	s4 =	sld [smem:$0x7F7];
	[sflag:s10] =	ssyncadd.s32 $0xFFFFC000  }
0x609: {  	[spmem:s3] =	stream.indirect.scatter.add.f32 [tilespmem:s8], [sflag:$0x3], $0x80, s17, s7, $0xb8;
	[tilespmem:$0x1F800] =	vst v63  }
0x60a: {  	_ = 	snop  }
0x60b: {  	[tilespmem:s9], [sflag:$0x2] =	stream.indirect.gather [hbm4b:s2+s7], $0x80, s4, s7, $0xb8;
	[tilespmem:$0x1F800] =	vst v63  }
0x60c: {  	_ =	swait.ge [sflag:s11], $0x4000  }
0x60d: {  	[sflag:s11] =	ssyncset.done $0x0  }
0x60e: {  	[sflag:s11] =	ssyncadd.s32 $0xFFFFC000  }
0x60f: {  	_ =	swait.ge [sflag:s12], $0x4000  }
0x610: {  	[sflag:s12] =	ssyncset.done $0x0  }
0x611: {  	s17 =	simm.s32 $0x2C80;
	s6 =	sld [smem:$0x7F8];
	[sflag:s12] =	ssyncadd.s32 $0xFFFFC000  }
0x612: {  	[spmem:s3] =	stream.indirect.scatter.add.f32 [tilespmem:s9], [sflag:$0x4], $0x80, s17, s7, $0xb8;
	[tilespmem:$0x1F800] =	vst v63  }
0x613: {  	_ = 	snop  }
0x614: {  	[tilespmem:s8], [sflag:$0x1] =	stream.indirect.gather [hbm4b:s2+s7], $0x80, s6, s7, $0xb8;
	[tilespmem:$0x1F800] =	vst v63  }
0x615: {  	_ =	swait.ge [sflag:s13], $0x4000  }
0x616: {  	[sflag:s13] =	ssyncset.done $0x0  }
0x617: {  	[sflag:s13] =	ssyncadd.s32 $0xFFFFC000  }
0x618: {  	_ =	swait.ge [sflag:s10], $0x4000  }
0x619: {  	[sflag:s10] =	ssyncset.done $0x0  }
0x61a: {  	s4 =	simm.s32 $0x2D00;
	s1 =	sld [smem:$0x7F9];
	[sflag:s10] =	ssyncadd.s32 $0xFFFFC000  }
0x61b: {  	[spmem:s3] =	stream.indirect.scatter.add.f32 [tilespmem:s8], [sflag:$0x3], $0x80, s4, s7, $0xb8;
	[tilespmem:$0x1F800] =	vst v63  }
0x61c: {  	_ = 	snop  }
0x61d: {  	[tilespmem:s9], [sflag:$0x2] =	stream.indirect.gather [hbm4b:s2+s7], $0x80, s1, s7, $0xb8;
	[tilespmem:$0x1F800] =	vst v63  }
0x61e: {  	_ =	swait.ge [sflag:s11], $0x4000  }
0x61f: {  	[sflag:s11] =	ssyncset.done $0x0  }
0x620: {  	[sflag:s11] =	ssyncadd.s32 $0xFFFFC000  }
0x621: {  	_ =	swait.ge [sflag:s12], $0x4000  }
0x622: {  	[sflag:s12] =	ssyncset.done $0x0  }
0x623: {  	s17 =	simm.s32 $0x2D80;
	s6 =	sld [smem:$0x7FA];
	[sflag:s12] =	ssyncadd.s32 $0xFFFFC000  }
0x624: {  	[spmem:s3] =	stream.indirect.scatter.add.f32 [tilespmem:s9], [sflag:$0x4], $0x80, s17, s7, $0xb8;
	[tilespmem:$0x1F800] =	vst v63  }
0x625: {  	_ = 	snop  }
0x626: {  	[tilespmem:s8], [sflag:$0x1] =	stream.indirect.gather [hbm4b:s2+s7], $0x80, s6, s7, $0xb8;
	[tilespmem:$0x1F800] =	vst v63  }
0x627: {  	_ =	swait.ge [sflag:s13], $0x4000  }
0x628: {  	[sflag:s13] =	ssyncset.done $0x0  }
0x629: {  	[sflag:s13] =	ssyncadd.s32 $0xFFFFC000  }
0x62a: {  	_ =	swait.ge [sflag:s10], $0x4000  }
0x62b: {  	[sflag:s10] =	ssyncset.done $0x0  }
0x62c: {  	s1 =	sld [smem:$0x7FB];
	[sflag:s10] =	ssyncadd.s32 $0xFFFFC000  }
0x62d: {  	[spmem:s3] =	stream.indirect.scatter.add.f32 [tilespmem:s8], [sflag:$0x3], $0x80, s18, s7, $0xb8;
	[tilespmem:$0x1F800] =	vst v63  }
0x62e: {  	_ = 	snop  }
0x62f: {  	[tilespmem:s9], [sflag:$0x2] =	stream.indirect.gather [hbm4b:s2+s7], $0x80, s1, s7, $0xb8;
	[tilespmem:$0x1F800] =	vst v63  }
0x630: {  	_ =	swait.ge [sflag:s11], $0x4000  }
0x631: {  	[sflag:s11] =	ssyncset.done $0x0  }
0x632: {  	[sflag:s11] =	ssyncadd.s32 $0xFFFFC000  }
0x633: {  	_ =	swait.ge [sflag:s12], $0x4000  }
0x634: {  	[sflag:s12] =	ssyncset.done $0x0  }
0x635: {  	s6 =	simm.s32 $0x2E80;
	s4 =	sld [smem:$0x7FC];
	[sflag:s12] =	ssyncadd.s32 $0xFFFFC000  }
0x636: {  	[spmem:s3] =	stream.indirect.scatter.add.f32 [tilespmem:s9], [sflag:$0x4], $0x80, s6, s7, $0xb8;
	[tilespmem:$0x1F800] =	vst v63  }
0x637: {  	_ = 	snop  }
0x638: {  	[tilespmem:s8], [sflag:$0x1] =	stream.indirect.gather [hbm4b:s2+s7], $0x80, s4, s7, $0xb8;
	[tilespmem:$0x1F800] =	vst v63  }
0x639: {  	_ =	swait.ge [sflag:s13], $0x4000  }
0x63a: {  	[sflag:s13] =	ssyncset.done $0x0  }
0x63b: {  	[sflag:s13] =	ssyncadd.s32 $0xFFFFC000  }
0x63c: {  	_ =	swait.ge [sflag:s10], $0x4000  }
0x63d: {  	[sflag:s10] =	ssyncset.done $0x0  }
0x63e: {  	s17 =	sld [smem:$0x7FD];
	[sflag:s10] =	ssyncadd.s32 $0xFFFFC000  }
0x63f: {  	[spmem:s3] =	stream.indirect.scatter.add.f32 [tilespmem:s8], [sflag:$0x3], $0x80, s19, s7, $0xb8;
	[tilespmem:$0x1F800] =	vst v63  }
0x640: {  	_ = 	snop  }
0x641: {  	[tilespmem:s9], [sflag:$0x2] =	stream.indirect.gather [hbm4b:s2+s7], $0x80, s17, s7, $0xb8;
	[tilespmem:$0x1F800] =	vst v63  }
0x642: {  	_ =	swait.ge [sflag:s11], $0x4000  }
0x643: {  	[sflag:s11] =	ssyncset.done $0x0  }
0x644: {  	[sflag:s11] =	ssyncadd.s32 $0xFFFFC000  }
0x645: {  	_ =	swait.ge [sflag:s12], $0x4000  }
0x646: {  	[sflag:s12] =	ssyncset.done $0x0  }
0x647: {  	s20 =	simm.s32 $0x2F80;
	[sflag:s12] =	ssyncadd.s32 $0xFFFFC000  }
0x648: {  	[spmem:s3] =	stream.indirect.scatter.add.f32 [tilespmem:s9], [sflag:$0x4], $0x80, s20, s7, $0xb8;
	[tilespmem:$0x1F800] =	vst v63  }
0x649: {  	_ =	swait.ge [sflag:s13], $0x4000  }
0x64a: {  	[sflag:s13] =	ssyncset.done $0x0  }
0x64b: {  	[sflag:s13] =	ssyncadd.s32 $0xFFFFC000  }
0x64c: {  	[bflag:$0x0] =	sbarrier.arrive $0xFFFF  }
0x64d: {  	s19 =	sld [smem:$0x7E7]  }
0x64e: {  	p1 =	sne.s32 s5, $0x1;
	s20 =	sld [smem:$0x7EA]  }
.Ltmp2:
0x64f: {  	_ = 	snop;
	(pc) =	sbr.rel @p1 .LBB2_4-.Ltmp2, $4  }
0x650: {  	s14 =	simm.s32 $0x7;
	s18 =	rddreg [dreg:$0xc]  }
0x651: {  	[hbm:s18], [sflag:s19] =	dma.local [spmem:s20], $0x2800  }
0x652: {  	_ =	swait.ge [sflag:s14], $0x2800  }
0x653: {  	s5 =	sadd.s32 $0xFFFFFFFF, s5;
	s16 =	rddreg [dreg:$0x5];
	[sflag:s14] =	ssyncset.done $0x0  }
0x654: {  	s1 =	sld [smem:$0x7EA]  }
0x655: {  	s5 =	sld [smem:$0x7E7];
	s0 =	simm.s32 $0x3000;
	s4 =	simm.s32 $0x2800  }
0x656: {  	s24 =	simm.s32 $0x5;
	s31 =	simm.s32 $0x6;
	s25 =	simm.s32 $0x0  }
.LBB2_6:
0x657: {  	[sflag:s14] =	ssyncadd.s32 @p0 $0xFFFFD800  }
0x658: {  	[spmem:s1], [sflag:s5] =	dma.local [hbm:s16], $0x2800  }
0x659: {  	_ =	swait.ge [sflag:s14], $0x2800  }
0x65a: {  	[sflag:s14] =	ssyncset.done $0x0  }
0x65b: {  	s15 =	rddreg [dreg:$0x6];
	[sflag:s14] =	ssyncadd.s32 $0xFFFFD800  }
0x65c: {  	[tilespmem:s25], [sflag:$0x7] =	stream.linear.gather [hbm4b:s15+s25], $0x2800, $0x38;
	[tilespmem:$0x1F800] =	vst v63  }
0x65d: {  	_ =	swait.ge [sflag:s14], $0x2800  }
0x65e: {  	[sflag:s14] =	ssyncset.done $0x0  }
0x65f: {  	s5 =	rddreg [dreg:$0x7];
	[sflag:s14] =	ssyncadd.s32 $0xFFFFD800  }
0x660: {  	[tilespmem:s4], [sflag:$0x7] =	stream.linear.gather [hbm4b:s5+s25], $0x800, $0x38;
	[tilespmem:$0x1F800] =	vst v63  }
0x661: {  	_ =	swait.ge [sflag:s14], $0x800  }
0x662: {  	[sflag:s14] =	ssyncset.done $0x0  }
0x663: {  	[sflag:s14] =	ssyncadd.s32 $0xFFFFF800  }
0x664: {  	[bflag:$0x0] =	sbarrier.arrive $0xFFFF  }
0x665: {  	[tilespmem:s8], [sflag:$0x1] =	stream.indirect.gather [hbm4b:s2+s7], $0x80, s25, s7, $0xb8;
	[tilespmem:$0x1F800] =	vst v63  }
0x666: {  	s6 =	rddreg [dreg:$0x8]  }
0x667: {  	[tilespmem:s0], [sflag:$0x6] =	stream.linear.gather [hbm4b:s6+s25], $0x800, $0x38;
	[tilespmem:$0x1F800] =	vst v63  }
0x668: {  	_ =	swait.ge [sflag:s10], $0x4000  }
0x669: {  	[sflag:s10] =	ssyncset.done $0x0  }
0x66a: {  	[sflag:s10] =	ssyncadd.s32 $0xFFFFC000  }
0x66b: {  	[spmem:s3] =	stream.indirect.scatter.add.f32 [tilespmem:s8], [sflag:$0x3], $0x80, s4, s7, $0xb8;
	[tilespmem:$0x1F800] =	vst v63  }
0x66c: {  	_ = 	snop  }
0x66d: {  	[tilespmem:s9], [sflag:$0x2] =	stream.indirect.gather [hbm4b:s2+s7], $0x80, s7, s7, $0xb8;
	[tilespmem:$0x1F800] =	vst v63  }
0x66e: {  	_ =	swait.ge [sflag:s11], $0x4000  }
0x66f: {  	[sflag:s11] =	ssyncset.done $0x0  }
0x670: {  	[sflag:s11] =	ssyncadd.s32 $0xFFFFC000  }
0x671: {  	_ =	swait.ge [sflag:s12], $0x4000  }
0x672: {  	[sflag:s12] =	ssyncset.done $0x0  }
0x673: {  	s17 =	simm.s32 $0x2880;
	[sflag:s12] =	ssyncadd.s32 $0xFFFFC000  }
0x674: {  	[spmem:s3] =	stream.indirect.scatter.add.f32 [tilespmem:s9], [sflag:$0x4], $0x80, s17, s7, $0xb8;
	[tilespmem:$0x1F800] =	vst v63  }
0x675: {  	s16 =	rddreg [dreg:$0xd]  }
0x676: {  	[tilespmem:s8], [sflag:$0x1] =	stream.indirect.gather [hbm4b:s2+s7], $0x80, s16, s7, $0xb8;
	[tilespmem:$0x1F800] =	vst v63  }
0x677: {  	_ =	swait.ge [sflag:s13], $0x4000  }
0x678: {  	[sflag:s13] =	ssyncset.done $0x0  }
0x679: {  	[sflag:s13] =	ssyncadd.s32 $0xFFFFC000  }
0x67a: {  	_ =	swait.ge [sflag:s10], $0x4000  }
0x67b: {  	[sflag:s10] =	ssyncset.done $0x0  }
0x67c: {  	s19 =	simm.s32 $0x2900;
	[sflag:s10] =	ssyncadd.s32 $0xFFFFC000  }
0x67d: {  	[spmem:s3] =	stream.indirect.scatter.add.f32 [tilespmem:s8], [sflag:$0x3], $0x80, s19, s7, $0xb8;
	[tilespmem:$0x1F800] =	vst v63  }
0x67e: {  	s18 =	rddreg [dreg:$0xe]  }
0x67f: {  	[tilespmem:s9], [sflag:$0x2] =	stream.indirect.gather [hbm4b:s2+s7], $0x80, s18, s7, $0xb8;
	[tilespmem:$0x1F800] =	vst v63  }
0x680: {  	_ =	swait.ge [sflag:s11], $0x4000  }
0x681: {  	[sflag:s11] =	ssyncset.done $0x0  }
0x682: {  	[sflag:s11] =	ssyncadd.s32 $0xFFFFC000  }
0x683: {  	_ =	swait.ge [sflag:s12], $0x4000  }
0x684: {  	[sflag:s12] =	ssyncset.done $0x0  }
0x685: {  	s21 =	simm.s32 $0x2980;
	[sflag:s12] =	ssyncadd.s32 $0xFFFFC000  }
0x686: {  	[spmem:s3] =	stream.indirect.scatter.add.f32 [tilespmem:s9], [sflag:$0x4], $0x80, s21, s7, $0xb8;
	[tilespmem:$0x1F800] =	vst v63  }
0x687: {  	s20 =	rddreg [dreg:$0xf]  }
0x688: {  	[tilespmem:s8], [sflag:$0x1] =	stream.indirect.gather [hbm4b:s2+s7], $0x80, s20, s7, $0xb8;
	[tilespmem:$0x1F800] =	vst v63  }
0x689: {  	_ =	swait.ge [sflag:s13], $0x4000  }
0x68a: {  	[sflag:s13] =	ssyncset.done $0x0  }
0x68b: {  	[sflag:s13] =	ssyncadd.s32 $0xFFFFC000  }
0x68c: {  	_ =	swait.ge [sflag:s10], $0x4000  }
0x68d: {  	[sflag:s10] =	ssyncset.done $0x0  }
0x68e: {  	s23 =	simm.s32 $0x2A00;
	[sflag:s10] =	ssyncadd.s32 $0xFFFFC000  }
0x68f: {  	[spmem:s3] =	stream.indirect.scatter.add.f32 [tilespmem:s8], [sflag:$0x3], $0x80, s23, s7, $0xb8;
	[tilespmem:$0x1F800] =	vst v63  }
0x690: {  	s22 =	rddreg [dreg:$0x10]  }
0x691: {  	[tilespmem:s9], [sflag:$0x2] =	stream.indirect.gather [hbm4b:s2+s7], $0x80, s22, s7, $0xb8;
	[tilespmem:$0x1F800] =	vst v63  }
0x692: {  	_ =	swait.ge [sflag:s11], $0x4000  }
0x693: {  	[sflag:s11] =	ssyncset.done $0x0  }
0x694: {  	[sflag:s11] =	ssyncadd.s32 $0xFFFFC000  }
0x695: {  	_ =	swait.ge [sflag:s12], $0x4000  }
0x696: {  	[sflag:s12] =	ssyncset.done $0x0  }
0x697: {  	s28 =	simm.s32 $0x2A80;
	[sflag:s12] =	ssyncadd.s32 $0xFFFFC000  }
0x698: {  	[spmem:s3] =	stream.indirect.scatter.add.f32 [tilespmem:s9], [sflag:$0x4], $0x80, s28, s7, $0xb8;
	[tilespmem:$0x1F800] =	vst v63  }
0x699: {  	s26 =	rddreg [dreg:$0x11]  }
0x69a: {  	[tilespmem:s8], [sflag:$0x1] =	stream.indirect.gather [hbm4b:s2+s7], $0x80, s26, s7, $0xb8;
	[tilespmem:$0x1F800] =	vst v63  }
0x69b: {  	_ =	swait.ge [sflag:s13], $0x4000  }
0x69c: {  	[sflag:s13] =	ssyncset.done $0x0  }
0x69d: {  	[sflag:s13] =	ssyncadd.s32 $0xFFFFC000  }
0x69e: {  	_ =	swait.ge [sflag:s10], $0x4000  }
0x69f: {  	[sflag:s10] =	ssyncset.done $0x0  }
0x6a0: {  	s30 =	simm.s32 $0x2B00;
	[sflag:s10] =	ssyncadd.s32 $0xFFFFC000  }
0x6a1: {  	[spmem:s3] =	stream.indirect.scatter.add.f32 [tilespmem:s8], [sflag:$0x3], $0x80, s30, s7, $0xb8;
	[tilespmem:$0x1F800] =	vst v63  }
0x6a2: {  	s29 =	rddreg [dreg:$0x12]  }
0x6a3: {  	[tilespmem:s9], [sflag:$0x2] =	stream.indirect.gather [hbm4b:s2+s7], $0x80, s29, s7, $0xb8;
	[tilespmem:$0x1F800] =	vst v63  }
0x6a4: {  	_ =	swait.ge [sflag:s11], $0x4000  }
0x6a5: {  	[sflag:s11] =	ssyncset.done $0x0  }
0x6a6: {  	[sflag:s11] =	ssyncadd.s32 $0xFFFFC000  }
0x6a7: {  	_ =	swait.ge [sflag:s12], $0x4000  }
0x6a8: {  	[sflag:s12] =	ssyncset.done $0x0  }
0x6a9: {  	s6 =	simm.s32 $0x2B80;
	[sflag:s12] =	ssyncadd.s32 $0xFFFFC000  }
0x6aa: {  	[spmem:s3] =	stream.indirect.scatter.add.f32 [tilespmem:s9], [sflag:$0x4], $0x80, s6, s7, $0xb8;
	[tilespmem:$0x1F800] =	vst v63  }
0x6ab: {  	s5 =	rddreg [dreg:$0x13]  }
0x6ac: {  	[tilespmem:s8], [sflag:$0x1] =	stream.indirect.gather [hbm4b:s2+s7], $0x80, s5, s7, $0xb8;
	[tilespmem:$0x1F800] =	vst v63  }
0x6ad: {  	_ =	swait.ge [sflag:s13], $0x4000  }
0x6ae: {  	[sflag:s13] =	ssyncset.done $0x0  }
0x6af: {  	[sflag:s13] =	ssyncadd.s32 $0xFFFFC000  }
0x6b0: {  	_ =	swait.ge [sflag:s10], $0x4000  }
0x6b1: {  	[sflag:s10] =	ssyncset.done $0x0  }
0x6b2: {  	s17 =	simm.s32 $0x2C00;
	[sflag:s10] =	ssyncadd.s32 $0xFFFFC000  }
0x6b3: {  	[spmem:s3] =	stream.indirect.scatter.add.f32 [tilespmem:s8], [sflag:$0x3], $0x80, s17, s7, $0xb8;
	[tilespmem:$0x1F800] =	vst v63  }
0x6b4: {  	s16 =	rddreg [dreg:$0x14]  }
0x6b5: {  	[tilespmem:s9], [sflag:$0x2] =	stream.indirect.gather [hbm4b:s2+s7], $0x80, s16, s7, $0xb8;
	[tilespmem:$0x1F800] =	vst v63  }
0x6b6: {  	_ =	swait.ge [sflag:s11], $0x4000  }
0x6b7: {  	[sflag:s11] =	ssyncset.done $0x0  }
0x6b8: {  	[sflag:s11] =	ssyncadd.s32 $0xFFFFC000  }
0x6b9: {  	_ =	swait.ge [sflag:s12], $0x4000  }
0x6ba: {  	[sflag:s12] =	ssyncset.done $0x0  }
0x6bb: {  	s19 =	simm.s32 $0x2C80;
	[sflag:s12] =	ssyncadd.s32 $0xFFFFC000  }
0x6bc: {  	[spmem:s3] =	stream.indirect.scatter.add.f32 [tilespmem:s9], [sflag:$0x4], $0x80, s19, s7, $0xb8;
	[tilespmem:$0x1F800] =	vst v63  }
0x6bd: {  	s18 =	rddreg [dreg:$0x15]  }
0x6be: {  	[tilespmem:s8], [sflag:$0x1] =	stream.indirect.gather [hbm4b:s2+s7], $0x80, s18, s7, $0xb8;
	[tilespmem:$0x1F800] =	vst v63  }
0x6bf: {  	_ =	swait.ge [sflag:s13], $0x4000  }
0x6c0: {  	[sflag:s13] =	ssyncset.done $0x0  }
0x6c1: {  	[sflag:s13] =	ssyncadd.s32 $0xFFFFC000  }
0x6c2: {  	_ =	swait.ge [sflag:s10], $0x4000  }
0x6c3: {  	[sflag:s10] =	ssyncset.done $0x0  }
0x6c4: {  	s21 =	simm.s32 $0x2D00;
	[sflag:s10] =	ssyncadd.s32 $0xFFFFC000  }
0x6c5: {  	[spmem:s3] =	stream.indirect.scatter.add.f32 [tilespmem:s8], [sflag:$0x3], $0x80, s21, s7, $0xb8;
	[tilespmem:$0x1F800] =	vst v63  }
0x6c6: {  	s20 =	rddreg [dreg:$0x16]  }
0x6c7: {  	[tilespmem:s9], [sflag:$0x2] =	stream.indirect.gather [hbm4b:s2+s7], $0x80, s20, s7, $0xb8;
	[tilespmem:$0x1F800] =	vst v63  }
0x6c8: {  	_ =	swait.ge [sflag:s11], $0x4000  }
0x6c9: {  	[sflag:s11] =	ssyncset.done $0x0  }
0x6ca: {  	[sflag:s11] =	ssyncadd.s32 $0xFFFFC000  }
0x6cb: {  	_ =	swait.ge [sflag:s12], $0x4000  }
0x6cc: {  	[sflag:s12] =	ssyncset.done $0x0  }
0x6cd: {  	[sflag:s12] =	ssyncadd.s32 $0xFFFFC000  }
0x6ce: {  	s23 =	simm.s32 $0x2D80;
	s22 =	rddreg [dreg:$0x17]  }
0x6cf: {  	[spmem:s3] =	stream.indirect.scatter.add.f32 [tilespmem:s9], [sflag:$0x4], $0x80, s23, s7, $0xb8;
	[tilespmem:$0x1F800] =	vst v63  }
0x6d0: {  	_ = 	snop  }
0x6d1: {  	[tilespmem:s8], [sflag:$0x1] =	stream.indirect.gather [hbm4b:s2+s7], $0x80, s22, s7, $0xb8;
	[tilespmem:$0x1F800] =	vst v63  }
0x6d2: {  	_ =	swait.ge [sflag:s13], $0x4000  }
0x6d3: {  	[sflag:s13] =	ssyncset.done $0x0  }
0x6d4: {  	[sflag:s13] =	ssyncadd.s32 $0xFFFFC000  }
0x6d5: {  	_ =	swait.ge [sflag:s10], $0x4000  }
0x6d6: {  	[sflag:s10] =	ssyncset.done $0x0  }
0x6d7: {  	s28 =	simm.s32 $0x2E00;
	[sflag:s10] =	ssyncadd.s32 $0xFFFFC000  }
0x6d8: {  	[spmem:s3] =	stream.indirect.scatter.add.f32 [tilespmem:s8], [sflag:$0x3], $0x80, s28, s7, $0xb8;
	[tilespmem:$0x1F800] =	vst v63  }
0x6d9: {  	s26 =	rddreg [dreg:$0x18]  }
0x6da: {  	[tilespmem:s9], [sflag:$0x2] =	stream.indirect.gather [hbm4b:s2+s7], $0x80, s26, s7, $0xb8;
	[tilespmem:$0x1F800] =	vst v63  }
0x6db: {  	_ =	swait.ge [sflag:s11], $0x4000  }
0x6dc: {  	[sflag:s11] =	ssyncset.done $0x0  }
0x6dd: {  	[sflag:s11] =	ssyncadd.s32 $0xFFFFC000  }
0x6de: {  	_ =	swait.ge [sflag:s12], $0x4000  }
0x6df: {  	[sflag:s12] =	ssyncset.done $0x0  }
0x6e0: {  	s30 =	simm.s32 $0x2E80;
	[sflag:s12] =	ssyncadd.s32 $0xFFFFC000  }
0x6e1: {  	[spmem:s3] =	stream.indirect.scatter.add.f32 [tilespmem:s9], [sflag:$0x4], $0x80, s30, s7, $0xb8;
	[tilespmem:$0x1F800] =	vst v63  }
0x6e2: {  	s29 =	rddreg [dreg:$0x19]  }
0x6e3: {  	[tilespmem:s8], [sflag:$0x1] =	stream.indirect.gather [hbm4b:s2+s7], $0x80, s29, s7, $0xb8;
	[tilespmem:$0x1F800] =	vst v63  }
0x6e4: {  	_ =	swait.ge [sflag:s13], $0x4000  }
0x6e5: {  	[sflag:s13] =	ssyncset.done $0x0  }
0x6e6: {  	[sflag:s13] =	ssyncadd.s32 $0xFFFFC000  }
0x6e7: {  	_ =	swait.ge [sflag:s10], $0x4000  }
0x6e8: {  	[sflag:s10] =	ssyncset.done $0x0  }
0x6e9: {  	s6 =	simm.s32 $0x2F00;
	[sflag:s10] =	ssyncadd.s32 $0xFFFFC000  }
0x6ea: {  	[spmem:s3] =	stream.indirect.scatter.add.f32 [tilespmem:s8], [sflag:$0x3], $0x80, s6, s7, $0xb8;
	[tilespmem:$0x1F800] =	vst v63  }
0x6eb: {  	s5 =	rddreg [dreg:$0x1a]  }
0x6ec: {  	[tilespmem:s9], [sflag:$0x2] =	stream.indirect.gather [hbm4b:s2+s7], $0x80, s5, s7, $0xb8;
	[tilespmem:$0x1F800] =	vst v63  }
0x6ed: {  	_ =	swait.ge [sflag:s11], $0x4000  }
0x6ee: {  	[sflag:s11] =	ssyncset.done $0x0  }
0x6ef: {  	[sflag:s11] =	ssyncadd.s32 $0xFFFFC000  }
0x6f0: {  	_ =	swait.ge [sflag:s12], $0x4000  }
0x6f1: {  	[sflag:s12] =	ssyncset.done $0x0  }
0x6f2: {  	s17 =	simm.s32 $0x2F80;
	[sflag:s12] =	ssyncadd.s32 $0xFFFFC000  }
0x6f3: {  	[spmem:s3] =	stream.indirect.scatter.add.f32 [tilespmem:s9], [sflag:$0x4], $0x80, s17, s7, $0xb8;
	[tilespmem:$0x1F800] =	vst v63  }
0x6f4: {  	s16 =	rddreg [dreg:$0x1b]  }
0x6f5: {  	[tilespmem:s8], [sflag:$0x1] =	stream.indirect.gather [hbm4b:s2+s7], $0x80, s16, s7, $0xb8;
	[tilespmem:$0x1F800] =	vst v63  }
0x6f6: {  	_ =	swait.ge [sflag:s13], $0x4000  }
0x6f7: {  	[sflag:s13] =	ssyncset.done $0x0  }
0x6f8: {  	s18 =	rddreg [dreg:$0x9];
	[sflag:s13] =	ssyncadd.s32 $0xFFFFC000  }
0x6f9: {  	[tilespmem:s4], [sflag:$0x5] =	stream.linear.gather [hbm4b:s18+s25], $0x800, $0x38;
	[tilespmem:$0x1F800] =	vst v63  }
0x6fa: {  	_ =	swait.ge [sflag:s31], $0x800  }
0x6fb: {  	[sflag:s31] =	ssyncset.done $0x0  }
0x6fc: {  	[sflag:s31] =	ssyncadd.s32 $0xFFFFF800  }
0x6fd: {  	_ =	swait.ge [sflag:s10], $0x4000  }
0x6fe: {  	[sflag:s10] =	ssyncset.done $0x0  }
0x6ff: {  	[sflag:s10] =	ssyncadd.s32 $0xFFFFC000  }
0x700: {  	[spmem:s3] =	stream.indirect.scatter.add.f32 [tilespmem:s8], [sflag:$0x3], $0x80, s0, s7, $0xb8;
	[tilespmem:$0x1F800] =	vst v63  }
0x701: {  	s19 =	rddreg [dreg:$0x1c]  }
0x702: {  	[tilespmem:s9], [sflag:$0x2] =	stream.indirect.gather [hbm4b:s2+s7], $0x80, s19, s7, $0xb8;
	[tilespmem:$0x1F800] =	vst v63  }
0x703: {  	_ =	swait.ge [sflag:s11], $0x4000  }
0x704: {  	[sflag:s11] =	ssyncset.done $0x0  }
0x705: {  	[sflag:s11] =	ssyncadd.s32 $0xFFFFC000  }
0x706: {  	_ =	swait.ge [sflag:s12], $0x4000  }
0x707: {  	[sflag:s12] =	ssyncset.done $0x0  }
0x708: {  	s30 =	simm.s32 $0x3080;
	[sflag:s12] =	ssyncadd.s32 $0xFFFFC000  }
0x709: {  	[spmem:s3] =	stream.indirect.scatter.add.f32 [tilespmem:s9], [sflag:$0x4], $0x80, s30, s7, $0xb8;
	[tilespmem:$0x1F800] =	vst v63  }
0x70a: {  	s20 =	rddreg [dreg:$0x1d]  }
0x70b: {  	[tilespmem:s8], [sflag:$0x1] =	stream.indirect.gather [hbm4b:s2+s7], $0x80, s20, s7, $0xb8;
	[tilespmem:$0x1F800] =	vst v63  }
0x70c: {  	_ =	swait.ge [sflag:s13], $0x4000  }
0x70d: {  	[sflag:s13] =	ssyncset.done $0x0  }
0x70e: {  	[sflag:s13] =	ssyncadd.s32 $0xFFFFC000  }
0x70f: {  	_ =	swait.ge [sflag:s10], $0x4000  }
0x710: {  	[sflag:s10] =	ssyncset.done $0x0  }
0x711: {  	s29 =	simm.s32 $0x3100;
	[sflag:s10] =	ssyncadd.s32 $0xFFFFC000  }
0x712: {  	[spmem:s3] =	stream.indirect.scatter.add.f32 [tilespmem:s8], [sflag:$0x3], $0x80, s29, s7, $0xb8;
	[tilespmem:$0x1F800] =	vst v63  }
0x713: {  	s21 =	rddreg [dreg:$0x1e]  }
0x714: {  	[tilespmem:s9], [sflag:$0x2] =	stream.indirect.gather [hbm4b:s2+s7], $0x80, s21, s7, $0xb8;
	[tilespmem:$0x1F800] =	vst v63  }
0x715: {  	_ =	swait.ge [sflag:s11], $0x4000  }
0x716: {  	[sflag:s11] =	ssyncset.done $0x0  }
0x717: {  	[sflag:s11] =	ssyncadd.s32 $0xFFFFC000  }
0x718: {  	_ =	swait.ge [sflag:s12], $0x4000  }
0x719: {  	[sflag:s12] =	ssyncset.done $0x0  }
0x71a: {  	s28 =	simm.s32 $0x3180;
	[sflag:s12] =	ssyncadd.s32 $0xFFFFC000  }
0x71b: {  	[spmem:s3] =	stream.indirect.scatter.add.f32 [tilespmem:s9], [sflag:$0x4], $0x80, s28, s7, $0xb8;
	[tilespmem:$0x1F800] =	vst v63  }
0x71c: {  	s22 =	rddreg [dreg:$0x1f]  }
0x71d: {  	[tilespmem:s8], [sflag:$0x1] =	stream.indirect.gather [hbm4b:s2+s7], $0x80, s22, s7, $0xb8;
	[tilespmem:$0x1F800] =	vst v63  }
0x71e: {  	_ =	swait.ge [sflag:s13], $0x4000  }
0x71f: {  	[sflag:s13] =	ssyncset.done $0x0  }
0x720: {  	[sflag:s13] =	ssyncadd.s32 $0xFFFFC000  }
0x721: {  	_ =	swait.ge [sflag:s10], $0x4000  }
0x722: {  	[sflag:s10] =	ssyncset.done $0x0  }
0x723: {  	s26 =	simm.s32 $0x3200;
	s23 =	sld [smem:$0x7C1];
	[sflag:s10] =	ssyncadd.s32 $0xFFFFC000  }
0x724: {  	[spmem:s3] =	stream.indirect.scatter.add.f32 [tilespmem:s8], [sflag:$0x3], $0x80, s26, s7, $0xb8;
	[tilespmem:$0x1F800] =	vst v63  }
0x725: {  	_ = 	snop  }
0x726: {  	[tilespmem:s9], [sflag:$0x2] =	stream.indirect.gather [hbm4b:s2+s7], $0x80, s23, s7, $0xb8;
	[tilespmem:$0x1F800] =	vst v63  }
0x727: {  	_ =	swait.ge [sflag:s11], $0x4000  }
0x728: {  	[sflag:s11] =	ssyncset.done $0x0  }
0x729: {  	[sflag:s11] =	ssyncadd.s32 $0xFFFFC000  }
0x72a: {  	_ =	swait.ge [sflag:s12], $0x4000  }
0x72b: {  	[sflag:s12] =	ssyncset.done $0x0  }
0x72c: {  	s23 =	simm.s32 $0x3280;
	s1 =	sld [smem:$0x7C2];
	[sflag:s12] =	ssyncadd.s32 $0xFFFFC000  }
0x72d: {  	[spmem:s3] =	stream.indirect.scatter.add.f32 [tilespmem:s9], [sflag:$0x4], $0x80, s23, s7, $0xb8;
	[tilespmem:$0x1F800] =	vst v63  }
0x72e: {  	_ = 	snop  }
0x72f: {  	[tilespmem:s8], [sflag:$0x1] =	stream.indirect.gather [hbm4b:s2+s7], $0x80, s1, s7, $0xb8;
	[tilespmem:$0x1F800] =	vst v63  }
0x730: {  	_ =	swait.ge [sflag:s13], $0x4000  }
0x731: {  	[sflag:s13] =	ssyncset.done $0x0  }
0x732: {  	[sflag:s13] =	ssyncadd.s32 $0xFFFFC000  }
0x733: {  	_ =	swait.ge [sflag:s10], $0x4000  }
0x734: {  	[sflag:s10] =	ssyncset.done $0x0  }
0x735: {  	s22 =	simm.s32 $0x3300;
	s4 =	sld [smem:$0x7C3];
	[sflag:s10] =	ssyncadd.s32 $0xFFFFC000  }
0x736: {  	[spmem:s3] =	stream.indirect.scatter.add.f32 [tilespmem:s8], [sflag:$0x3], $0x80, s22, s7, $0xb8;
	[tilespmem:$0x1F800] =	vst v63  }
0x737: {  	_ = 	snop  }
0x738: {  	[tilespmem:s9], [sflag:$0x2] =	stream.indirect.gather [hbm4b:s2+s7], $0x80, s4, s7, $0xb8;
	[tilespmem:$0x1F800] =	vst v63  }
0x739: {  	_ =	swait.ge [sflag:s11], $0x4000  }
0x73a: {  	[sflag:s11] =	ssyncset.done $0x0  }
0x73b: {  	[sflag:s11] =	ssyncadd.s32 $0xFFFFC000  }
0x73c: {  	_ =	swait.ge [sflag:s12], $0x4000  }
0x73d: {  	[sflag:s12] =	ssyncset.done $0x0  }
0x73e: {  	s21 =	simm.s32 $0x3380;
	s5 =	sld [smem:$0x7C4];
	[sflag:s12] =	ssyncadd.s32 $0xFFFFC000  }
0x73f: {  	[spmem:s3] =	stream.indirect.scatter.add.f32 [tilespmem:s9], [sflag:$0x4], $0x80, s21, s7, $0xb8;
	[tilespmem:$0x1F800] =	vst v63  }
0x740: {  	_ = 	snop  }
0x741: {  	[tilespmem:s8], [sflag:$0x1] =	stream.indirect.gather [hbm4b:s2+s7], $0x80, s5, s7, $0xb8;
	[tilespmem:$0x1F800] =	vst v63  }
0x742: {  	_ =	swait.ge [sflag:s13], $0x4000  }
0x743: {  	[sflag:s13] =	ssyncset.done $0x0  }
0x744: {  	[sflag:s13] =	ssyncadd.s32 $0xFFFFC000  }
0x745: {  	_ =	swait.ge [sflag:s10], $0x4000  }
0x746: {  	[sflag:s10] =	ssyncset.done $0x0  }
0x747: {  	s20 =	simm.s32 $0x3400;
	s6 =	sld [smem:$0x7C5];
	[sflag:s10] =	ssyncadd.s32 $0xFFFFC000  }
0x748: {  	[spmem:s3] =	stream.indirect.scatter.add.f32 [tilespmem:s8], [sflag:$0x3], $0x80, s20, s7, $0xb8;
	[tilespmem:$0x1F800] =	vst v63  }
0x749: {  	_ = 	snop  }
0x74a: {  	[tilespmem:s9], [sflag:$0x2] =	stream.indirect.gather [hbm4b:s2+s7], $0x80, s6, s7, $0xb8;
	[tilespmem:$0x1F800] =	vst v63  }
0x74b: {  	_ =	swait.ge [sflag:s11], $0x4000  }
0x74c: {  	[sflag:s11] =	ssyncset.done $0x0  }
0x74d: {  	[sflag:s11] =	ssyncadd.s32 $0xFFFFC000  }
0x74e: {  	_ =	swait.ge [sflag:s12], $0x4000  }
0x74f: {  	[sflag:s12] =	ssyncset.done $0x0  }
0x750: {  	s19 =	simm.s32 $0x3480;
	s16 =	sld [smem:$0x7C6];
	[sflag:s12] =	ssyncadd.s32 $0xFFFFC000  }
0x751: {  	[spmem:s3] =	stream.indirect.scatter.add.f32 [tilespmem:s9], [sflag:$0x4], $0x80, s19, s7, $0xb8;
	[tilespmem:$0x1F800] =	vst v63  }
0x752: {  	_ = 	snop  }
0x753: {  	[tilespmem:s8], [sflag:$0x1] =	stream.indirect.gather [hbm4b:s2+s7], $0x80, s16, s7, $0xb8;
	[tilespmem:$0x1F800] =	vst v63  }
0x754: {  	_ =	swait.ge [sflag:s13], $0x4000  }
0x755: {  	[sflag:s13] =	ssyncset.done $0x0  }
0x756: {  	[sflag:s13] =	ssyncadd.s32 $0xFFFFC000  }
0x757: {  	_ =	swait.ge [sflag:s10], $0x4000  }
0x758: {  	[sflag:s10] =	ssyncset.done $0x0  }
0x759: {  	s18 =	simm.s32 $0x3500;
	s17 =	sld [smem:$0x7C7];
	[sflag:s10] =	ssyncadd.s32 $0xFFFFC000  }
0x75a: {  	[spmem:s3] =	stream.indirect.scatter.add.f32 [tilespmem:s8], [sflag:$0x3], $0x80, s18, s7, $0xb8;
	[tilespmem:$0x1F800] =	vst v63  }
0x75b: {  	_ = 	snop  }
0x75c: {  	[tilespmem:s9], [sflag:$0x2] =	stream.indirect.gather [hbm4b:s2+s7], $0x80, s17, s7, $0xb8;
	[tilespmem:$0x1F800] =	vst v63  }
0x75d: {  	_ =	swait.ge [sflag:s11], $0x4000  }
0x75e: {  	[sflag:s11] =	ssyncset.done $0x0  }
0x75f: {  	[sflag:s11] =	ssyncadd.s32 $0xFFFFC000  }
0x760: {  	_ =	swait.ge [sflag:s12], $0x4000  }
0x761: {  	[sflag:s12] =	ssyncset.done $0x0  }
0x762: {  	s17 =	simm.s32 $0x3580;
	s1 =	sld [smem:$0x7C8];
	[sflag:s12] =	ssyncadd.s32 $0xFFFFC000  }
0x763: {  	[spmem:s3] =	stream.indirect.scatter.add.f32 [tilespmem:s9], [sflag:$0x4], $0x80, s17, s7, $0xb8;
	[tilespmem:$0x1F800] =	vst v63  }
0x764: {  	_ = 	snop  }
0x765: {  	[tilespmem:s8], [sflag:$0x1] =	stream.indirect.gather [hbm4b:s2+s7], $0x80, s1, s7, $0xb8;
	[tilespmem:$0x1F800] =	vst v63  }
0x766: {  	_ =	swait.ge [sflag:s13], $0x4000  }
0x767: {  	[sflag:s13] =	ssyncset.done $0x0  }
0x768: {  	[sflag:s13] =	ssyncadd.s32 $0xFFFFC000  }
0x769: {  	_ =	swait.ge [sflag:s10], $0x4000  }
0x76a: {  	[sflag:s10] =	ssyncset.done $0x0  }
0x76b: {  	s6 =	simm.s32 $0x3600;
	s4 =	sld [smem:$0x7C9];
	[sflag:s10] =	ssyncadd.s32 $0xFFFFC000  }
0x76c: {  	[spmem:s3] =	stream.indirect.scatter.add.f32 [tilespmem:s8], [sflag:$0x3], $0x80, s6, s7, $0xb8;
	[tilespmem:$0x1F800] =	vst v63  }
0x76d: {  	_ = 	snop  }
0x76e: {  	[tilespmem:s9], [sflag:$0x2] =	stream.indirect.gather [hbm4b:s2+s7], $0x80, s4, s7, $0xb8;
	[tilespmem:$0x1F800] =	vst v63  }
0x76f: {  	_ =	swait.ge [sflag:s11], $0x4000  }
0x770: {  	[sflag:s11] =	ssyncset.done $0x0  }
0x771: {  	[sflag:s11] =	ssyncadd.s32 $0xFFFFC000  }
0x772: {  	_ =	swait.ge [sflag:s12], $0x4000  }
0x773: {  	[sflag:s12] =	ssyncset.done $0x0  }
0x774: {  	s16 =	simm.s32 $0x3680;
	s5 =	sld [smem:$0x7CA];
	[sflag:s12] =	ssyncadd.s32 $0xFFFFC000  }
0x775: {  	[spmem:s3] =	stream.indirect.scatter.add.f32 [tilespmem:s9], [sflag:$0x4], $0x80, s16, s7, $0xb8;
	[tilespmem:$0x1F800] =	vst v63  }
0x776: {  	_ = 	snop  }
0x777: {  	[tilespmem:s8], [sflag:$0x1] =	stream.indirect.gather [hbm4b:s2+s7], $0x80, s5, s7, $0xb8;
	[tilespmem:$0x1F800] =	vst v63  }
0x778: {  	_ =	swait.ge [sflag:s13], $0x4000  }
0x779: {  	[sflag:s13] =	ssyncset.done $0x0  }
0x77a: {  	[sflag:s13] =	ssyncadd.s32 $0xFFFFC000  }
0x77b: {  	_ =	swait.ge [sflag:s10], $0x4000  }
0x77c: {  	[sflag:s10] =	ssyncset.done $0x0  }
0x77d: {  	s5 =	simm.s32 $0x3700;
	s1 =	sld [smem:$0x7CB];
	[sflag:s10] =	ssyncadd.s32 $0xFFFFC000  }
0x77e: {  	[spmem:s3] =	stream.indirect.scatter.add.f32 [tilespmem:s8], [sflag:$0x3], $0x80, s5, s7, $0xb8;
	[tilespmem:$0x1F800] =	vst v63  }
0x77f: {  	_ = 	snop  }
0x780: {  	[tilespmem:s9], [sflag:$0x2] =	stream.indirect.gather [hbm4b:s2+s7], $0x80, s1, s7, $0xb8;
	[tilespmem:$0x1F800] =	vst v63  }
0x781: {  	_ =	swait.ge [sflag:s11], $0x4000  }
0x782: {  	[sflag:s11] =	ssyncset.done $0x0  }
0x783: {  	[sflag:s11] =	ssyncadd.s32 $0xFFFFC000  }
0x784: {  	_ =	swait.ge [sflag:s12], $0x4000  }
0x785: {  	[sflag:s12] =	ssyncset.done $0x0  }
0x786: {  	s4 =	simm.s32 $0x3780;
	s15 =	sld [smem:$0x7CC];
	[sflag:s12] =	ssyncadd.s32 $0xFFFFC000  }
0x787: {  	[spmem:s3] =	stream.indirect.scatter.add.f32 [tilespmem:s9], [sflag:$0x4], $0x80, s4, s7, $0xb8;
	[tilespmem:$0x1F800] =	vst v63  }
0x788: {  	_ = 	snop  }
0x789: {  	[tilespmem:s8], [sflag:$0x1] =	stream.indirect.gather [hbm4b:s2+s7], $0x80, s15, s7, $0xb8;
	[tilespmem:$0x1F800] =	vst v63  }
0x78a: {  	_ =	swait.ge [sflag:s13], $0x4000  }
0x78b: {  	[sflag:s13] =	ssyncset.done $0x0  }
0x78c: {  	s4 =	rddreg [dreg:$0xa];
	[sflag:s13] =	ssyncadd.s32 $0xFFFFC000  }
0x78d: {  	[tilespmem:s0], [sflag:$0x6] =	stream.linear.gather [hbm4b:s4+s25], $0x800, $0x38;
	[tilespmem:$0x1F800] =	vst v63  }
0x78e: {  	_ =	swait.ge [sflag:s24], $0x800  }
0x78f: {  	[sflag:s24] =	ssyncset.done $0x0  }
0x790: {  	[sflag:s24] =	ssyncadd.s32 $0xFFFFF800  }
0x791: {  	_ =	swait.ge [sflag:s10], $0x4000  }
0x792: {  	[sflag:s10] =	ssyncset.done $0x0  }
0x793: {  	s1 =	simm.s32 $0x2800;
	s4 =	sld [smem:$0x7CD];
	[sflag:s10] =	ssyncadd.s32 $0xFFFFC000  }
0x794: {  	[spmem:s3] =	stream.indirect.scatter.add.f32 [tilespmem:s8], [sflag:$0x3], $0x80, s1, s7, $0xb8;
	[tilespmem:$0x1F800] =	vst v63  }
0x795: {  	_ = 	snop  }
0x796: {  	[tilespmem:s9], [sflag:$0x2] =	stream.indirect.gather [hbm4b:s2+s7], $0x80, s4, s7, $0xb8;
	[tilespmem:$0x1F800] =	vst v63  }
0x797: {  	_ =	swait.ge [sflag:s11], $0x4000  }
0x798: {  	[sflag:s11] =	ssyncset.done $0x0  }
0x799: {  	[sflag:s11] =	ssyncadd.s32 $0xFFFFC000  }
0x79a: {  	_ =	swait.ge [sflag:s12], $0x4000  }
0x79b: {  	[sflag:s12] =	ssyncset.done $0x0  }
0x79c: {  	s4 =	simm.s32 $0x2880;
	s15 =	sld [smem:$0x7CE];
	[sflag:s12] =	ssyncadd.s32 $0xFFFFC000  }
0x79d: {  	[spmem:s3] =	stream.indirect.scatter.add.f32 [tilespmem:s9], [sflag:$0x4], $0x80, s4, s7, $0xb8;
	[tilespmem:$0x1F800] =	vst v63  }
0x79e: {  	_ = 	snop  }
0x79f: {  	[tilespmem:s8], [sflag:$0x1] =	stream.indirect.gather [hbm4b:s2+s7], $0x80, s15, s7, $0xb8;
	[tilespmem:$0x1F800] =	vst v63  }
0x7a0: {  	_ =	swait.ge [sflag:s13], $0x4000  }
0x7a1: {  	[sflag:s13] =	ssyncset.done $0x0  }
0x7a2: {  	[sflag:s13] =	ssyncadd.s32 $0xFFFFC000  }
0x7a3: {  	_ =	swait.ge [sflag:s10], $0x4000  }
0x7a4: {  	[sflag:s10] =	ssyncset.done $0x0  }
0x7a5: {  	s4 =	simm.s32 $0x2900;
	s15 =	sld [smem:$0x7CF];
	[sflag:s10] =	ssyncadd.s32 $0xFFFFC000  }
0x7a6: {  	[spmem:s3] =	stream.indirect.scatter.add.f32 [tilespmem:s8], [sflag:$0x3], $0x80, s4, s7, $0xb8;
	[tilespmem:$0x1F800] =	vst v63  }
0x7a7: {  	_ = 	snop  }
0x7a8: {  	[tilespmem:s9], [sflag:$0x2] =	stream.indirect.gather [hbm4b:s2+s7], $0x80, s15, s7, $0xb8;
	[tilespmem:$0x1F800] =	vst v63  }
0x7a9: {  	_ =	swait.ge [sflag:s11], $0x4000  }
0x7aa: {  	[sflag:s11] =	ssyncset.done $0x0  }
0x7ab: {  	[sflag:s11] =	ssyncadd.s32 $0xFFFFC000  }
0x7ac: {  	_ =	swait.ge [sflag:s12], $0x4000  }
0x7ad: {  	[sflag:s12] =	ssyncset.done $0x0  }
0x7ae: {  	s4 =	simm.s32 $0x2980;
	s15 =	sld [smem:$0x7D0];
	[sflag:s12] =	ssyncadd.s32 $0xFFFFC000  }
0x7af: {  	[spmem:s3] =	stream.indirect.scatter.add.f32 [tilespmem:s9], [sflag:$0x4], $0x80, s4, s7, $0xb8;
	[tilespmem:$0x1F800] =	vst v63  }
0x7b0: {  	_ = 	snop  }
0x7b1: {  	[tilespmem:s8], [sflag:$0x1] =	stream.indirect.gather [hbm4b:s2+s7], $0x80, s15, s7, $0xb8;
	[tilespmem:$0x1F800] =	vst v63  }
0x7b2: {  	_ =	swait.ge [sflag:s13], $0x4000  }
0x7b3: {  	[sflag:s13] =	ssyncset.done $0x0  }
0x7b4: {  	[sflag:s13] =	ssyncadd.s32 $0xFFFFC000  }
0x7b5: {  	_ =	swait.ge [sflag:s10], $0x4000  }
0x7b6: {  	[sflag:s10] =	ssyncset.done $0x0  }
0x7b7: {  	s4 =	simm.s32 $0x2A00;
	s15 =	sld [smem:$0x7D1];
	[sflag:s10] =	ssyncadd.s32 $0xFFFFC000  }
0x7b8: {  	[spmem:s3] =	stream.indirect.scatter.add.f32 [tilespmem:s8], [sflag:$0x3], $0x80, s4, s7, $0xb8;
	[tilespmem:$0x1F800] =	vst v63  }
0x7b9: {  	_ = 	snop  }
0x7ba: {  	[tilespmem:s9], [sflag:$0x2] =	stream.indirect.gather [hbm4b:s2+s7], $0x80, s15, s7, $0xb8;
	[tilespmem:$0x1F800] =	vst v63  }
0x7bb: {  	_ =	swait.ge [sflag:s11], $0x4000  }
0x7bc: {  	[sflag:s11] =	ssyncset.done $0x0  }
0x7bd: {  	[sflag:s11] =	ssyncadd.s32 $0xFFFFC000  }
0x7be: {  	_ =	swait.ge [sflag:s12], $0x4000  }
0x7bf: {  	[sflag:s12] =	ssyncset.done $0x0  }
0x7c0: {  	s4 =	simm.s32 $0x2A80;
	s15 =	sld [smem:$0x7D2];
	[sflag:s12] =	ssyncadd.s32 $0xFFFFC000  }
0x7c1: {  	[spmem:s3] =	stream.indirect.scatter.add.f32 [tilespmem:s9], [sflag:$0x4], $0x80, s4, s7, $0xb8;
	[tilespmem:$0x1F800] =	vst v63  }
0x7c2: {  	_ = 	snop  }
0x7c3: {  	[tilespmem:s8], [sflag:$0x1] =	stream.indirect.gather [hbm4b:s2+s7], $0x80, s15, s7, $0xb8;
	[tilespmem:$0x1F800] =	vst v63  }
0x7c4: {  	_ =	swait.ge [sflag:s13], $0x4000  }
0x7c5: {  	[sflag:s13] =	ssyncset.done $0x0  }
0x7c6: {  	[sflag:s13] =	ssyncadd.s32 $0xFFFFC000  }
0x7c7: {  	_ =	swait.ge [sflag:s10], $0x4000  }
0x7c8: {  	[sflag:s10] =	ssyncset.done $0x0  }
0x7c9: {  	s4 =	simm.s32 $0x2B00;
	s15 =	sld [smem:$0x7D3];
	[sflag:s10] =	ssyncadd.s32 $0xFFFFC000  }
0x7ca: {  	[spmem:s3] =	stream.indirect.scatter.add.f32 [tilespmem:s8], [sflag:$0x3], $0x80, s4, s7, $0xb8;
	[tilespmem:$0x1F800] =	vst v63  }
0x7cb: {  	_ = 	snop  }
0x7cc: {  	[tilespmem:s9], [sflag:$0x2] =	stream.indirect.gather [hbm4b:s2+s7], $0x80, s15, s7, $0xb8;
	[tilespmem:$0x1F800] =	vst v63  }
0x7cd: {  	_ =	swait.ge [sflag:s11], $0x4000  }
0x7ce: {  	[sflag:s11] =	ssyncset.done $0x0  }
0x7cf: {  	[sflag:s11] =	ssyncadd.s32 $0xFFFFC000  }
0x7d0: {  	_ =	swait.ge [sflag:s12], $0x4000  }
0x7d1: {  	[sflag:s12] =	ssyncset.done $0x0  }
0x7d2: {  	s4 =	simm.s32 $0x2B80;
	s15 =	sld [smem:$0x7D4];
	[sflag:s12] =	ssyncadd.s32 $0xFFFFC000  }
0x7d3: {  	[spmem:s3] =	stream.indirect.scatter.add.f32 [tilespmem:s9], [sflag:$0x4], $0x80, s4, s7, $0xb8;
	[tilespmem:$0x1F800] =	vst v63  }
0x7d4: {  	_ = 	snop  }
0x7d5: {  	[tilespmem:s8], [sflag:$0x1] =	stream.indirect.gather [hbm4b:s2+s7], $0x80, s15, s7, $0xb8;
	[tilespmem:$0x1F800] =	vst v63  }
0x7d6: {  	_ =	swait.ge [sflag:s13], $0x4000  }
0x7d7: {  	[sflag:s13] =	ssyncset.done $0x0  }
0x7d8: {  	[sflag:s13] =	ssyncadd.s32 $0xFFFFC000  }
0x7d9: {  	_ =	swait.ge [sflag:s10], $0x4000  }
0x7da: {  	[sflag:s10] =	ssyncset.done $0x0  }
0x7db: {  	s4 =	simm.s32 $0x2C00;
	s15 =	sld [smem:$0x7D5];
	[sflag:s10] =	ssyncadd.s32 $0xFFFFC000  }
0x7dc: {  	[spmem:s3] =	stream.indirect.scatter.add.f32 [tilespmem:s8], [sflag:$0x3], $0x80, s4, s7, $0xb8;
	[tilespmem:$0x1F800] =	vst v63  }
0x7dd: {  	_ = 	snop  }
0x7de: {  	[tilespmem:s9], [sflag:$0x2] =	stream.indirect.gather [hbm4b:s2+s7], $0x80, s15, s7, $0xb8;
	[tilespmem:$0x1F800] =	vst v63  }
0x7df: {  	_ =	swait.ge [sflag:s11], $0x4000  }
0x7e0: {  	[sflag:s11] =	ssyncset.done $0x0  }
0x7e1: {  	[sflag:s11] =	ssyncadd.s32 $0xFFFFC000  }
0x7e2: {  	_ =	swait.ge [sflag:s12], $0x4000  }
0x7e3: {  	[sflag:s12] =	ssyncset.done $0x0  }
0x7e4: {  	s4 =	simm.s32 $0x2C80;
	s15 =	sld [smem:$0x7D6];
	[sflag:s12] =	ssyncadd.s32 $0xFFFFC000  }
0x7e5: {  	[spmem:s3] =	stream.indirect.scatter.add.f32 [tilespmem:s9], [sflag:$0x4], $0x80, s4, s7, $0xb8;
	[tilespmem:$0x1F800] =	vst v63  }
0x7e6: {  	_ = 	snop  }
0x7e7: {  	[tilespmem:s8], [sflag:$0x1] =	stream.indirect.gather [hbm4b:s2+s7], $0x80, s15, s7, $0xb8;
	[tilespmem:$0x1F800] =	vst v63  }
0x7e8: {  	_ =	swait.ge [sflag:s13], $0x4000  }
0x7e9: {  	[sflag:s13] =	ssyncset.done $0x0  }
0x7ea: {  	[sflag:s13] =	ssyncadd.s32 $0xFFFFC000  }
0x7eb: {  	_ =	swait.ge [sflag:s10], $0x4000  }
0x7ec: {  	[sflag:s10] =	ssyncset.done $0x0  }
0x7ed: {  	s4 =	simm.s32 $0x2D00;
	s15 =	sld [smem:$0x7D7];
	[sflag:s10] =	ssyncadd.s32 $0xFFFFC000  }
0x7ee: {  	[spmem:s3] =	stream.indirect.scatter.add.f32 [tilespmem:s8], [sflag:$0x3], $0x80, s4, s7, $0xb8;
	[tilespmem:$0x1F800] =	vst v63  }
0x7ef: {  	_ = 	snop  }
0x7f0: {  	[tilespmem:s9], [sflag:$0x2] =	stream.indirect.gather [hbm4b:s2+s7], $0x80, s15, s7, $0xb8;
	[tilespmem:$0x1F800] =	vst v63  }
0x7f1: {  	_ =	swait.ge [sflag:s11], $0x4000  }
0x7f2: {  	[sflag:s11] =	ssyncset.done $0x0  }
0x7f3: {  	[sflag:s11] =	ssyncadd.s32 $0xFFFFC000  }
0x7f4: {  	_ =	swait.ge [sflag:s12], $0x4000  }
0x7f5: {  	[sflag:s12] =	ssyncset.done $0x0  }
0x7f6: {  	s4 =	simm.s32 $0x2D80;
	s15 =	sld [smem:$0x7D8];
	[sflag:s12] =	ssyncadd.s32 $0xFFFFC000  }
0x7f7: {  	[spmem:s3] =	stream.indirect.scatter.add.f32 [tilespmem:s9], [sflag:$0x4], $0x80, s4, s7, $0xb8;
	[tilespmem:$0x1F800] =	vst v63  }
0x7f8: {  	_ = 	snop  }
0x7f9: {  	[tilespmem:s8], [sflag:$0x1] =	stream.indirect.gather [hbm4b:s2+s7], $0x80, s15, s7, $0xb8;
	[tilespmem:$0x1F800] =	vst v63  }
0x7fa: {  	_ =	swait.ge [sflag:s13], $0x4000  }
0x7fb: {  	[sflag:s13] =	ssyncset.done $0x0  }
0x7fc: {  	[sflag:s13] =	ssyncadd.s32 $0xFFFFC000  }
0x7fd: {  	_ =	swait.ge [sflag:s10], $0x4000  }
0x7fe: {  	[sflag:s10] =	ssyncset.done $0x0  }
0x7ff: {  	s4 =	simm.s32 $0x2E00;
	s15 =	sld [smem:$0x7D9];
	[sflag:s10] =	ssyncadd.s32 $0xFFFFC000  }
0x800: {  	[spmem:s3] =	stream.indirect.scatter.add.f32 [tilespmem:s8], [sflag:$0x3], $0x80, s4, s7, $0xb8;
	[tilespmem:$0x1F800] =	vst v63  }
0x801: {  	_ = 	snop  }
0x802: {  	[tilespmem:s9], [sflag:$0x2] =	stream.indirect.gather [hbm4b:s2+s7], $0x80, s15, s7, $0xb8;
	[tilespmem:$0x1F800] =	vst v63  }
0x803: {  	_ =	swait.ge [sflag:s11], $0x4000  }
0x804: {  	[sflag:s11] =	ssyncset.done $0x0  }
0x805: {  	[sflag:s11] =	ssyncadd.s32 $0xFFFFC000  }
0x806: {  	_ =	swait.ge [sflag:s12], $0x4000  }
0x807: {  	[sflag:s12] =	ssyncset.done $0x0  }
0x808: {  	s4 =	simm.s32 $0x2E80;
	s15 =	sld [smem:$0x7DA];
	[sflag:s12] =	ssyncadd.s32 $0xFFFFC000  }
0x809: {  	[spmem:s3] =	stream.indirect.scatter.add.f32 [tilespmem:s9], [sflag:$0x4], $0x80, s4, s7, $0xb8;
	[tilespmem:$0x1F800] =	vst v63  }
0x80a: {  	_ = 	snop  }
0x80b: {  	[tilespmem:s8], [sflag:$0x1] =	stream.indirect.gather [hbm4b:s2+s7], $0x80, s15, s7, $0xb8;
	[tilespmem:$0x1F800] =	vst v63  }
0x80c: {  	_ =	swait.ge [sflag:s13], $0x4000  }
0x80d: {  	[sflag:s13] =	ssyncset.done $0x0  }
0x80e: {  	[sflag:s13] =	ssyncadd.s32 $0xFFFFC000  }
0x80f: {  	_ =	swait.ge [sflag:s10], $0x4000  }
0x810: {  	[sflag:s10] =	ssyncset.done $0x0  }
0x811: {  	s4 =	simm.s32 $0x2F00;
	s15 =	sld [smem:$0x7DB];
	[sflag:s10] =	ssyncadd.s32 $0xFFFFC000  }
0x812: {  	[spmem:s3] =	stream.indirect.scatter.add.f32 [tilespmem:s8], [sflag:$0x3], $0x80, s4, s7, $0xb8;
	[tilespmem:$0x1F800] =	vst v63  }
0x813: {  	_ = 	snop  }
0x814: {  	[tilespmem:s9], [sflag:$0x2] =	stream.indirect.gather [hbm4b:s2+s7], $0x80, s15, s7, $0xb8;
	[tilespmem:$0x1F800] =	vst v63  }
0x815: {  	_ =	swait.ge [sflag:s11], $0x4000  }
0x816: {  	[sflag:s11] =	ssyncset.done $0x0  }
0x817: {  	[sflag:s11] =	ssyncadd.s32 $0xFFFFC000  }
0x818: {  	_ =	swait.ge [sflag:s12], $0x4000  }
0x819: {  	[sflag:s12] =	ssyncset.done $0x0  }
0x81a: {  	s4 =	simm.s32 $0x2F80;
	s15 =	sld [smem:$0x7DC];
	[sflag:s12] =	ssyncadd.s32 $0xFFFFC000  }
0x81b: {  	[spmem:s3] =	stream.indirect.scatter.add.f32 [tilespmem:s9], [sflag:$0x4], $0x80, s4, s7, $0xb8;
	[tilespmem:$0x1F800] =	vst v63  }
0x81c: {  	_ = 	snop  }
0x81d: {  	[tilespmem:s8], [sflag:$0x1] =	stream.indirect.gather [hbm4b:s2+s7], $0x80, s15, s7, $0xb8;
	[tilespmem:$0x1F800] =	vst v63  }
0x81e: {  	_ =	swait.ge [sflag:s13], $0x4000  }
0x81f: {  	[sflag:s13] =	ssyncset.done $0x0  }
0x820: {  	s15 =	rddreg [dreg:$0xb];
	[sflag:s13] =	ssyncadd.s32 $0xFFFFC000  }
0x821: {  	[tilespmem:s1], [sflag:$0x5] =	stream.linear.gather [hbm4b:s15+s25], $0x800, $0x38;
	[tilespmem:$0x1F800] =	vst v63  }
0x822: {  	_ =	swait.ge [sflag:s31], $0x800  }
0x823: {  	[sflag:s31] =	ssyncset.done $0x0  }
0x824: {  	[sflag:s31] =	ssyncadd.s32 $0xFFFFF800  }
0x825: {  	_ =	swait.ge [sflag:s10], $0x4000  }
0x826: {  	[sflag:s10] =	ssyncset.done $0x0  }
0x827: {  	s31 =	sld [smem:$0x7DD];
	[sflag:s10] =	ssyncadd.s32 $0xFFFFC000  }
0x828: {  	[spmem:s3] =	stream.indirect.scatter.add.f32 [tilespmem:s8], [sflag:$0x3], $0x80, s0, s7, $0xb8;
	[tilespmem:$0x1F800] =	vst v63  }
0x829: {  	_ = 	snop  }
0x82a: {  	[tilespmem:s9], [sflag:$0x2] =	stream.indirect.gather [hbm4b:s2+s7], $0x80, s31, s7, $0xb8;
	[tilespmem:$0x1F800] =	vst v63  }
0x82b: {  	_ =	swait.ge [sflag:s11], $0x4000  }
0x82c: {  	[sflag:s11] =	ssyncset.done $0x0  }
0x82d: {  	[sflag:s11] =	ssyncadd.s32 $0xFFFFC000  }
0x82e: {  	_ =	swait.ge [sflag:s12], $0x4000  }
0x82f: {  	[sflag:s12] =	ssyncset.done $0x0  }
0x830: {  	s15 =	sld [smem:$0x7DE];
	[sflag:s12] =	ssyncadd.s32 $0xFFFFC000  }
0x831: {  	[spmem:s3] =	stream.indirect.scatter.add.f32 [tilespmem:s9], [sflag:$0x4], $0x80, s30, s7, $0xb8;
	[tilespmem:$0x1F800] =	vst v63  }
0x832: {  	_ = 	snop  }
0x833: {  	[tilespmem:s8], [sflag:$0x1] =	stream.indirect.gather [hbm4b:s2+s7], $0x80, s15, s7, $0xb8;
	[tilespmem:$0x1F800] =	vst v63  }
0x834: {  	_ =	swait.ge [sflag:s13], $0x4000  }
0x835: {  	[sflag:s13] =	ssyncset.done $0x0  }
0x836: {  	[sflag:s13] =	ssyncadd.s32 $0xFFFFC000  }
0x837: {  	_ =	swait.ge [sflag:s10], $0x4000  }
0x838: {  	[sflag:s10] =	ssyncset.done $0x0  }
0x839: {  	s25 =	sld [smem:$0x7DF];
	[sflag:s10] =	ssyncadd.s32 $0xFFFFC000  }
0x83a: {  	[spmem:s3] =	stream.indirect.scatter.add.f32 [tilespmem:s8], [sflag:$0x3], $0x80, s29, s7, $0xb8;
	[tilespmem:$0x1F800] =	vst v63  }
0x83b: {  	_ = 	snop  }
0x83c: {  	[tilespmem:s9], [sflag:$0x2] =	stream.indirect.gather [hbm4b:s2+s7], $0x80, s25, s7, $0xb8;
	[tilespmem:$0x1F800] =	vst v63  }
0x83d: {  	_ =	swait.ge [sflag:s11], $0x4000  }
0x83e: {  	[sflag:s11] =	ssyncset.done $0x0  }
0x83f: {  	[sflag:s11] =	ssyncadd.s32 $0xFFFFC000  }
0x840: {  	_ =	swait.ge [sflag:s12], $0x4000  }
0x841: {  	[sflag:s12] =	ssyncset.done $0x0  }
0x842: {  	s29 =	sld [smem:$0x7E0];
	[sflag:s12] =	ssyncadd.s32 $0xFFFFC000  }
0x843: {  	[spmem:s3] =	stream.indirect.scatter.add.f32 [tilespmem:s9], [sflag:$0x4], $0x80, s28, s7, $0xb8;
	[tilespmem:$0x1F800] =	vst v63  }
0x844: {  	_ = 	snop  }
0x845: {  	[tilespmem:s8], [sflag:$0x1] =	stream.indirect.gather [hbm4b:s2+s7], $0x80, s29, s7, $0xb8;
	[tilespmem:$0x1F800] =	vst v63  }
0x846: {  	_ =	swait.ge [sflag:s13], $0x4000  }
0x847: {  	[sflag:s13] =	ssyncset.done $0x0  }
0x848: {  	[sflag:s13] =	ssyncadd.s32 $0xFFFFC000  }
0x849: {  	_ =	swait.ge [sflag:s10], $0x4000  }
0x84a: {  	[sflag:s10] =	ssyncset.done $0x0  }
0x84b: {  	s30 =	sld [smem:$0x7E1];
	[sflag:s10] =	ssyncadd.s32 $0xFFFFC000  }
0x84c: {  	[spmem:s3] =	stream.indirect.scatter.add.f32 [tilespmem:s8], [sflag:$0x3], $0x80, s26, s7, $0xb8;
	[tilespmem:$0x1F800] =	vst v63  }
0x84d: {  	_ = 	snop  }
0x84e: {  	[tilespmem:s9], [sflag:$0x2] =	stream.indirect.gather [hbm4b:s2+s7], $0x80, s30, s7, $0xb8;
	[tilespmem:$0x1F800] =	vst v63  }
0x84f: {  	_ =	swait.ge [sflag:s11], $0x4000  }
0x850: {  	[sflag:s11] =	ssyncset.done $0x0  }
0x851: {  	[sflag:s11] =	ssyncadd.s32 $0xFFFFC000  }
0x852: {  	_ =	swait.ge [sflag:s12], $0x4000  }
0x853: {  	[sflag:s12] =	ssyncset.done $0x0  }
0x854: {  	s31 =	sld [smem:$0x7E2];
	[sflag:s12] =	ssyncadd.s32 $0xFFFFC000  }
0x855: {  	[spmem:s3] =	stream.indirect.scatter.add.f32 [tilespmem:s9], [sflag:$0x4], $0x80, s23, s7, $0xb8;
	[tilespmem:$0x1F800] =	vst v63  }
0x856: {  	_ = 	snop  }
0x857: {  	[tilespmem:s8], [sflag:$0x1] =	stream.indirect.gather [hbm4b:s2+s7], $0x80, s31, s7, $0xb8;
	[tilespmem:$0x1F800] =	vst v63  }
0x858: {  	_ =	swait.ge [sflag:s13], $0x4000  }
0x859: {  	[sflag:s13] =	ssyncset.done $0x0  }
0x85a: {  	[sflag:s13] =	ssyncadd.s32 $0xFFFFC000  }
0x85b: {  	_ =	swait.ge [sflag:s10], $0x4000  }
0x85c: {  	[sflag:s10] =	ssyncset.done $0x0  }
0x85d: {  	s15 =	sld [smem:$0x7E3];
	[sflag:s10] =	ssyncadd.s32 $0xFFFFC000  }
0x85e: {  	[spmem:s3] =	stream.indirect.scatter.add.f32 [tilespmem:s8], [sflag:$0x3], $0x80, s22, s7, $0xb8;
	[tilespmem:$0x1F800] =	vst v63  }
0x85f: {  	_ = 	snop  }
0x860: {  	[tilespmem:s9], [sflag:$0x2] =	stream.indirect.gather [hbm4b:s2+s7], $0x80, s15, s7, $0xb8;
	[tilespmem:$0x1F800] =	vst v63  }
0x861: {  	_ =	swait.ge [sflag:s11], $0x4000  }
0x862: {  	[sflag:s11] =	ssyncset.done $0x0  }
0x863: {  	[sflag:s11] =	ssyncadd.s32 $0xFFFFC000  }
0x864: {  	_ =	swait.ge [sflag:s12], $0x4000  }
0x865: {  	[sflag:s12] =	ssyncset.done $0x0  }
0x866: {  	s22 =	sld [smem:$0x7E4];
	[sflag:s12] =	ssyncadd.s32 $0xFFFFC000  }
0x867: {  	[spmem:s3] =	stream.indirect.scatter.add.f32 [tilespmem:s9], [sflag:$0x4], $0x80, s21, s7, $0xb8;
	[tilespmem:$0x1F800] =	vst v63  }
0x868: {  	_ = 	snop  }
0x869: {  	[tilespmem:s8], [sflag:$0x1] =	stream.indirect.gather [hbm4b:s2+s7], $0x80, s22, s7, $0xb8;
	[tilespmem:$0x1F800] =	vst v63  }
0x86a: {  	_ =	swait.ge [sflag:s13], $0x4000  }
0x86b: {  	[sflag:s13] =	ssyncset.done $0x0  }
0x86c: {  	[sflag:s13] =	ssyncadd.s32 $0xFFFFC000  }
0x86d: {  	_ =	swait.ge [sflag:s10], $0x4000  }
0x86e: {  	[sflag:s10] =	ssyncset.done $0x0  }
0x86f: {  	s23 =	sld [smem:$0x7E5];
	[sflag:s10] =	ssyncadd.s32 $0xFFFFC000  }
0x870: {  	[spmem:s3] =	stream.indirect.scatter.add.f32 [tilespmem:s8], [sflag:$0x3], $0x80, s20, s7, $0xb8;
	[tilespmem:$0x1F800] =	vst v63  }
0x871: {  	_ = 	snop  }
0x872: {  	[tilespmem:s9], [sflag:$0x2] =	stream.indirect.gather [hbm4b:s2+s7], $0x80, s23, s7, $0xb8;
	[tilespmem:$0x1F800] =	vst v63  }
0x873: {  	_ =	swait.ge [sflag:s11], $0x4000  }
0x874: {  	[sflag:s11] =	ssyncset.done $0x0  }
0x875: {  	[sflag:s11] =	ssyncadd.s32 $0xFFFFC000  }
0x876: {  	_ =	swait.ge [sflag:s12], $0x4000  }
0x877: {  	[sflag:s12] =	ssyncset.done $0x0  }
0x878: {  	s25 =	sld [smem:$0x7E6];
	[sflag:s12] =	ssyncadd.s32 $0xFFFFC000  }
0x879: {  	[spmem:s3] =	stream.indirect.scatter.add.f32 [tilespmem:s9], [sflag:$0x4], $0x80, s19, s7, $0xb8;
	[tilespmem:$0x1F800] =	vst v63  }
0x87a: {  	_ = 	snop  }
0x87b: {  	[tilespmem:s8], [sflag:$0x1] =	stream.indirect.gather [hbm4b:s2+s7], $0x80, s25, s7, $0xb8;
	[tilespmem:$0x1F800] =	vst v63  }
0x87c: {  	_ =	swait.ge [sflag:s13], $0x4000  }
0x87d: {  	[sflag:s13] =	ssyncset.done $0x0  }
0x87e: {  	[sflag:s13] =	ssyncadd.s32 $0xFFFFC000  }
0x87f: {  	_ =	swait.ge [sflag:s10], $0x4000  }
0x880: {  	[sflag:s10] =	ssyncset.done $0x0  }
0x881: {  	s26 =	sld [smem:$0x7E8];
	[sflag:s10] =	ssyncadd.s32 $0xFFFFC000  }
0x882: {  	[spmem:s3] =	stream.indirect.scatter.add.f32 [tilespmem:s8], [sflag:$0x3], $0x80, s18, s7, $0xb8;
	[tilespmem:$0x1F800] =	vst v63  }
0x883: {  	_ = 	snop  }
0x884: {  	[tilespmem:s9], [sflag:$0x2] =	stream.indirect.gather [hbm4b:s2+s7], $0x80, s26, s7, $0xb8;
	[tilespmem:$0x1F800] =	vst v63  }
0x885: {  	_ =	swait.ge [sflag:s11], $0x4000  }
0x886: {  	[sflag:s11] =	ssyncset.done $0x0  }
0x887: {  	[sflag:s11] =	ssyncadd.s32 $0xFFFFC000  }
0x888: {  	_ =	swait.ge [sflag:s12], $0x4000  }
0x889: {  	[sflag:s12] =	ssyncset.done $0x0  }
0x88a: {  	s28 =	sld [smem:$0x7E9];
	[sflag:s12] =	ssyncadd.s32 $0xFFFFC000  }
0x88b: {  	[spmem:s3] =	stream.indirect.scatter.add.f32 [tilespmem:s9], [sflag:$0x4], $0x80, s17, s7, $0xb8;
	[tilespmem:$0x1F800] =	vst v63  }
0x88c: {  	_ = 	snop  }
0x88d: {  	[tilespmem:s8], [sflag:$0x1] =	stream.indirect.gather [hbm4b:s2+s7], $0x80, s28, s7, $0xb8;
	[tilespmem:$0x1F800] =	vst v63  }
0x88e: {  	_ =	swait.ge [sflag:s13], $0x4000  }
0x88f: {  	[sflag:s13] =	ssyncset.done $0x0  }
0x890: {  	[sflag:s13] =	ssyncadd.s32 $0xFFFFC000  }
0x891: {  	_ =	swait.ge [sflag:s10], $0x4000  }
0x892: {  	[sflag:s10] =	ssyncset.done $0x0  }
0x893: {  	s29 =	sld [smem:$0x7EB];
	[sflag:s10] =	ssyncadd.s32 $0xFFFFC000  }
0x894: {  	[spmem:s3] =	stream.indirect.scatter.add.f32 [tilespmem:s8], [sflag:$0x3], $0x80, s6, s7, $0xb8;
	[tilespmem:$0x1F800] =	vst v63  }
0x895: {  	_ = 	snop  }
0x896: {  	[tilespmem:s9], [sflag:$0x2] =	stream.indirect.gather [hbm4b:s2+s7], $0x80, s29, s7, $0xb8;
	[tilespmem:$0x1F800] =	vst v63  }
0x897: {  	_ =	swait.ge [sflag:s11], $0x4000  }
0x898: {  	[sflag:s11] =	ssyncset.done $0x0  }
0x899: {  	[sflag:s11] =	ssyncadd.s32 $0xFFFFC000  }
0x89a: {  	_ =	swait.ge [sflag:s12], $0x4000  }
0x89b: {  	[sflag:s12] =	ssyncset.done $0x0  }
0x89c: {  	s30 =	sld [smem:$0x7EC];
	[sflag:s12] =	ssyncadd.s32 $0xFFFFC000  }
0x89d: {  	[spmem:s3] =	stream.indirect.scatter.add.f32 [tilespmem:s9], [sflag:$0x4], $0x80, s16, s7, $0xb8;
	[tilespmem:$0x1F800] =	vst v63  }
0x89e: {  	_ = 	snop  }
0x89f: {  	[tilespmem:s8], [sflag:$0x1] =	stream.indirect.gather [hbm4b:s2+s7], $0x80, s30, s7, $0xb8;
	[tilespmem:$0x1F800] =	vst v63  }
0x8a0: {  	_ =	swait.ge [sflag:s13], $0x4000  }
0x8a1: {  	[sflag:s13] =	ssyncset.done $0x0  }
0x8a2: {  	[sflag:s13] =	ssyncadd.s32 $0xFFFFC000  }
0x8a3: {  	_ =	swait.ge [sflag:s10], $0x4000  }
0x8a4: {  	[sflag:s10] =	ssyncset.done $0x0  }
0x8a5: {  	s31 =	sld [smem:$0x7ED];
	[sflag:s10] =	ssyncadd.s32 $0xFFFFC000  }
0x8a6: {  	[spmem:s3] =	stream.indirect.scatter.add.f32 [tilespmem:s8], [sflag:$0x3], $0x80, s5, s7, $0xb8;
	[tilespmem:$0x1F800] =	vst v63  }
0x8a7: {  	_ = 	snop  }
0x8a8: {  	[tilespmem:s9], [sflag:$0x2] =	stream.indirect.gather [hbm4b:s2+s7], $0x80, s31, s7, $0xb8;
	[tilespmem:$0x1F800] =	vst v63  }
0x8a9: {  	_ =	swait.ge [sflag:s11], $0x4000  }
0x8aa: {  	[sflag:s11] =	ssyncset.done $0x0  }
0x8ab: {  	[sflag:s11] =	ssyncadd.s32 $0xFFFFC000  }
0x8ac: {  	_ =	swait.ge [sflag:s12], $0x4000  }
0x8ad: {  	[sflag:s12] =	ssyncset.done $0x0  }
0x8ae: {  	s15 =	simm.s32 $0x3780;
	s6 =	sld [smem:$0x7EE];
	[sflag:s12] =	ssyncadd.s32 $0xFFFFC000  }
0x8af: {  	[spmem:s3] =	stream.indirect.scatter.add.f32 [tilespmem:s9], [sflag:$0x4], $0x80, s15, s7, $0xb8;
	[tilespmem:$0x1F800] =	vst v63  }
0x8b0: {  	_ = 	snop  }
0x8b1: {  	[tilespmem:s8], [sflag:$0x1] =	stream.indirect.gather [hbm4b:s2+s7], $0x80, s6, s7, $0xb8;
	[tilespmem:$0x1F800] =	vst v63  }
0x8b2: {  	_ =	swait.ge [sflag:s13], $0x4000  }
0x8b3: {  	[sflag:s13] =	ssyncset.done $0x0  }
0x8b4: {  	[sflag:s13] =	ssyncadd.s32 $0xFFFFC000  }
0x8b5: {  	_ =	swait.ge [sflag:s24], $0x800  }
0x8b6: {  	[sflag:s24] =	ssyncset.done $0x0  }
0x8b7: {  	[sflag:s24] =	ssyncadd.s32 $0xFFFFF800  }
0x8b8: {  	_ =	swait.ge [sflag:s10], $0x4000  }
0x8b9: {  	[sflag:s10] =	ssyncset.done $0x0  }
0x8ba: {  	s16 =	sld [smem:$0x7EF];
	[sflag:s10] =	ssyncadd.s32 $0xFFFFC000  }
0x8bb: {  	[spmem:s3] =	stream.indirect.scatter.add.f32 [tilespmem:s8], [sflag:$0x3], $0x80, s1, s7, $0xb8;
	[tilespmem:$0x1F800] =	vst v63  }
0x8bc: {  	_ = 	snop  }
0x8bd: {  	[tilespmem:s9], [sflag:$0x2] =	stream.indirect.gather [hbm4b:s2+s7], $0x80, s16, s7, $0xb8;
	[tilespmem:$0x1F800] =	vst v63  }
0x8be: {  	_ =	swait.ge [sflag:s11], $0x4000  }
0x8bf: {  	[sflag:s11] =	ssyncset.done $0x0  }
0x8c0: {  	[sflag:s11] =	ssyncadd.s32 $0xFFFFC000  }
0x8c1: {  	_ =	swait.ge [sflag:s12], $0x4000  }
0x8c2: {  	[sflag:s12] =	ssyncset.done $0x0  }
0x8c3: {  	s18 =	simm.s32 $0x2880;
	s17 =	sld [smem:$0x7F0];
	[sflag:s12] =	ssyncadd.s32 $0xFFFFC000  }
0x8c4: {  	[spmem:s3] =	stream.indirect.scatter.add.f32 [tilespmem:s9], [sflag:$0x4], $0x80, s18, s7, $0xb8;
	[tilespmem:$0x1F800] =	vst v63  }
0x8c5: {  	_ = 	snop  }
0x8c6: {  	[tilespmem:s8], [sflag:$0x1] =	stream.indirect.gather [hbm4b:s2+s7], $0x80, s17, s7, $0xb8;
	[tilespmem:$0x1F800] =	vst v63  }
0x8c7: {  	_ =	swait.ge [sflag:s13], $0x4000  }
0x8c8: {  	[sflag:s13] =	ssyncset.done $0x0  }
0x8c9: {  	[sflag:s13] =	ssyncadd.s32 $0xFFFFC000  }
0x8ca: {  	_ =	swait.ge [sflag:s10], $0x4000  }
0x8cb: {  	[sflag:s10] =	ssyncset.done $0x0  }
0x8cc: {  	s20 =	simm.s32 $0x2900;
	s19 =	sld [smem:$0x7F1];
	[sflag:s10] =	ssyncadd.s32 $0xFFFFC000  }
0x8cd: {  	[spmem:s3] =	stream.indirect.scatter.add.f32 [tilespmem:s8], [sflag:$0x3], $0x80, s20, s7, $0xb8;
	[tilespmem:$0x1F800] =	vst v63  }
0x8ce: {  	_ = 	snop  }
0x8cf: {  	[tilespmem:s9], [sflag:$0x2] =	stream.indirect.gather [hbm4b:s2+s7], $0x80, s19, s7, $0xb8;
	[tilespmem:$0x1F800] =	vst v63  }
0x8d0: {  	_ =	swait.ge [sflag:s11], $0x4000  }
0x8d1: {  	[sflag:s11] =	ssyncset.done $0x0  }
0x8d2: {  	[sflag:s11] =	ssyncadd.s32 $0xFFFFC000  }
0x8d3: {  	_ =	swait.ge [sflag:s12], $0x4000  }
0x8d4: {  	[sflag:s12] =	ssyncset.done $0x0  }
0x8d5: {  	s22 =	simm.s32 $0x2980;
	s21 =	sld [smem:$0x7F2];
	[sflag:s12] =	ssyncadd.s32 $0xFFFFC000  }
0x8d6: {  	[spmem:s3] =	stream.indirect.scatter.add.f32 [tilespmem:s9], [sflag:$0x4], $0x80, s22, s7, $0xb8;
	[tilespmem:$0x1F800] =	vst v63  }
0x8d7: {  	_ = 	snop  }
0x8d8: {  	[tilespmem:s8], [sflag:$0x1] =	stream.indirect.gather [hbm4b:s2+s7], $0x80, s21, s7, $0xb8;
	[tilespmem:$0x1F800] =	vst v63  }
0x8d9: {  	_ =	swait.ge [sflag:s13], $0x4000  }
0x8da: {  	[sflag:s13] =	ssyncset.done $0x0  }
0x8db: {  	[sflag:s13] =	ssyncadd.s32 $0xFFFFC000  }
0x8dc: {  	_ =	swait.ge [sflag:s10], $0x4000  }
0x8dd: {  	[sflag:s10] =	ssyncset.done $0x0  }
0x8de: {  	s24 =	simm.s32 $0x2A00;
	s23 =	sld [smem:$0x7F3];
	[sflag:s10] =	ssyncadd.s32 $0xFFFFC000  }
0x8df: {  	[spmem:s3] =	stream.indirect.scatter.add.f32 [tilespmem:s8], [sflag:$0x3], $0x80, s24, s7, $0xb8;
	[tilespmem:$0x1F800] =	vst v63  }
0x8e0: {  	_ = 	snop  }
0x8e1: {  	[tilespmem:s9], [sflag:$0x2] =	stream.indirect.gather [hbm4b:s2+s7], $0x80, s23, s7, $0xb8;
	[tilespmem:$0x1F800] =	vst v63  }
0x8e2: {  	_ =	swait.ge [sflag:s11], $0x4000  }
0x8e3: {  	[sflag:s11] =	ssyncset.done $0x0  }
0x8e4: {  	[sflag:s11] =	ssyncadd.s32 $0xFFFFC000  }
0x8e5: {  	_ =	swait.ge [sflag:s12], $0x4000  }
0x8e6: {  	[sflag:s12] =	ssyncset.done $0x0  }
0x8e7: {  	s26 =	simm.s32 $0x2A80;
	s25 =	sld [smem:$0x7F4];
	[sflag:s12] =	ssyncadd.s32 $0xFFFFC000  }
0x8e8: {  	[spmem:s3] =	stream.indirect.scatter.add.f32 [tilespmem:s9], [sflag:$0x4], $0x80, s26, s7, $0xb8;
	[tilespmem:$0x1F800] =	vst v63  }
0x8e9: {  	_ = 	snop  }
0x8ea: {  	[tilespmem:s8], [sflag:$0x1] =	stream.indirect.gather [hbm4b:s2+s7], $0x80, s25, s7, $0xb8;
	[tilespmem:$0x1F800] =	vst v63  }
0x8eb: {  	_ =	swait.ge [sflag:s13], $0x4000  }
0x8ec: {  	[sflag:s13] =	ssyncset.done $0x0  }
0x8ed: {  	[sflag:s13] =	ssyncadd.s32 $0xFFFFC000  }
0x8ee: {  	_ =	swait.ge [sflag:s10], $0x4000  }
0x8ef: {  	[sflag:s10] =	ssyncset.done $0x0  }
0x8f0: {  	s29 =	simm.s32 $0x2B00;
	s28 =	sld [smem:$0x7F5];
	[sflag:s10] =	ssyncadd.s32 $0xFFFFC000  }
0x8f1: {  	[spmem:s3] =	stream.indirect.scatter.add.f32 [tilespmem:s8], [sflag:$0x3], $0x80, s29, s7, $0xb8;
	[tilespmem:$0x1F800] =	vst v63  }
0x8f2: {  	_ = 	snop  }
0x8f3: {  	[tilespmem:s9], [sflag:$0x2] =	stream.indirect.gather [hbm4b:s2+s7], $0x80, s28, s7, $0xb8;
	[tilespmem:$0x1F800] =	vst v63  }
0x8f4: {  	_ =	swait.ge [sflag:s11], $0x4000  }
0x8f5: {  	[sflag:s11] =	ssyncset.done $0x0  }
0x8f6: {  	[sflag:s11] =	ssyncadd.s32 $0xFFFFC000  }
0x8f7: {  	_ =	swait.ge [sflag:s12], $0x4000  }
0x8f8: {  	[sflag:s12] =	ssyncset.done $0x0  }
0x8f9: {  	s31 =	simm.s32 $0x2B80;
	s30 =	sld [smem:$0x7F6];
	[sflag:s12] =	ssyncadd.s32 $0xFFFFC000  }
0x8fa: {  	[spmem:s3] =	stream.indirect.scatter.add.f32 [tilespmem:s9], [sflag:$0x4], $0x80, s31, s7, $0xb8;
	[tilespmem:$0x1F800] =	vst v63  }
0x8fb: {  	_ = 	snop  }
0x8fc: {  	[tilespmem:s8], [sflag:$0x1] =	stream.indirect.gather [hbm4b:s2+s7], $0x80, s30, s7, $0xb8;
	[tilespmem:$0x1F800] =	vst v63  }
0x8fd: {  	_ =	swait.ge [sflag:s13], $0x4000  }
0x8fe: {  	[sflag:s13] =	ssyncset.done $0x0  }
0x8ff: {  	[sflag:s13] =	ssyncadd.s32 $0xFFFFC000  }
0x900: {  	_ =	swait.ge [sflag:s10], $0x4000  }
0x901: {  	[sflag:s10] =	ssyncset.done $0x0  }
0x902: {  	s6 =	simm.s32 $0x2C00;
	s5 =	sld [smem:$0x7F7];
	[sflag:s10] =	ssyncadd.s32 $0xFFFFC000  }
0x903: {  	[spmem:s3] =	stream.indirect.scatter.add.f32 [tilespmem:s8], [sflag:$0x3], $0x80, s6, s7, $0xb8;
	[tilespmem:$0x1F800] =	vst v63  }
0x904: {  	_ = 	snop  }
0x905: {  	[tilespmem:s9], [sflag:$0x2] =	stream.indirect.gather [hbm4b:s2+s7], $0x80, s5, s7, $0xb8;
	[tilespmem:$0x1F800] =	vst v63  }
0x906: {  	_ =	swait.ge [sflag:s11], $0x4000  }
0x907: {  	[sflag:s11] =	ssyncset.done $0x0  }
0x908: {  	[sflag:s11] =	ssyncadd.s32 $0xFFFFC000  }
0x909: {  	_ =	swait.ge [sflag:s12], $0x4000  }
0x90a: {  	[sflag:s12] =	ssyncset.done $0x0  }
0x90b: {  	s16 =	simm.s32 $0x2C80;
	s15 =	sld [smem:$0x7F8];
	[sflag:s12] =	ssyncadd.s32 $0xFFFFC000  }
0x90c: {  	[spmem:s3] =	stream.indirect.scatter.add.f32 [tilespmem:s9], [sflag:$0x4], $0x80, s16, s7, $0xb8;
	[tilespmem:$0x1F800] =	vst v63  }
0x90d: {  	_ = 	snop  }
0x90e: {  	[tilespmem:s8], [sflag:$0x1] =	stream.indirect.gather [hbm4b:s2+s7], $0x80, s15, s7, $0xb8;
	[tilespmem:$0x1F800] =	vst v63  }
0x90f: {  	_ =	swait.ge [sflag:s13], $0x4000  }
0x910: {  	[sflag:s13] =	ssyncset.done $0x0  }
0x911: {  	[sflag:s13] =	ssyncadd.s32 $0xFFFFC000  }
0x912: {  	_ =	swait.ge [sflag:s10], $0x4000  }
0x913: {  	[sflag:s10] =	ssyncset.done $0x0  }
0x914: {  	s18 =	simm.s32 $0x2D00;
	s17 =	sld [smem:$0x7F9];
	[sflag:s10] =	ssyncadd.s32 $0xFFFFC000  }
0x915: {  	[spmem:s3] =	stream.indirect.scatter.add.f32 [tilespmem:s8], [sflag:$0x3], $0x80, s18, s7, $0xb8;
	[tilespmem:$0x1F800] =	vst v63  }
0x916: {  	_ = 	snop  }
0x917: {  	[tilespmem:s9], [sflag:$0x2] =	stream.indirect.gather [hbm4b:s2+s7], $0x80, s17, s7, $0xb8;
	[tilespmem:$0x1F800] =	vst v63  }
0x918: {  	_ =	swait.ge [sflag:s11], $0x4000  }
0x919: {  	[sflag:s11] =	ssyncset.done $0x0  }
0x91a: {  	[sflag:s11] =	ssyncadd.s32 $0xFFFFC000  }
0x91b: {  	_ =	swait.ge [sflag:s12], $0x4000  }
0x91c: {  	[sflag:s12] =	ssyncset.done $0x0  }
0x91d: {  	s20 =	simm.s32 $0x2D80;
	s19 =	sld [smem:$0x7FA];
	[sflag:s12] =	ssyncadd.s32 $0xFFFFC000  }
0x91e: {  	[spmem:s3] =	stream.indirect.scatter.add.f32 [tilespmem:s9], [sflag:$0x4], $0x80, s20, s7, $0xb8;
	[tilespmem:$0x1F800] =	vst v63  }
0x91f: {  	_ = 	snop  }
0x920: {  	[tilespmem:s8], [sflag:$0x1] =	stream.indirect.gather [hbm4b:s2+s7], $0x80, s19, s7, $0xb8;
	[tilespmem:$0x1F800] =	vst v63  }
0x921: {  	_ =	swait.ge [sflag:s13], $0x4000  }
0x922: {  	[sflag:s13] =	ssyncset.done $0x0  }
0x923: {  	[sflag:s13] =	ssyncadd.s32 $0xFFFFC000  }
0x924: {  	_ =	swait.ge [sflag:s10], $0x4000  }
0x925: {  	[sflag:s10] =	ssyncset.done $0x0  }
0x926: {  	s22 =	simm.s32 $0x2E00;
	s21 =	sld [smem:$0x7FB];
	[sflag:s10] =	ssyncadd.s32 $0xFFFFC000  }
0x927: {  	[spmem:s3] =	stream.indirect.scatter.add.f32 [tilespmem:s8], [sflag:$0x3], $0x80, s22, s7, $0xb8;
	[tilespmem:$0x1F800] =	vst v63  }
0x928: {  	_ = 	snop  }
0x929: {  	[tilespmem:s9], [sflag:$0x2] =	stream.indirect.gather [hbm4b:s2+s7], $0x80, s21, s7, $0xb8;
	[tilespmem:$0x1F800] =	vst v63  }
0x92a: {  	_ =	swait.ge [sflag:s11], $0x4000  }
0x92b: {  	[sflag:s11] =	ssyncset.done $0x0  }
0x92c: {  	[sflag:s11] =	ssyncadd.s32 $0xFFFFC000  }
0x92d: {  	_ =	swait.ge [sflag:s12], $0x4000  }
0x92e: {  	[sflag:s12] =	ssyncset.done $0x0  }
0x92f: {  	s24 =	simm.s32 $0x2E80;
	s23 =	sld [smem:$0x7FC];
	[sflag:s12] =	ssyncadd.s32 $0xFFFFC000  }
0x930: {  	[spmem:s3] =	stream.indirect.scatter.add.f32 [tilespmem:s9], [sflag:$0x4], $0x80, s24, s7, $0xb8;
	[tilespmem:$0x1F800] =	vst v63  }
0x931: {  	_ = 	snop  }
0x932: {  	[tilespmem:s8], [sflag:$0x1] =	stream.indirect.gather [hbm4b:s2+s7], $0x80, s23, s7, $0xb8;
	[tilespmem:$0x1F800] =	vst v63  }
0x933: {  	_ =	swait.ge [sflag:s13], $0x4000  }
0x934: {  	[sflag:s13] =	ssyncset.done $0x0  }
0x935: {  	[sflag:s13] =	ssyncadd.s32 $0xFFFFC000  }
0x936: {  	_ =	swait.ge [sflag:s10], $0x4000  }
0x937: {  	[sflag:s10] =	ssyncset.done $0x0  }
0x938: {  	s26 =	simm.s32 $0x2F00;
	s25 =	sld [smem:$0x7FD];
	[sflag:s10] =	ssyncadd.s32 $0xFFFFC000  }
0x939: {  	[spmem:s3] =	stream.indirect.scatter.add.f32 [tilespmem:s8], [sflag:$0x3], $0x80, s26, s7, $0xb8;
	[tilespmem:$0x1F800] =	vst v63  }
0x93a: {  	_ = 	snop  }
0x93b: {  	[tilespmem:s9], [sflag:$0x2] =	stream.indirect.gather [hbm4b:s2+s7], $0x80, s25, s7, $0xb8;
	[tilespmem:$0x1F800] =	vst v63  }
0x93c: {  	_ =	swait.ge [sflag:s11], $0x4000  }
0x93d: {  	[sflag:s11] =	ssyncset.done $0x0  }
0x93e: {  	[sflag:s11] =	ssyncadd.s32 $0xFFFFC000  }
0x93f: {  	_ =	swait.ge [sflag:s12], $0x4000  }
0x940: {  	[sflag:s12] =	ssyncset.done $0x0  }
0x941: {  	[sflag:s12] =	ssyncadd.s32 $0xFFFFC000  }
0x942: {  	[spmem:s3] =	stream.indirect.scatter.add.f32 [tilespmem:s9], [sflag:$0x4], $0x80, s4, s7, $0xb8;
	[tilespmem:$0x1F800] =	vst v63  }
0x943: {  	_ =	swait.ge [sflag:s13], $0x4000  }
0x944: {  	[sflag:s13] =	ssyncset.done $0x0  }
0x945: {  	[sflag:s13] =	ssyncadd.s32 $0xFFFFC000  }
0x946: {  	[bflag:$0x0] =	sbarrier.arrive $0xFFFF  }
0x947: {  	s29 =	sld [smem:$0x7E7]  }
0x948: {  	s30 =	sld [smem:$0x7EA];
	_ =	sdelay $0x1  }
0x949: {  	s28 =	rddreg [dreg:$0xc]  }
0x94a: {  	[hbm:s28], [sflag:s29] =	dma.local [spmem:s30], $0x2800  }
0x94b: {  	_ =	swait.ge [sflag:s14], $0x2800  }
0x94c: {  	[sflag:s14] =	ssyncset.done $0x0  }
0x94d: {  	[sflag:s14] =	ssyncadd.s32 $0xFFFFD800  }
0x94e: {  	_ =	sfence.sel $0x180000  }
0x94f: {  	[bflag:$0x0] =	sbarrier.arrive $0xFFFF  }
0x950: {  	_ =	strace $0x90000047  }
0x951: {  	s31 =	stileid.u32;
	[bflag:$0x2] =	sbarrier.arrive $0xFFFF  }
0x952: {  	p0 =	sne.s32 s31, $0x0;
	s0 =	rddreg [dreg:$0x4]  }
0x953: {  	s0 =	sadd.s32 @!p0 $0x100000, s0  }
0x954: {  	[sflag:s0] =	ssyncadd.tile.s32 @!p0 $0x1;
	_ =	shalt  }
.LBB2_1:
.Ltmp3:
0x955: {  	(pc) =	sbr.rel .LBB2_6-.Ltmp3, $3  }
0x956: {  	_ = 	snop  }
0x957: {  	s1 =	sld [smem:$0x7EA]  }
0x958: {  	s5 =	sld [smem:$0x7E7];
	_ =	sdelay $0x1  }
.LBB2_7:
.Ltmp4:
0x959: {  	(pc) =	sbr.rel .LBB2_6-.Ltmp4, $4  }
0x95a: {  	_ = 	snop  }
0x95b: {  	s1 =	sld [smem:$0x7EA]  }
0x95c: {  	s5 =	sld [smem:$0x7E7];
	s0 =	simm.s32 $0x3000;
	s4 =	simm.s32 $0x2800  }
0x95d: {  	s24 =	simm.s32 $0x5;
	s31 =	simm.s32 $0x6;
	s25 =	simm.s32 $0x0  }
.Lfunc_end2:
_tile_overlayer_lowered:
.L_overlay_start_2:
0x95e: {  	(tag) =	ssettag $0x2  }
0x95f: {  	s0 =	rddreg [dreg:$0x0];
	s2 =	stileid.u32  }
0x960: {  	s1 =	rddreg [dreg:$0x1];
	p0 =	sne.s32 s2, $0x0  }
0x961: {  	s3 =	rddreg [dreg:$0x2];
	[bflag:$0x3] =	sbarrier.arrive $0xFFFF;
	s2 =	simm.s32 @!p0 $0x1C07  }
0x962: {  	[timem:s3], [sflag:s2] =	dma.local @!p0 [hbm:s0], s1  }
0x963: {  	s0 =	simm.s32 @!p0 $0x7  }
0x964: {  	_ =	swait.ge @!p0 [sflag:s0], s1  }
0x965: {  	s1 =	ssub.s32 @!p0 $0x0, s1;
	[sflag:s0] =	ssyncset.done @!p0 $0x0  }
0x966: {  	[sflag:s0] =	ssyncadd.s32 @!p0 s1  }
0x967: {  	[bflag:$0x3] =	sbarrier.arrive $0xFFFF  }
0x968: {  	_ =	shalt  }

</sc_bundles>
